<compile_context>
chip_gen: v7x
topology: tpu7x:2x2x1
jax: 0.10.2.dev20260603
libtpu: 0.0.44.dev20260713+nightly
codegen_flags: <defaults>
</compile_context>

<pallas_src>
import functools

import jax
import jax.numpy as jnp
from jax import lax
from jax.experimental import pallas as pl
from jax.experimental.pallas import tpu as pltpu
from jax.experimental.pallas import tpu_sc as plsc

N = 10000
E = 320000
G = 64
D = 128
DO = 64

NC = 2
NS = 16
K = 128
T = 80
EP = NC * NS * T * K
ECH = EP // K
NP = 10240
RPT = NP // NS

_mesh = plsc.VectorSubcoreMesh(core_axis_name="c", subcore_axis_name="s")



@functools.partial(
    pl.kernel,
    mesh=_mesh,
    out_type=jax.ShapeDtypeStruct((NC, NP, 16), jnp.float32),
    scratch_types=[
        pltpu.VMEM_SHARED((NP, 16), jnp.float32),
        pltpu.VMEM((K, 16), jnp.float32),
        pltpu.VMEM((K,), jnp.int32),
        pltpu.VMEM((K,), jnp.int32),
        pltpu.VMEM((K,), jnp.int32),
        pltpu.VMEM((K,), jnp.int32),
        pltpu.SemaphoreType.DMA,
        pltpu.SemaphoreType.DMA,
        pltpu.SemaphoreType.DMA,
        pltpu.SemaphoreType.DMA,
    ],
)
def _sc_degree(dst_hbm, out_hbm, acc_sh, ones_v,
               dx0, dx1, dx2, dx3, is0, is1, is2, is3):
    c = lax.axis_index("c")
    s = lax.axis_index("s")
    base = (c * NS + s) * T * K
    dxs = (dx0, dx1, dx2, dx3)
    iss = (is0, is1, is2, is3)

    def idx_load(j, slot):
        pltpu.async_copy(dst_hbm.at[pl.ds(base + j * K, K)], dxs[slot],
                         iss[slot])

    def idx_wait(j, slot):
        pltpu.make_async_copy(dst_hbm.at[pl.ds(base + j * K, K)], dxs[slot],
                              iss[slot]).wait()

    @pl.loop(0, K)
    def _(r):
        ones_v[r, :] = jnp.zeros((16,), jnp.float32)

    @pl.loop(0, RPT // K)
    def _(j):
        pltpu.sync_copy(ones_v, acc_sh.at[pl.ds(s * RPT + j * K, K)])

    @pl.loop(0, K)
    def _(r):
        ones_v[r, :] = jnp.ones((16,), jnp.float32)

    plsc.subcore_barrier()

    for j in range(4):
        idx_load(j, j)

    @pl.loop(0, T, step=4)
    def _(i0):
        for u in range(4):
            i = i0 + u
            idx_wait(i, u)
            pltpu.sync_copy(ones_v, acc_sh.at[dxs[u]], add=True)

            @pl.when(i + 4 < T)
            def _():
                idx_load(i + 4, u)

    plsc.subcore_barrier()
    pltpu.sync_copy(acc_sh.at[pl.ds(s * RPT, RPT)],
                    out_hbm.at[c].at[pl.ds(s * RPT, RPT)])


@functools.partial(
    pl.kernel,
    mesh=_mesh,
    out_type=jax.ShapeDtypeStruct((NC, NP, D), jnp.float32),
    scratch_types=(
        [pltpu.VMEM_SHARED((NP, D), jnp.float32)]
        + [pltpu.VMEM((K, D), jnp.float32)] * 2
        + [pltpu.VMEM((K,), jnp.int32)] * 8
        + [pltpu.SemaphoreType.DMA] * 6
    ),
)
def _sc_aggregate(hs_hbm, src_hbm, dst_hbm, out_hbm,
                  acc_sh, rows0, rows1,
                  sx0, sx1, sx2, sx3, dx0, dx1, dx2, dx3,
                  gs0, gs1, is0, is1, is2, is3):
    c = lax.axis_index("c")
    s = lax.axis_index("s")
    base = (c * NS + s) * T * K

    sxs = (sx0, sx1, sx2, sx3)
    dxs = (dx0, dx1, dx2, dx3)
    iss = (is0, is1, is2, is3)
    rbs = (rows0, rows1)
    gss = (gs0, gs1)

    def idx_load(j, slot):
        pltpu.async_copy(src_hbm.at[pl.ds(base + j * K, K)], sxs[slot],
                         iss[slot])
        pltpu.async_copy(dst_hbm.at[pl.ds(base + j * K, K)], dxs[slot],
                         iss[slot])

    def idx_wait(j, slot):
        pltpu.make_async_copy(src_hbm.at[pl.ds(base + j * K, K)], sxs[slot],
                              iss[slot]).wait()
        pltpu.make_async_copy(dst_hbm.at[pl.ds(base + j * K, K)], dxs[slot],
                              iss[slot]).wait()

    @pl.loop(0, K)
    def _(r):
        @pl.loop(0, D // 16)
        def _(j):
            rows0[r, pl.ds(j * 16, 16)] = jnp.zeros((16,), jnp.float32)

    @pl.loop(0, RPT // K)
    def _(j):
        pltpu.sync_copy(rows0, acc_sh.at[pl.ds(s * RPT + j * K, K)])

    plsc.subcore_barrier()

    for j in range(4):
        idx_load(j, j)
    for b in range(2):
        idx_wait(b, b)
        pltpu.async_copy(hs_hbm.at[sxs[b]], rbs[b], gss[b])

    @pl.loop(0, T, step=4)
    def _(i0):
        for u in range(4):
            b = u % 2
            nu = (u + 2) % 4
            i = i0 + u
            pltpu.make_async_copy(hs_hbm.at[sxs[u]], rbs[b], gss[b]).wait()
            pltpu.sync_copy(rbs[b], acc_sh.at[dxs[u]], add=True)

            @pl.when(i + 4 < T)
            def _():
                idx_load(i + 4, u)

            @pl.when(i + 2 < T)
            def _():
                idx_wait(i + 2, nu)
                pltpu.async_copy(hs_hbm.at[sxs[nu]], rbs[b], gss[b])

    plsc.subcore_barrier()
    pltpu.sync_copy(acc_sh.at[pl.ds(s * RPT, RPT)],
                    out_hbm.at[c].at[pl.ds(s * RPT, RPT)])



BLK = 2000
GRID = N // BLK


def _dinv_of(dg_ref):
    deg = dg_ref[0, :, :1] + dg_ref[1, :, :1] + 1.0
    return lax.rsqrt(deg)


def _tc1_body(x_ref, w1_ref, dg_ref, hs_ref):
    dinv = _dinv_of(dg_ref)
    h = jnp.dot(x_ref[...], w1_ref[...], preferred_element_type=jnp.float32)
    hs_ref[...] = h * dinv


def _tc2_body(ag_ref, hs1_ref, dg_ref, b1_ref, w2_ref, hs2_ref):
    dinv = _dinv_of(dg_ref)
    conv1 = dinv * (ag_ref[0] + ag_ref[1] + hs1_ref[...]) + b1_ref[...]
    t = jnp.maximum(conv1, 0.0)
    h2 = jnp.dot(t, w2_ref[...], preferred_element_type=jnp.float32)
    hs2_ref[...] = h2 * dinv


def _tc3_body(ag_ref, hs2_ref, dg_ref, b2_ref, w3_ref,
              b3_ref, batch_ref, out_ref, cnt_ref):
    i = pl.program_id(0)
    dinv = _dinv_of(dg_ref)
    conv2 = dinv * (ag_ref[0] + ag_ref[1] + hs2_ref[...]) + b2_ref[...]
    t = jnp.maximum(conv2, 0.0)
    h3 = jnp.dot(t, w3_ref[...], preferred_element_type=jnp.float32)
    h3 = h3 + b3_ref[...]

    bb = batch_ref[0, 0, :]
    gids = lax.broadcasted_iota(jnp.int32, (BLK, G), 1)
    p = (bb[:, None] == gids).astype(jnp.float32)
    dn = (((0,), (0,)), ((), ()))
    partial = lax.dot_general(p, h3, dn, preferred_element_type=jnp.float32)
    ones_col = jnp.ones((BLK, 1), jnp.float32)
    cnt = lax.dot_general(p, ones_col, dn, preferred_element_type=jnp.float32)

    @pl.when(i == 0)
    def _():
        out_ref[...] = partial
        cnt_ref[...] = cnt

    @pl.when(i > 0)
    def _():
        out_ref[...] += partial
        cnt_ref[...] += cnt

    @pl.when(i == GRID - 1)
    def _():
        out_ref[...] = out_ref[...] / jnp.maximum(cnt_ref[...], 1.0)


def _row_spec(width):
    return pl.BlockSpec((BLK, width), lambda i: (i, 0))


def _pair_spec(width):
    return pl.BlockSpec((NC, BLK, width), lambda i: (0, i, 0))


def _full_spec(shape):
    nd = len(shape)
    return pl.BlockSpec(shape, lambda i: (0,) * nd)


_tc1 = pl.pallas_call(
    _tc1_body,
    grid=(GRID,),
    in_specs=[_row_spec(D), _full_spec((D, D)), _pair_spec(16)],
    out_specs=_row_spec(D),
    out_shape=jax.ShapeDtypeStruct((N, D), jnp.float32),
)

_tc2 = pl.pallas_call(
    _tc2_body,
    grid=(GRID,),
    in_specs=[_pair_spec(D), _row_spec(D), _pair_spec(16),
              _full_spec((1, D)), _full_spec((D, D))],
    out_specs=_row_spec(D),
    out_shape=jax.ShapeDtypeStruct((N, D), jnp.float32),
)

_tc3 = pl.pallas_call(
    _tc3_body,
    grid=(GRID,),
    in_specs=[_pair_spec(D), _row_spec(D), _pair_spec(16),
              _full_spec((1, D)), _full_spec((D, DO)),
              _full_spec((1, DO)),
              pl.BlockSpec((1, 1, BLK), lambda i: (i, 0, 0))],
    out_specs=_full_spec((G, DO)),
    out_shape=jax.ShapeDtypeStruct((G, DO), jnp.float32),
    scratch_shapes=[pltpu.VMEM((G, 1), jnp.float32)],
)


def kernel(x, edge_index, batch, W1, b1, W2, b2, W3, b3):
    pad = EP - E
    src = jnp.concatenate(
        [edge_index[0], jnp.arange(pad, dtype=jnp.int32) % N])
    dst = jnp.concatenate(
        [edge_index[1],
         N + (jnp.arange(pad, dtype=jnp.int32) % (NP - N))])
    b1r = b1.reshape(1, D)
    b2r = b2.reshape(1, D)
    b3r = b3.reshape(1, DO)
    batch3 = batch.reshape(GRID, 1, BLK)

    dg = _sc_degree(dst)

    hs1 = _tc1(x, W1, dg)
    ag1 = _sc_aggregate(hs1, src, dst)
    hs2 = _tc2(ag1, hs1, dg, b1r, W2)
    ag2 = _sc_aggregate(hs2, src, dst)
    out = _tc3(ag2, hs2, dg, b2r, W3, b3r, batch3)
    return out

# --- scband reference (transcript-rebuilt; emitter-appended) ---
"""Pipeline reference for scband-neural-portfolio-gcn-26680336843437 (READ-ONLY COPY).

The authoritative reference and input builder live on the scoring server;
editing this copy changes nothing except your own understanding.
"""

import jax, jax.numpy as jnp
import numpy as np

N_NODES = 10000
N_EDGES = 320000
NUM_GRAPHS = 64
D_IN = 128
D_HID = 128
D_OUT = 64


def setup_inputs(seed: int = 0) -> dict:
    key = jax.random.key(seed)
    ks = jax.random.split(key, 10)
    x = jax.random.normal(ks[0], (N_NODES, D_IN), dtype=jnp.float32)
    edge_index = jax.random.randint(ks[1], (2, N_EDGES), 0, N_NODES, dtype=jnp.int32)
    batch = jnp.sort(jax.random.randint(ks[2], (N_NODES,), 0, NUM_GRAPHS, dtype=jnp.int32))
    # GCNConv layer 1: 128 -> 128
    W1 = jax.random.normal(ks[3], (D_IN, D_HID), dtype=jnp.float32) * (1.0 / np.sqrt(D_IN))
    b1 = jnp.zeros((D_HID,), dtype=jnp.float32)
    # GCNConv layer 2: 128 -> 128
    W2 = jax.random.normal(ks[4], (D_HID, D_HID), dtype=jnp.float32) * (1.0 / np.sqrt(D_HID))
    b2 = jnp.zeros((D_HID,), dtype=jnp.float32)
    # Linear layer: 128 -> 64
    W3 = jax.random.normal(ks[5], (D_HID, D_OUT), dtype=jnp.float32) * (1.0 / np.sqrt(D_HID))
    b3 = jnp.zeros((D_OUT,), dtype=jnp.float32)
    return {"x": x, "edge_index": edge_index, "batch": batch,
            "W1": W1, "b1": b1, "W2": W2, "b2": b2, "W3": W3, "b3": b3}


def _gcn_conv(x, edge_index, W, b, num_nodes):
    # PyG GCNConv: linear transform, symmetric-normalized aggregation with self loops, + bias
    h = x @ W
    src = edge_index[0]
    dst = edge_index[1]
    loop = jnp.arange(num_nodes, dtype=src.dtype)
    src = jnp.concatenate([src, loop])
    dst = jnp.concatenate([dst, loop])
    deg = jnp.zeros((num_nodes,), dtype=h.dtype).at[dst].add(1.0)
    deg_inv_sqrt = jnp.where(deg > 0, jax.lax.rsqrt(jnp.maximum(deg, 1e-12)), 0.0)
    norm = deg_inv_sqrt[src] * deg_inv_sqrt[dst]
    msg = h[src] * norm[:, None]
    out = jnp.zeros_like(h).at[dst].add(msg)
    return out + b


def reference(x, edge_index, batch, W1, b1, W2, b2, W3, b3):
    # conv layers (internal ReLU applied for i != 0)
    h = _gcn_conv(x, edge_index, W1, b1, N_NODES)
    h = jax.nn.relu(h)
    h = _gcn_conv(h, edge_index, W2, b2, N_NODES)
    # linear layers
    h = jax.nn.relu(h)
    h = h @ W3 + b3
    # global_mean_pool over batch assignment
    sums = jax.ops.segment_sum(h, batch, num_segments=NUM_GRAPHS)
    counts = jax.ops.segment_sum(jnp.ones((h.shape[0], 1), dtype=h.dtype), batch, num_segments=NUM_GRAPHS)
    return sums / jnp.maximum(counts, 1.0)

if __name__ == "__main__":
    import jax
    _d = setup_inputs()
    print(jax.jit(kernel)(*tuple(_d.values())))

</pallas_src>

<mosaic_0001>
#map = affine_map<(d0, d1) -> (0, 0)>
#map1 = affine_map<(d0, d1) -> (0)>
#map2 = affine_map<(d0, d1) -> (0, 0, 0)>
module attributes {stable_mosaic.version = 14 : i64} {
  func.func @_sc_aggregate(%arg0: i32, %arg1: i32, %arg2: memref<10000x128xf32, #tpu.memory_space<hbm>>, %arg3: memref<327680xi32, #tpu.memory_space<hbm>>, %arg4: memref<327680xi32, #tpu.memory_space<hbm>>, %arg5: memref<2x10240x128xf32, #tpu.memory_space<hbm>>, %arg6: memref<10240x128xf32, #tpu.memory_space<vmem_shared>>, %arg7: memref<128x128xf32, #tpu.memory_space<vmem>>, %arg8: memref<128x128xf32, #tpu.memory_space<vmem>>, %arg9: memref<128xi32, #tpu.memory_space<vmem>>, %arg10: memref<128xi32, #tpu.memory_space<vmem>>, %arg11: memref<128xi32, #tpu.memory_space<vmem>>, %arg12: memref<128xi32, #tpu.memory_space<vmem>>, %arg13: memref<128xi32, #tpu.memory_space<vmem>>, %arg14: memref<128xi32, #tpu.memory_space<vmem>>, %arg15: memref<128xi32, #tpu.memory_space<vmem>>, %arg16: memref<128xi32, #tpu.memory_space<vmem>>, %arg17: memref<!tpu.dma_semaphore, #tpu.memory_space<semaphore_mem>>, %arg18: memref<!tpu.dma_semaphore, #tpu.memory_space<semaphore_mem>>, %arg19: memref<!tpu.dma_semaphore, #tpu.memory_space<semaphore_mem>>, %arg20: memref<!tpu.dma_semaphore, #tpu.memory_space<semaphore_mem>>, %arg21: memref<!tpu.dma_semaphore, #tpu.memory_space<semaphore_mem>>, %arg22: memref<!tpu.dma_semaphore, #tpu.memory_space<semaphore_mem>>) attributes {dimension_semantics = [#tpu.dimension_semantics<core_parallel>, #tpu.dimension_semantics<subcore_parallel>], iteration_bounds = array<i64: 2, 16>, scalar_prefetch = 0 : i64, scratch_operands = 17 : i64, tpu.core_type = #tpu.core_type<sc_vector_subcore>, window_params = [{transform_indices = #map}, {transform_indices = #map1}, {transform_indices = #map1}, {transform_indices = #map2}]} {
    %mul3A = arith.constant 16 : i32
    %mul3A_0 = arith.muli %arg0, %mul3A : i32
    %add3A = arith.addi %mul3A_0, %arg1 : i32
    %mul3A_1 = arith.constant 80 : i32
    %mul3A_2 = arith.muli %add3A, %mul3A_1 : i32
    %mul3A_3 = arith.constant 128 : i32
    %mul3A_4 = arith.muli %mul3A_2, %mul3A_3 : i32
    %scan3A = arith.constant 0 : i32
    %scan3A_5 = arith.constant 128 : i32
    %scan3A_6 = arith.addi %scan3A, %scan3A_5 : i32
    %scan3A_7 = arith.constant 1 : i32
    scf.for %scan3A_76 = %scan3A to %scan3A_6 step %scan3A_7  : i32 {
      %mul3A_77 = arith.constant 1 : i32
      %mul3A_78 = arith.muli %scan3A_76, %mul3A_77 : i32
      %add3A_79 = arith.constant 0 : i32
      %add3A_80 = arith.addi %add3A_79, %mul3A_78 : i32
      %scan3A_81 = arith.constant 0 : i32
      %scan3A_82 = arith.constant 8 : i32
      %scan3A_83 = arith.addi %scan3A_81, %scan3A_82 : i32
      %scan3A_84 = arith.constant 1 : i32
      scf.for %scan3A_86 = %scan3A_81 to %scan3A_83 step %scan3A_84  : i32 {
        %mul3A_87 = arith.constant 1 : i32
        %mul3A_88 = arith.muli %scan3A_86, %mul3A_87 : i32
        %add3A_89 = arith.constant 0 : i32
        %add3A_90 = arith.addi %add3A_89, %mul3A_88 : i32
        %broadcast_in_dim3A = arith.constant 0.000000e+00 : f32
        %broadcast_in_dim3A_91 = vector.broadcast %broadcast_in_dim3A : f32 to vector<16xf32>
        %mul3A_92 = arith.constant 16 : i32
        %mul3A_93 = arith.muli %add3A_90, %mul3A_92 : i32
        %swap3A = arith.index_cast %add3A_80 : i32 to index
        %swap3A_94 = arith.index_cast %mul3A_93 : i32 to index
        %swap3A_95 = tpu.vector_load %arg7[%swap3A, %swap3A_94] {strides = array<i32>} : memref<128x128xf32, #tpu.memory_space<vmem>>, vector<1x16xf32>,
        %swap3A_96 = vector.shape_cast %swap3A_95 : vector<1x16xf32> to vector<16xf32>
        %swap3A_97 = vector.shape_cast %broadcast_in_dim3A_91 : vector<16xf32> to vector<1x16xf32>
        tpu.vector_store %arg7[%swap3A, %swap3A_94], %swap3A_97 {strides = array<i32>} : memref<128x128xf32, #tpu.memory_space<vmem>>, vector<1x16xf32>,
      }
      %scan3A_85 = arith.constant 8 : i32
    }
    %scan3A_8 = arith.constant 128 : i32
    %scan3A_9 = arith.constant 0 : i32
    %scan3A_10 = arith.constant 5 : i32
    %scan3A_11 = arith.addi %scan3A_9, %scan3A_10 : i32
    %scan3A_12 = arith.constant 1 : i32
    scf.for %scan3A_76 = %scan3A_9 to %scan3A_11 step %scan3A_12  : i32 {
      %mul3A_77 = arith.constant 1 : i32
      %mul3A_78 = arith.muli %scan3A_76, %mul3A_77 : i32
      %add3A_79 = arith.constant 0 : i32
      %add3A_80 = arith.addi %add3A_79, %mul3A_78 : i32
      %mul3A_81 = arith.constant 640 : i32
      %mul3A_82 = arith.muli %arg1, %mul3A_81 : i32
      %mul3A_83 = arith.constant 128 : i32
      %mul3A_84 = arith.muli %add3A_80, %mul3A_83 : i32
      %add3A_85 = arith.addi %mul3A_82, %mul3A_84 : i32
      "tpu.region"() ({
        %run_scoped3A = tpu.sem_alloc : memref<!tpu.dma_semaphore, #tpu.memory_space<semaphore_mem>>
        %dma_start3A_86 = arith.constant 0 : i32
        %dma_start3A_87 = tpu.memref_slice %arg6[%add3A_85, %dma_start3A_86] : memref<10240x128xf32, #tpu.memory_space<vmem_shared>> -> memref<128x128xf32, #tpu.memory_space<vmem_shared>>
        %dma_start3A_88 = arith.constant 0 : i32
        %dma_start3A_89 = tpu.memref_slice %arg6[%add3A_85, %dma_start3A_88] : memref<10240x128xf32, #tpu.memory_space<vmem_shared>> -> memref<128x128xf32, #tpu.memory_space<vmem_shared>>
        tpu.enqueue_dma source(%arg7 : memref<128x128xf32, #tpu.memory_space<vmem>>) target(%dma_start3A_89 : memref<128x128xf32, #tpu.memory_space<vmem_shared>>) target_semaphore(%run_scoped3A : memref<!tpu.dma_semaphore, #tpu.memory_space<semaphore_mem>>)
        %dma_wait3A_90 = arith.constant 0 : i32
        %dma_wait3A_91 = tpu.memref_slice %arg6[%add3A_85, %dma_wait3A_90] : memref<10240x128xf32, #tpu.memory_space<vmem_shared>> -> memref<128x128xf32, #tpu.memory_space<vmem_shared>>
        %dma_wait3A_92 = arith.constant 0 : i32
        %dma_wait3A_93 = tpu.memref_slice %arg6[%add3A_85, %dma_wait3A_92] : memref<10240x128xf32, #tpu.memory_space<vmem_shared>> -> memref<128x128xf32, #tpu.memory_space<vmem_shared>>
        tpu.wait_dma2 semaphore(%run_scoped3A : memref<!tpu.dma_semaphore, #tpu.memory_space<semaphore_mem>>) src(%arg7 : memref<128x128xf32, #tpu.memory_space<vmem>>) dst(%dma_wait3A_93 : memref<128x128xf32, #tpu.memory_space<vmem_shared>>)
        tpu.yield
      }) : () -> ()
    }
    %scan3A_13 = arith.constant 5 : i32
    %barrier3A = arith.constant 0 : index
    tpu.barrier barrier_id(%barrier3A)
    %add3A_14 = arith.constant 0 : i32
    %add3A_15 = arith.addi %mul3A_4, %add3A_14 : i32
    %dma_start3A = tpu.memref_slice %arg3[%add3A_15] : memref<327680xi32, #tpu.memory_space<hbm>> -> memref<128xi32, #tpu.memory_space<hbm>>
    %dma_start3A_16 = tpu.memref_slice %arg3[%add3A_15] : memref<327680xi32, #tpu.memory_space<hbm>> -> memref<128xi32, #tpu.memory_space<hbm>>
    tpu.enqueue_dma source(%dma_start3A_16 : memref<128xi32, #tpu.memory_space<hbm>>) target(%arg9 : memref<128xi32, #tpu.memory_space<vmem>>) target_semaphore(%arg19 : memref<!tpu.dma_semaphore, #tpu.memory_space<semaphore_mem>>)
    %add3A_17 = arith.constant 0 : i32
    %add3A_18 = arith.addi %mul3A_4, %add3A_17 : i32
    %dma_start3A_19 = tpu.memref_slice %arg4[%add3A_18] : memref<327680xi32, #tpu.memory_space<hbm>> -> memref<128xi32, #tpu.memory_space<hbm>>
    %dma_start3A_20 = tpu.memref_slice %arg4[%add3A_18] : memref<327680xi32, #tpu.memory_space<hbm>> -> memref<128xi32, #tpu.memory_space<hbm>>
    tpu.enqueue_dma source(%dma_start3A_20 : memref<128xi32, #tpu.memory_space<hbm>>) target(%arg13 : memref<128xi32, #tpu.memory_space<vmem>>) target_semaphore(%arg19 : memref<!tpu.dma_semaphore, #tpu.memory_space<semaphore_mem>>)
    %add3A_21 = arith.constant 128 : i32
    %add3A_22 = arith.addi %mul3A_4, %add3A_21 : i32
    %dma_start3A_23 = tpu.memref_slice %arg3[%add3A_22] : memref<327680xi32, #tpu.memory_space<hbm>> -> memref<128xi32, #tpu.memory_space<hbm>>
    %dma_start3A_24 = tpu.memref_slice %arg3[%add3A_22] : memref<327680xi32, #tpu.memory_space<hbm>> -> memref<128xi32, #tpu.memory_space<hbm>>
    tpu.enqueue_dma source(%dma_start3A_24 : memref<128xi32, #tpu.memory_space<hbm>>) target(%arg10 : memref<128xi32, #tpu.memory_space<vmem>>) target_semaphore(%arg20 : memref<!tpu.dma_semaphore, #tpu.memory_space<semaphore_mem>>)
    %add3A_25 = arith.constant 128 : i32
    %add3A_26 = arith.addi %mul3A_4, %add3A_25 : i32
    %dma_start3A_27 = tpu.memref_slice %arg4[%add3A_26] : memref<327680xi32, #tpu.memory_space<hbm>> -> memref<128xi32, #tpu.memory_space<hbm>>
    %dma_start3A_28 = tpu.memref_slice %arg4[%add3A_26] : memref<327680xi32, #tpu.memory_space<hbm>> -> memref<128xi32, #tpu.memory_space<hbm>>
    tpu.enqueue_dma source(%dma_start3A_28 : memref<128xi32, #tpu.memory_space<hbm>>) target(%arg14 : memref<128xi32, #tpu.memory_space<vmem>>) target_semaphore(%arg20 : memref<!tpu.dma_semaphore, #tpu.memory_space<semaphore_mem>>)
    %add3A_29 = arith.constant 256 : i32
    %add3A_30 = arith.addi %mul3A_4, %add3A_29 : i32
    %dma_start3A_31 = tpu.memref_slice %arg3[%add3A_30] : memref<327680xi32, #tpu.memory_space<hbm>> -> memref<128xi32, #tpu.memory_space<hbm>>
    %dma_start3A_32 = tpu.memref_slice %arg3[%add3A_30] : memref<327680xi32, #tpu.memory_space<hbm>> -> memref<128xi32, #tpu.memory_space<hbm>>
    tpu.enqueue_dma source(%dma_start3A_32 : memref<128xi32, #tpu.memory_space<hbm>>) target(%arg11 : memref<128xi32, #tpu.memory_space<vmem>>) target_semaphore(%arg21 : memref<!tpu.dma_semaphore, #tpu.memory_space<semaphore_mem>>)
    %add3A_33 = arith.constant 256 : i32
    %add3A_34 = arith.addi %mul3A_4, %add3A_33 : i32
    %dma_start3A_35 = tpu.memref_slice %arg4[%add3A_34] : memref<327680xi32, #tpu.memory_space<hbm>> -> memref<128xi32, #tpu.memory_space<hbm>>
    %dma_start3A_36 = tpu.memref_slice %arg4[%add3A_34] : memref<327680xi32, #tpu.memory_space<hbm>> -> memref<128xi32, #tpu.memory_space<hbm>>
    tpu.enqueue_dma source(%dma_start3A_36 : memref<128xi32, #tpu.memory_space<hbm>>) target(%arg15 : memref<128xi32, #tpu.memory_space<vmem>>) target_semaphore(%arg21 : memref<!tpu.dma_semaphore, #tpu.memory_space<semaphore_mem>>)
    %add3A_37 = arith.constant 384 : i32
    %add3A_38 = arith.addi %mul3A_4, %add3A_37 : i32
    %dma_start3A_39 = tpu.memref_slice %arg3[%add3A_38] : memref<327680xi32, #tpu.memory_space<hbm>> -> memref<128xi32, #tpu.memory_space<hbm>>
    %dma_start3A_40 = tpu.memref_slice %arg3[%add3A_38] : memref<327680xi32, #tpu.memory_space<hbm>> -> memref<128xi32, #tpu.memory_space<hbm>>
    tpu.enqueue_dma source(%dma_start3A_40 : memref<128xi32, #tpu.memory_space<hbm>>) target(%arg12 : memref<128xi32, #tpu.memory_space<vmem>>) target_semaphore(%arg22 : memref<!tpu.dma_semaphore, #tpu.memory_space<semaphore_mem>>)
    %add3A_41 = arith.constant 384 : i32
    %add3A_42 = arith.addi %mul3A_4, %add3A_41 : i32
    %dma_start3A_43 = tpu.memref_slice %arg4[%add3A_42] : memref<327680xi32, #tpu.memory_space<hbm>> -> memref<128xi32, #tpu.memory_space<hbm>>
    %dma_start3A_44 = tpu.memref_slice %arg4[%add3A_42] : memref<327680xi32, #tpu.memory_space<hbm>> -> memref<128xi32, #tpu.memory_space<hbm>>
    tpu.enqueue_dma source(%dma_start3A_44 : memref<128xi32, #tpu.memory_space<hbm>>) target(%arg16 : memref<128xi32, #tpu.memory_space<vmem>>) target_semaphore(%arg22 : memref<!tpu.dma_semaphore, #tpu.memory_space<semaphore_mem>>)
    %add3A_45 = arith.constant 0 : i32
    %add3A_46 = arith.addi %mul3A_4, %add3A_45 : i32
    %dma_wait3A = tpu.memref_slice %arg3[%add3A_46] : memref<327680xi32, #tpu.memory_space<hbm>> -> memref<128xi32, #tpu.memory_space<hbm>>
    %dma_wait3A_47 = tpu.memref_slice %arg3[%add3A_46] : memref<327680xi32, #tpu.memory_space<hbm>> -> memref<128xi32, #tpu.memory_space<hbm>>
    tpu.wait_dma2 semaphore(%arg19 : memref<!tpu.dma_semaphore, #tpu.memory_space<semaphore_mem>>) src(%dma_wait3A_47 : memref<128xi32, #tpu.memory_space<hbm>>) dst(%arg9 : memref<128xi32, #tpu.memory_space<vmem>>)
    %add3A_48 = arith.constant 0 : i32
    %add3A_49 = arith.addi %mul3A_4, %add3A_48 : i32
    %dma_wait3A_50 = tpu.memref_slice %arg4[%add3A_49] : memref<327680xi32, #tpu.memory_space<hbm>> -> memref<128xi32, #tpu.memory_space<hbm>>
    %dma_wait3A_51 = tpu.memref_slice %arg4[%add3A_49] : memref<327680xi32, #tpu.memory_space<hbm>> -> memref<128xi32, #tpu.memory_space<hbm>>
    tpu.wait_dma2 semaphore(%arg19 : memref<!tpu.dma_semaphore, #tpu.memory_space<semaphore_mem>>) src(%dma_wait3A_51 : memref<128xi32, #tpu.memory_space<hbm>>) dst(%arg13 : memref<128xi32, #tpu.memory_space<vmem>>)
    %dma_start3A_52 = arith.constant 0 : i32
    %dma_start3A_53 = arith.constant 0 : i32
    %dma_start3A_54 = tpu.memref_slice %arg2[%dma_start3A_52, %dma_start3A_53] : memref<10000x128xf32, #tpu.memory_space<hbm>> -> memref<10000x128xf32, #tpu.memory_space<hbm>>
    tpu.enqueue_indirect_dma source(%dma_start3A_54 : memref<10000x128xf32, #tpu.memory_space<hbm>>) target(%arg7 : memref<128x128xf32, #tpu.memory_space<vmem>>) offsets(%arg9 : memref<128xi32, #tpu.memory_space<vmem>>) semaphore(%arg17 : memref<!tpu.dma_semaphore, #tpu.memory_space<semaphore_mem>>)
    %add3A_55 = arith.constant 128 : i32
    %add3A_56 = arith.addi %mul3A_4, %add3A_55 : i32
    %dma_wait3A_57 = tpu.memref_slice %arg3[%add3A_56] : memref<327680xi32, #tpu.memory_space<hbm>> -> memref<128xi32, #tpu.memory_space<hbm>>
    %dma_wait3A_58 = tpu.memref_slice %arg3[%add3A_56] : memref<327680xi32, #tpu.memory_space<hbm>> -> memref<128xi32, #tpu.memory_space<hbm>>
    tpu.wait_dma2 semaphore(%arg20 : memref<!tpu.dma_semaphore, #tpu.memory_space<semaphore_mem>>) src(%dma_wait3A_58 : memref<128xi32, #tpu.memory_space<hbm>>) dst(%arg10 : memref<128xi32, #tpu.memory_space<vmem>>)
    %add3A_59 = arith.constant 128 : i32
    %add3A_60 = arith.addi %mul3A_4, %add3A_59 : i32
    %dma_wait3A_61 = tpu.memref_slice %arg4[%add3A_60] : memref<327680xi32, #tpu.memory_space<hbm>> -> memref<128xi32, #tpu.memory_space<hbm>>
    %dma_wait3A_62 = tpu.memref_slice %arg4[%add3A_60] : memref<327680xi32, #tpu.memory_space<hbm>> -> memref<128xi32, #tpu.memory_space<hbm>>
    tpu.wait_dma2 semaphore(%arg20 : memref<!tpu.dma_semaphore, #tpu.memory_space<semaphore_mem>>) src(%dma_wait3A_62 : memref<128xi32, #tpu.memory_space<hbm>>) dst(%arg14 : memref<128xi32, #tpu.memory_space<vmem>>)
    %dma_start3A_63 = arith.constant 0 : i32
    %dma_start3A_64 = arith.constant 0 : i32
    %dma_start3A_65 = tpu.memref_slice %arg2[%dma_start3A_63, %dma_start3A_64] : memref<10000x128xf32, #tpu.memory_space<hbm>> -> memref<10000x128xf32, #tpu.memory_space<hbm>>
    tpu.enqueue_indirect_dma source(%dma_start3A_65 : memref<10000x128xf32, #tpu.memory_space<hbm>>) target(%arg8 : memref<128x128xf32, #tpu.memory_space<vmem>>) offsets(%arg10 : memref<128xi32, #tpu.memory_space<vmem>>) semaphore(%arg18 : memref<!tpu.dma_semaphore, #tpu.memory_space<semaphore_mem>>)
    %scan3A_66 = arith.constant 0 : i32
    %scan3A_67 = arith.constant 20 : i32
    %scan3A_68 = arith.addi %scan3A_66, %scan3A_67 : i32
    %scan3A_69 = arith.constant 1 : i32
    scf.for %scan3A_76 = %scan3A_66 to %scan3A_68 step %scan3A_69  : i32 {
      %mul3A_77 = arith.constant 4 : i32
      %mul3A_78 = arith.muli %scan3A_76, %mul3A_77 : i32
      %add3A_79 = arith.constant 0 : i32
      %add3A_80 = arith.addi %add3A_79, %mul3A_78 : i32
      %add3A_81 = arith.constant 0 : i32
      %add3A_82 = arith.addi %add3A_80, %add3A_81 : i32
      %dma_wait3A_83 = arith.constant 0 : i32
      %dma_wait3A_84 = arith.constant 0 : i32
      %dma_wait3A_85 = tpu.memref_slice %arg2[%dma_wait3A_83, %dma_wait3A_84] : memref<10000x128xf32, #tpu.memory_space<hbm>> -> memref<10000x128xf32, #tpu.memory_space<hbm>>
      tpu.wait_indirect_dma semaphore(%arg17 : memref<!tpu.dma_semaphore, #tpu.memory_space<semaphore_mem>>) src(%dma_wait3A_85 : memref<10000x128xf32, #tpu.memory_space<hbm>>) dst(%arg7 : memref<128x128xf32, #tpu.memory_space<vmem>>)
      "tpu.region"() ({
        %run_scoped3A = tpu.sem_alloc : memref<!tpu.dma_semaphore, #tpu.memory_space<semaphore_mem>>
        %dma_start3A_154 = arith.constant 0 : i32
        %dma_start3A_155 = arith.constant 0 : i32
        %dma_start3A_156 = tpu.memref_slice %arg6[%dma_start3A_154, %dma_start3A_155] : memref<10240x128xf32, #tpu.memory_space<vmem_shared>> -> memref<10240x128xf32, #tpu.memory_space<vmem_shared>>
        tpu.enqueue_indirect_dma source(%arg7 : memref<128x128xf32, #tpu.memory_space<vmem>>) target(%dma_start3A_156 : memref<10240x128xf32, #tpu.memory_space<vmem_shared>>) offsets(%arg13 : memref<128xi32, #tpu.memory_space<vmem>>) semaphore(%run_scoped3A : memref<!tpu.dma_semaphore, #tpu.memory_space<semaphore_mem>>) {add = true}
        %dma_wait3A_157 = arith.constant 0 : i32
        %dma_wait3A_158 = arith.constant 0 : i32
        %dma_wait3A_159 = tpu.memref_slice %arg6[%dma_wait3A_157, %dma_wait3A_158] : memref<10240x128xf32, #tpu.memory_space<vmem_shared>> -> memref<10240x128xf32, #tpu.memory_space<vmem_shared>>
        tpu.wait_indirect_dma semaphore(%run_scoped3A : memref<!tpu.dma_semaphore, #tpu.memory_space<semaphore_mem>>) src(%arg7 : memref<128x128xf32, #tpu.memory_space<vmem>>) dst(%dma_wait3A_159 : memref<10240x128xf32, #tpu.memory_space<vmem_shared>>)
        tpu.yield
      }) : () -> ()
      %add3A_86 = arith.constant 4 : i32
      %add3A_87 = arith.addi %add3A_82, %add3A_86 : i32
      %lt3A = arith.constant 80 : i32
      %lt3A_88 = arith.cmpi slt, %add3A_87, %lt3A : i32
      %convert_element_type3A = arith.extui %lt3A_88 : i1 to i32
      %cond3A = arith.constant 0 : i32
      %cond3A_89 = arith.cmpi ne, %convert_element_type3A, %cond3A : i32
      scf.if %cond3A_89 {
        %add3A_154 = arith.constant 4 : i32
        %add3A_155 = arith.addi %add3A_82, %add3A_154 : i32
        %mul3A_156 = arith.constant 128 : i32
        %mul3A_157 = arith.muli %add3A_155, %mul3A_156 : i32
        %add3A_158 = arith.addi %mul3A_4, %mul3A_157 : i32
        %dma_start3A_159 = tpu.memref_slice %arg3[%add3A_158] : memref<327680xi32, #tpu.memory_space<hbm>> -> memref<128xi32, #tpu.memory_space<hbm>>
        %dma_start3A_160 = tpu.memref_slice %arg3[%add3A_158] : memref<327680xi32, #tpu.memory_space<hbm>> -> memref<128xi32, #tpu.memory_space<hbm>>
        tpu.enqueue_dma source(%dma_start3A_160 : memref<128xi32, #tpu.memory_space<hbm>>) target(%arg9 : memref<128xi32, #tpu.memory_space<vmem>>) target_semaphore(%arg19 : memref<!tpu.dma_semaphore, #tpu.memory_space<semaphore_mem>>)
        %mul3A_161 = arith.constant 128 : i32
        %mul3A_162 = arith.muli %add3A_155, %mul3A_161 : i32
        %add3A_163 = arith.addi %mul3A_4, %mul3A_162 : i32
        %dma_start3A_164 = tpu.memref_slice %arg4[%add3A_163] : memref<327680xi32, #tpu.memory_space<hbm>> -> memref<128xi32, #tpu.memory_space<hbm>>
        %dma_start3A_165 = tpu.memref_slice %arg4[%add3A_163] : memref<327680xi32, #tpu.memory_space<hbm>> -> memref<128xi32, #tpu.memory_space<hbm>>
        tpu.enqueue_dma source(%dma_start3A_165 : memref<128xi32, #tpu.memory_space<hbm>>) target(%arg13 : memref<128xi32, #tpu.memory_space<vmem>>) target_semaphore(%arg19 : memref<!tpu.dma_semaphore, #tpu.memory_space<semaphore_mem>>)
      } else {
      }
      %add3A_90 = arith.constant 2 : i32
      %add3A_91 = arith.addi %add3A_82, %add3A_90 : i32
      %lt3A_92 = arith.constant 80 : i32
      %lt3A_93 = arith.cmpi slt, %add3A_91, %lt3A_92 : i32
      %convert_element_type3A_94 = arith.extui %lt3A_93 : i1 to i32
      %cond3A_95 = arith.constant 0 : i32
      %cond3A_96 = arith.cmpi ne, %convert_element_type3A_94, %cond3A_95 : i32
      scf.if %cond3A_96 {
        %add3A_154 = arith.constant 2 : i32
        %add3A_155 = arith.addi %add3A_82, %add3A_154 : i32
        %mul3A_156 = arith.constant 128 : i32
        %mul3A_157 = arith.muli %add3A_155, %mul3A_156 : i32
        %add3A_158 = arith.addi %mul3A_4, %mul3A_157 : i32
        %dma_wait3A_159 = tpu.memref_slice %arg3[%add3A_158] : memref<327680xi32, #tpu.memory_space<hbm>> -> memref<128xi32, #tpu.memory_space<hbm>>
        %dma_wait3A_160 = tpu.memref_slice %arg3[%add3A_158] : memref<327680xi32, #tpu.memory_space<hbm>> -> memref<128xi32, #tpu.memory_space<hbm>>
        tpu.wait_dma2 semaphore(%arg21 : memref<!tpu.dma_semaphore, #tpu.memory_space<semaphore_mem>>) src(%dma_wait3A_160 : memref<128xi32, #tpu.memory_space<hbm>>) dst(%arg11 : memref<128xi32, #tpu.memory_space<vmem>>)
        %mul3A_161 = arith.constant 128 : i32
        %mul3A_162 = arith.muli %add3A_155, %mul3A_161 : i32
        %add3A_163 = arith.addi %mul3A_4, %mul3A_162 : i32
        %dma_wait3A_164 = tpu.memref_slice %arg4[%add3A_163] : memref<327680xi32, #tpu.memory_space<hbm>> -> memref<128xi32, #tpu.memory_space<hbm>>
        %dma_wait3A_165 = tpu.memref_slice %arg4[%add3A_163] : memref<327680xi32, #tpu.memory_space<hbm>> -> memref<128xi32, #tpu.memory_space<hbm>>
        tpu.wait_dma2 semaphore(%arg21 : memref<!tpu.dma_semaphore, #tpu.memory_space<semaphore_mem>>) src(%dma_wait3A_165 : memref<128xi32, #tpu.memory_space<hbm>>) dst(%arg15 : memref<128xi32, #tpu.memory_space<vmem>>)
        %dma_start3A_166 = arith.constant 0 : i32
        %dma_start3A_167 = arith.constant 0 : i32
        %dma_start3A_168 = tpu.memref_slice %arg2[%dma_start3A_166, %dma_start3A_167] : memref<10000x128xf32, #tpu.memory_space<hbm>> -> memref<10000x128xf32, #tpu.memory_space<hbm>>
        tpu.enqueue_indirect_dma source(%dma_start3A_168 : memref<10000x128xf32, #tpu.memory_space<hbm>>) target(%arg7 : memref<128x128xf32, #tpu.memory_space<vmem>>) offsets(%arg11 : memref<128xi32, #tpu.memory_space<vmem>>) semaphore(%arg17 : memref<!tpu.dma_semaphore, #tpu.memory_space<semaphore_mem>>)
      } else {
      }
      %add3A_97 = arith.constant 1 : i32
      %add3A_98 = arith.addi %add3A_80, %add3A_97 : i32
      %dma_wait3A_99 = arith.constant 0 : i32
      %dma_wait3A_100 = arith.constant 0 : i32
      %dma_wait3A_101 = tpu.memref_slice %arg2[%dma_wait3A_99, %dma_wait3A_100] : memref<10000x128xf32, #tpu.memory_space<hbm>> -> memref<10000x128xf32, #tpu.memory_space<hbm>>
      tpu.wait_indirect_dma semaphore(%arg18 : memref<!tpu.dma_semaphore, #tpu.memory_space<semaphore_mem>>) src(%dma_wait3A_101 : memref<10000x128xf32, #tpu.memory_space<hbm>>) dst(%arg8 : memref<128x128xf32, #tpu.memory_space<vmem>>)
      "tpu.region"() ({
        %run_scoped3A = tpu.sem_alloc : memref<!tpu.dma_semaphore, #tpu.memory_space<semaphore_mem>>
        %dma_start3A_154 = arith.constant 0 : i32
        %dma_start3A_155 = arith.constant 0 : i32
        %dma_start3A_156 = tpu.memref_slice %arg6[%dma_start3A_154, %dma_start3A_155] : memref<10240x128xf32, #tpu.memory_space<vmem_shared>> -> memref<10240x128xf32, #tpu.memory_space<vmem_shared>>
        tpu.enqueue_indirect_dma source(%arg8 : memref<128x128xf32, #tpu.memory_space<vmem>>) target(%dma_start3A_156 : memref<10240x128xf32, #tpu.memory_space<vmem_shared>>) offsets(%arg14 : memref<128xi32, #tpu.memory_space<vmem>>) semaphore(%run_scoped3A : memref<!tpu.dma_semaphore, #tpu.memory_space<semaphore_mem>>) {add = true}
        %dma_wait3A_157 = arith.constant 0 : i32
        %dma_wait3A_158 = arith.constant 0 : i32
        %dma_wait3A_159 = tpu.memref_slice %arg6[%dma_wait3A_157, %dma_wait3A_158] : memref<10240x128xf32, #tpu.memory_space<vmem_shared>> -> memref<10240x128xf32, #tpu.memory_space<vmem_shared>>
        tpu.wait_indirect_dma semaphore(%run_scoped3A : memref<!tpu.dma_semaphore, #tpu.memory_space<semaphore_mem>>) src(%arg8 : memref<128x128xf32, #tpu.memory_space<vmem>>) dst(%dma_wait3A_159 : memref<10240x128xf32, #tpu.memory_space<vmem_shared>>)
        tpu.yield
      }) : () -> ()
      %add3A_102 = arith.constant 4 : i32
      %add3A_103 = arith.addi %add3A_98, %add3A_102 : i32
      %lt3A_104 = arith.constant 80 : i32
      %lt3A_105 = arith.cmpi slt, %add3A_103, %lt3A_104 : i32
      %convert_element_type3A_106 = arith.extui %lt3A_105 : i1 to i32
      %cond3A_107 = arith.constant 0 : i32
      %cond3A_108 = arith.cmpi ne, %convert_element_type3A_106, %cond3A_107 : i32
      scf.if %cond3A_108 {
        %add3A_154 = arith.constant 4 : i32
        %add3A_155 = arith.addi %add3A_98, %add3A_154 : i32
        %mul3A_156 = arith.constant 128 : i32
        %mul3A_157 = arith.muli %add3A_155, %mul3A_156 : i32
        %add3A_158 = arith.addi %mul3A_4, %mul3A_157 : i32
        %dma_start3A_159 = tpu.memref_slice %arg3[%add3A_158] : memref<327680xi32, #tpu.memory_space<hbm>> -> memref<128xi32, #tpu.memory_space<hbm>>
        %dma_start3A_160 = tpu.memref_slice %arg3[%add3A_158] : memref<327680xi32, #tpu.memory_space<hbm>> -> memref<128xi32, #tpu.memory_space<hbm>>
        tpu.enqueue_dma source(%dma_start3A_160 : memref<128xi32, #tpu.memory_space<hbm>>) target(%arg10 : memref<128xi32, #tpu.memory_space<vmem>>) target_semaphore(%arg20 : memref<!tpu.dma_semaphore, #tpu.memory_space<semaphore_mem>>)
        %mul3A_161 = arith.constant 128 : i32
        %mul3A_162 = arith.muli %add3A_155, %mul3A_161 : i32
        %add3A_163 = arith.addi %mul3A_4, %mul3A_162 : i32
        %dma_start3A_164 = tpu.memref_slice %arg4[%add3A_163] : memref<327680xi32, #tpu.memory_space<hbm>> -> memref<128xi32, #tpu.memory_space<hbm>>
        %dma_start3A_165 = tpu.memref_slice %arg4[%add3A_163] : memref<327680xi32, #tpu.memory_space<hbm>> -> memref<128xi32, #tpu.memory_space<hbm>>
        tpu.enqueue_dma source(%dma_start3A_165 : memref<128xi32, #tpu.memory_space<hbm>>) target(%arg14 : memref<128xi32, #tpu.memory_space<vmem>>) target_semaphore(%arg20 : memref<!tpu.dma_semaphore, #tpu.memory_space<semaphore_mem>>)
      } else {
      }
      %add3A_109 = arith.constant 2 : i32
      %add3A_110 = arith.addi %add3A_98, %add3A_109 : i32
      %lt3A_111 = arith.constant 80 : i32
      %lt3A_112 = arith.cmpi slt, %add3A_110, %lt3A_111 : i32
      %convert_element_type3A_113 = arith.extui %lt3A_112 : i1 to i32
      %cond3A_114 = arith.constant 0 : i32
      %cond3A_115 = arith.cmpi ne, %convert_element_type3A_113, %cond3A_114 : i32
      scf.if %cond3A_115 {
        %add3A_154 = arith.constant 2 : i32
        %add3A_155 = arith.addi %add3A_98, %add3A_154 : i32
        %mul3A_156 = arith.constant 128 : i32
        %mul3A_157 = arith.muli %add3A_155, %mul3A_156 : i32
        %add3A_158 = arith.addi %mul3A_4, %mul3A_157 : i32
        %dma_wait3A_159 = tpu.memref_slice %arg3[%add3A_158] : memref<327680xi32, #tpu.memory_space<hbm>> -> memref<128xi32, #tpu.memory_space<hbm>>
        %dma_wait3A_160 = tpu.memref_slice %arg3[%add3A_158] : memref<327680xi32, #tpu.memory_space<hbm>> -> memref<128xi32, #tpu.memory_space<hbm>>
        tpu.wait_dma2 semaphore(%arg22 : memref<!tpu.dma_semaphore, #tpu.memory_space<semaphore_mem>>) src(%dma_wait3A_160 : memref<128xi32, #tpu.memory_space<hbm>>) dst(%arg12 : memref<128xi32, #tpu.memory_space<vmem>>)
        %mul3A_161 = arith.constant 128 : i32
        %mul3A_162 = arith.muli %add3A_155, %mul3A_161 : i32
        %add3A_163 = arith.addi %mul3A_4, %mul3A_162 : i32
        %dma_wait3A_164 = tpu.memref_slice %arg4[%add3A_163] : memref<327680xi32, #tpu.memory_space<hbm>> -> memref<128xi32, #tpu.memory_space<hbm>>
        %dma_wait3A_165 = tpu.memref_slice %arg4[%add3A_163] : memref<327680xi32, #tpu.memory_space<hbm>> -> memref<128xi32, #tpu.memory_space<hbm>>
        tpu.wait_dma2 semaphore(%arg22 : memref<!tpu.dma_semaphore, #tpu.memory_space<semaphore_mem>>) src(%dma_wait3A_165 : memref<128xi32, #tpu.memory_space<hbm>>) dst(%arg16 : memref<128xi32, #tpu.memory_space<vmem>>)
        %dma_start3A_166 = arith.constant 0 : i32
        %dma_start3A_167 = arith.constant 0 : i32
        %dma_start3A_168 = tpu.memref_slice %arg2[%dma_start3A_166, %dma_start3A_167] : memref<10000x128xf32, #tpu.memory_space<hbm>> -> memref<10000x128xf32, #tpu.memory_space<hbm>>
        tpu.enqueue_indirect_dma source(%dma_start3A_168 : memref<10000x128xf32, #tpu.memory_space<hbm>>) target(%arg8 : memref<128x128xf32, #tpu.memory_space<vmem>>) offsets(%arg12 : memref<128xi32, #tpu.memory_space<vmem>>) semaphore(%arg18 : memref<!tpu.dma_semaphore, #tpu.memory_space<semaphore_mem>>)
      } else {
      }
      %add3A_116 = arith.constant 2 : i32
      %add3A_117 = arith.addi %add3A_80, %add3A_116 : i32
      %dma_wait3A_118 = arith.constant 0 : i32
      %dma_wait3A_119 = arith.constant 0 : i32
      %dma_wait3A_120 = tpu.memref_slice %arg2[%dma_wait3A_118, %dma_wait3A_119] : memref<10000x128xf32, #tpu.memory_space<hbm>> -> memref<10000x128xf32, #tpu.memory_space<hbm>>
      tpu.wait_indirect_dma semaphore(%arg17 : memref<!tpu.dma_semaphore, #tpu.memory_space<semaphore_mem>>) src(%dma_wait3A_120 : memref<10000x128xf32, #tpu.memory_space<hbm>>) dst(%arg7 : memref<128x128xf32, #tpu.memory_space<vmem>>)
      "tpu.region"() ({
        %run_scoped3A = tpu.sem_alloc : memref<!tpu.dma_semaphore, #tpu.memory_space<semaphore_mem>>
        %dma_start3A_154 = arith.constant 0 : i32
        %dma_start3A_155 = arith.constant 0 : i32
        %dma_start3A_156 = tpu.memref_slice %arg6[%dma_start3A_154, %dma_start3A_155] : memref<10240x128xf32, #tpu.memory_space<vmem_shared>> -> memref<10240x128xf32, #tpu.memory_space<vmem_shared>>
        tpu.enqueue_indirect_dma source(%arg7 : memref<128x128xf32, #tpu.memory_space<vmem>>) target(%dma_start3A_156 : memref<10240x128xf32, #tpu.memory_space<vmem_shared>>) offsets(%arg15 : memref<128xi32, #tpu.memory_space<vmem>>) semaphore(%run_scoped3A : memref<!tpu.dma_semaphore, #tpu.memory_space<semaphore_mem>>) {add = true}
        %dma_wait3A_157 = arith.constant 0 : i32
        %dma_wait3A_158 = arith.constant 0 : i32
        %dma_wait3A_159 = tpu.memref_slice %arg6[%dma_wait3A_157, %dma_wait3A_158] : memref<10240x128xf32, #tpu.memory_space<vmem_shared>> -> memref<10240x128xf32, #tpu.memory_space<vmem_shared>>
        tpu.wait_indirect_dma semaphore(%run_scoped3A : memref<!tpu.dma_semaphore, #tpu.memory_space<semaphore_mem>>) src(%arg7 : memref<128x128xf32, #tpu.memory_space<vmem>>) dst(%dma_wait3A_159 : memref<10240x128xf32, #tpu.memory_space<vmem_shared>>)
        tpu.yield
      }) : () -> ()
      %add3A_121 = arith.constant 4 : i32
      %add3A_122 = arith.addi %add3A_117, %add3A_121 : i32
      %lt3A_123 = arith.constant 80 : i32
      %lt3A_124 = arith.cmpi slt, %add3A_122, %lt3A_123 : i32
      %convert_element_type3A_125 = arith.extui %lt3A_124 : i1 to i32
      %cond3A_126 = arith.constant 0 : i32
      %cond3A_127 = arith.cmpi ne, %convert_element_type3A_125, %cond3A_126 : i32
      scf.if %cond3A_127 {
        %add3A_154 = arith.constant 4 : i32
        %add3A_155 = arith.addi %add3A_117, %add3A_154 : i32
        %mul3A_156 = arith.constant 128 : i32
        %mul3A_157 = arith.muli %add3A_155, %mul3A_156 : i32
        %add3A_158 = arith.addi %mul3A_4, %mul3A_157 : i32
        %dma_start3A_159 = tpu.memref_slice %arg3[%add3A_158] : memref<327680xi32, #tpu.memory_space<hbm>> -> memref<128xi32, #tpu.memory_space<hbm>>
        %dma_start3A_160 = tpu.memref_slice %arg3[%add3A_158] : memref<327680xi32, #tpu.memory_space<hbm>> -> memref<128xi32, #tpu.memory_space<hbm>>
        tpu.enqueue_dma source(%dma_start3A_160 : memref<128xi32, #tpu.memory_space<hbm>>) target(%arg11 : memref<128xi32, #tpu.memory_space<vmem>>) target_semaphore(%arg21 : memref<!tpu.dma_semaphore, #tpu.memory_space<semaphore_mem>>)
        %mul3A_161 = arith.constant 128 : i32
        %mul3A_162 = arith.muli %add3A_155, %mul3A_161 : i32
        %add3A_163 = arith.addi %mul3A_4, %mul3A_162 : i32
        %dma_start3A_164 = tpu.memref_slice %arg4[%add3A_163] : memref<327680xi32, #tpu.memory_space<hbm>> -> memref<128xi32, #tpu.memory_space<hbm>>
        %dma_start3A_165 = tpu.memref_slice %arg4[%add3A_163] : memref<327680xi32, #tpu.memory_space<hbm>> -> memref<128xi32, #tpu.memory_space<hbm>>
        tpu.enqueue_dma source(%dma_start3A_165 : memref<128xi32, #tpu.memory_space<hbm>>) target(%arg15 : memref<128xi32, #tpu.memory_space<vmem>>) target_semaphore(%arg21 : memref<!tpu.dma_semaphore, #tpu.memory_space<semaphore_mem>>)
      } else {
      }
      %add3A_128 = arith.constant 2 : i32
      %add3A_129 = arith.addi %add3A_117, %add3A_128 : i32
      %lt3A_130 = arith.constant 80 : i32
      %lt3A_131 = arith.cmpi slt, %add3A_129, %lt3A_130 : i32
      %convert_element_type3A_132 = arith.extui %lt3A_131 : i1 to i32
      %cond3A_133 = arith.constant 0 : i32
      %cond3A_134 = arith.cmpi ne, %convert_element_type3A_132, %cond3A_133 : i32
      scf.if %cond3A_134 {
        %add3A_154 = arith.constant 2 : i32
        %add3A_155 = arith.addi %add3A_117, %add3A_154 : i32
        %mul3A_156 = arith.constant 128 : i32
        %mul3A_157 = arith.muli %add3A_155, %mul3A_156 : i32
        %add3A_158 = arith.addi %mul3A_4, %mul3A_157 : i32
        %dma_wait3A_159 = tpu.memref_slice %arg3[%add3A_158] : memref<327680xi32, #tpu.memory_space<hbm>> -> memref<128xi32, #tpu.memory_space<hbm>>
        %dma_wait3A_160 = tpu.memref_slice %arg3[%add3A_158] : memref<327680xi32, #tpu.memory_space<hbm>> -> memref<128xi32, #tpu.memory_space<hbm>>
        tpu.wait_dma2 semaphore(%arg19 : memref<!tpu.dma_semaphore, #tpu.memory_space<semaphore_mem>>) src(%dma_wait3A_160 : memref<128xi32, #tpu.memory_space<hbm>>) dst(%arg9 : memref<128xi32, #tpu.memory_space<vmem>>)
        %mul3A_161 = arith.constant 128 : i32
        %mul3A_162 = arith.muli %add3A_155, %mul3A_161 : i32
        %add3A_163 = arith.addi %mul3A_4, %mul3A_162 : i32
        %dma_wait3A_164 = tpu.memref_slice %arg4[%add3A_163] : memref<327680xi32, #tpu.memory_space<hbm>> -> memref<128xi32, #tpu.memory_space<hbm>>
        %dma_wait3A_165 = tpu.memref_slice %arg4[%add3A_163] : memref<327680xi32, #tpu.memory_space<hbm>> -> memref<128xi32, #tpu.memory_space<hbm>>
        tpu.wait_dma2 semaphore(%arg19 : memref<!tpu.dma_semaphore, #tpu.memory_space<semaphore_mem>>) src(%dma_wait3A_165 : memref<128xi32, #tpu.memory_space<hbm>>) dst(%arg13 : memref<128xi32, #tpu.memory_space<vmem>>)
        %dma_start3A_166 = arith.constant 0 : i32
        %dma_start3A_167 = arith.constant 0 : i32
        %dma_start3A_168 = tpu.memref_slice %arg2[%dma_start3A_166, %dma_start3A_167] : memref<10000x128xf32, #tpu.memory_space<hbm>> -> memref<10000x128xf32, #tpu.memory_space<hbm>>
        tpu.enqueue_indirect_dma source(%dma_start3A_168 : memref<10000x128xf32, #tpu.memory_space<hbm>>) target(%arg7 : memref<128x128xf32, #tpu.memory_space<vmem>>) offsets(%arg9 : memref<128xi32, #tpu.memory_space<vmem>>) semaphore(%arg17 : memref<!tpu.dma_semaphore, #tpu.memory_space<semaphore_mem>>)
      } else {
      }
      %add3A_135 = arith.constant 3 : i32
      %add3A_136 = arith.addi %add3A_80, %add3A_135 : i32
      %dma_wait3A_137 = arith.constant 0 : i32
      %dma_wait3A_138 = arith.constant 0 : i32
      %dma_wait3A_139 = tpu.memref_slice %arg2[%dma_wait3A_137, %dma_wait3A_138] : memref<10000x128xf32, #tpu.memory_space<hbm>> -> memref<10000x128xf32, #tpu.memory_space<hbm>>
      tpu.wait_indirect_dma semaphore(%arg18 : memref<!tpu.dma_semaphore, #tpu.memory_space<semaphore_mem>>) src(%dma_wait3A_139 : memref<10000x128xf32, #tpu.memory_space<hbm>>) dst(%arg8 : memref<128x128xf32, #tpu.memory_space<vmem>>)
      "tpu.region"() ({
        %run_scoped3A = tpu.sem_alloc : memref<!tpu.dma_semaphore, #tpu.memory_space<semaphore_mem>>
        %dma_start3A_154 = arith.constant 0 : i32
        %dma_start3A_155 = arith.constant 0 : i32
        %dma_start3A_156 = tpu.memref_slice %arg6[%dma_start3A_154, %dma_start3A_155] : memref<10240x128xf32, #tpu.memory_space<vmem_shared>> -> memref<10240x128xf32, #tpu.memory_space<vmem_shared>>
        tpu.enqueue_indirect_dma source(%arg8 : memref<128x128xf32, #tpu.memory_space<vmem>>) target(%dma_start3A_156 : memref<10240x128xf32, #tpu.memory_space<vmem_shared>>) offsets(%arg16 : memref<128xi32, #tpu.memory_space<vmem>>) semaphore(%run_scoped3A : memref<!tpu.dma_semaphore, #tpu.memory_space<semaphore_mem>>) {add = true}
        %dma_wait3A_157 = arith.constant 0 : i32
        %dma_wait3A_158 = arith.constant 0 : i32
        %dma_wait3A_159 = tpu.memref_slice %arg6[%dma_wait3A_157, %dma_wait3A_158] : memref<10240x128xf32, #tpu.memory_space<vmem_shared>> -> memref<10240x128xf32, #tpu.memory_space<vmem_shared>>
        tpu.wait_indirect_dma semaphore(%run_scoped3A : memref<!tpu.dma_semaphore, #tpu.memory_space<semaphore_mem>>) src(%arg8 : memref<128x128xf32, #tpu.memory_space<vmem>>) dst(%dma_wait3A_159 : memref<10240x128xf32, #tpu.memory_space<vmem_shared>>)
        tpu.yield
      }) : () -> ()
      %add3A_140 = arith.constant 4 : i32
      %add3A_141 = arith.addi %add3A_136, %add3A_140 : i32
      %lt3A_142 = arith.constant 80 : i32
      %lt3A_143 = arith.cmpi slt, %add3A_141, %lt3A_142 : i32
      %convert_element_type3A_144 = arith.extui %lt3A_143 : i1 to i32
      %cond3A_145 = arith.constant 0 : i32
      %cond3A_146 = arith.cmpi ne, %convert_element_type3A_144, %cond3A_145 : i32
      scf.if %cond3A_146 {
        %add3A_154 = arith.constant 4 : i32
        %add3A_155 = arith.addi %add3A_136, %add3A_154 : i32
        %mul3A_156 = arith.constant 128 : i32
        %mul3A_157 = arith.muli %add3A_155, %mul3A_156 : i32
        %add3A_158 = arith.addi %mul3A_4, %mul3A_157 : i32
        %dma_start3A_159 = tpu.memref_slice %arg3[%add3A_158] : memref<327680xi32, #tpu.memory_space<hbm>> -> memref<128xi32, #tpu.memory_space<hbm>>
        %dma_start3A_160 = tpu.memref_slice %arg3[%add3A_158] : memref<327680xi32, #tpu.memory_space<hbm>> -> memref<128xi32, #tpu.memory_space<hbm>>
        tpu.enqueue_dma source(%dma_start3A_160 : memref<128xi32, #tpu.memory_space<hbm>>) target(%arg12 : memref<128xi32, #tpu.memory_space<vmem>>) target_semaphore(%arg22 : memref<!tpu.dma_semaphore, #tpu.memory_space<semaphore_mem>>)
        %mul3A_161 = arith.constant 128 : i32
        %mul3A_162 = arith.muli %add3A_155, %mul3A_161 : i32
        %add3A_163 = arith.addi %mul3A_4, %mul3A_162 : i32
        %dma_start3A_164 = tpu.memref_slice %arg4[%add3A_163] : memref<327680xi32, #tpu.memory_space<hbm>> -> memref<128xi32, #tpu.memory_space<hbm>>
        %dma_start3A_165 = tpu.memref_slice %arg4[%add3A_163] : memref<327680xi32, #tpu.memory_space<hbm>> -> memref<128xi32, #tpu.memory_space<hbm>>
        tpu.enqueue_dma source(%dma_start3A_165 : memref<128xi32, #tpu.memory_space<hbm>>) target(%arg16 : memref<128xi32, #tpu.memory_space<vmem>>) target_semaphore(%arg22 : memref<!tpu.dma_semaphore, #tpu.memory_space<semaphore_mem>>)
      } else {
      }
      %add3A_147 = arith.constant 2 : i32
      %add3A_148 = arith.addi %add3A_136, %add3A_147 : i32
      %lt3A_149 = arith.constant 80 : i32
      %lt3A_150 = arith.cmpi slt, %add3A_148, %lt3A_149 : i32
      %convert_element_type3A_151 = arith.extui %lt3A_150 : i1 to i32
      %cond3A_152 = arith.constant 0 : i32
      %cond3A_153 = arith.cmpi ne, %convert_element_type3A_151, %cond3A_152 : i32
      scf.if %cond3A_153 {
        %add3A_154 = arith.constant 2 : i32
        %add3A_155 = arith.addi %add3A_136, %add3A_154 : i32
        %mul3A_156 = arith.constant 128 : i32
        %mul3A_157 = arith.muli %add3A_155, %mul3A_156 : i32
        %add3A_158 = arith.addi %mul3A_4, %mul3A_157 : i32
        %dma_wait3A_159 = tpu.memref_slice %arg3[%add3A_158] : memref<327680xi32, #tpu.memory_space<hbm>> -> memref<128xi32, #tpu.memory_space<hbm>>
        %dma_wait3A_160 = tpu.memref_slice %arg3[%add3A_158] : memref<327680xi32, #tpu.memory_space<hbm>> -> memref<128xi32, #tpu.memory_space<hbm>>
        tpu.wait_dma2 semaphore(%arg20 : memref<!tpu.dma_semaphore, #tpu.memory_space<semaphore_mem>>) src(%dma_wait3A_160 : memref<128xi32, #tpu.memory_space<hbm>>) dst(%arg10 : memref<128xi32, #tpu.memory_space<vmem>>)
        %mul3A_161 = arith.constant 128 : i32
        %mul3A_162 = arith.muli %add3A_155, %mul3A_161 : i32
        %add3A_163 = arith.addi %mul3A_4, %mul3A_162 : i32
        %dma_wait3A_164 = tpu.memref_slice %arg4[%add3A_163] : memref<327680xi32, #tpu.memory_space<hbm>> -> memref<128xi32, #tpu.memory_space<hbm>>
        %dma_wait3A_165 = tpu.memref_slice %arg4[%add3A_163] : memref<327680xi32, #tpu.memory_space<hbm>> -> memref<128xi32, #tpu.memory_space<hbm>>
        tpu.wait_dma2 semaphore(%arg20 : memref<!tpu.dma_semaphore, #tpu.memory_space<semaphore_mem>>) src(%dma_wait3A_165 : memref<128xi32, #tpu.memory_space<hbm>>) dst(%arg14 : memref<128xi32, #tpu.memory_space<vmem>>)
        %dma_start3A_166 = arith.constant 0 : i32
        %dma_start3A_167 = arith.constant 0 : i32
        %dma_start3A_168 = tpu.memref_slice %arg2[%dma_start3A_166, %dma_start3A_167] : memref<10000x128xf32, #tpu.memory_space<hbm>> -> memref<10000x128xf32, #tpu.memory_space<hbm>>
        tpu.enqueue_indirect_dma source(%dma_start3A_168 : memref<10000x128xf32, #tpu.memory_space<hbm>>) target(%arg8 : memref<128x128xf32, #tpu.memory_space<vmem>>) offsets(%arg10 : memref<128xi32, #tpu.memory_space<vmem>>) semaphore(%arg18 : memref<!tpu.dma_semaphore, #tpu.memory_space<semaphore_mem>>)
      } else {
      }
    }
    %scan3A_70 = arith.constant 20 : i32
    %barrier3A_71 = arith.constant 0 : index
    tpu.barrier barrier_id(%barrier3A_71)
    %mul3A_72 = arith.constant 640 : i32
    %mul3A_73 = arith.muli %arg1, %mul3A_72 : i32
    %mul3A_74 = arith.constant 640 : i32
    %mul3A_75 = arith.muli %arg1, %mul3A_74 : i32
    "tpu.region"() ({
      %run_scoped3A = tpu.sem_alloc : memref<!tpu.dma_semaphore, #tpu.memory_space<semaphore_mem>>
      %dma_start3A_76 = arith.constant 0 : i32
      %dma_start3A_77 = arith.constant 0 : i32
      %dma_start3A_78 = tpu.memref_slice %arg5[%arg0, %dma_start3A_76, %dma_start3A_77] : memref<2x10240x128xf32, #tpu.memory_space<hbm>> -> memref<1x10240x128xf32, #tpu.memory_space<hbm>>
      %dma_start3A_79 = tpu.memref_squeeze %dma_start3A_78 : memref<1x10240x128xf32, #tpu.memory_space<hbm>> -> memref<10240x128xf32, #tpu.memory_space<hbm>>
      %dma_start3A_80 = arith.constant 0 : i32
      %dma_start3A_81 = tpu.memref_slice %dma_start3A_79[%mul3A_75, %dma_start3A_80] : memref<10240x128xf32, #tpu.memory_space<hbm>> -> memref<640x128xf32, #tpu.memory_space<hbm>>
      %dma_start3A_82 = arith.constant 0 : i32
      %dma_start3A_83 = tpu.memref_slice %arg6[%mul3A_73, %dma_start3A_82] : memref<10240x128xf32, #tpu.memory_space<vmem_shared>> -> memref<640x128xf32, #tpu.memory_space<vmem_shared>>
      tpu.enqueue_dma source(%dma_start3A_83 : memref<640x128xf32, #tpu.memory_space<vmem_shared>>) target(%dma_start3A_81 : memref<640x128xf32, #tpu.memory_space<hbm>>) target_semaphore(%run_scoped3A : memref<!tpu.dma_semaphore, #tpu.memory_space<semaphore_mem>>)
      %dma_wait3A_84 = arith.constant 0 : i32
      %dma_wait3A_85 = arith.constant 0 : i32
      %dma_wait3A_86 = tpu.memref_slice %arg5[%arg0, %dma_wait3A_84, %dma_wait3A_85] : memref<2x10240x128xf32, #tpu.memory_space<hbm>> -> memref<1x10240x128xf32, #tpu.memory_space<hbm>>
      %dma_wait3A_87 = tpu.memref_squeeze %dma_wait3A_86 : memref<1x10240x128xf32, #tpu.memory_space<hbm>> -> memref<10240x128xf32, #tpu.memory_space<hbm>>
      %dma_wait3A_88 = arith.constant 0 : i32
      %dma_wait3A_89 = tpu.memref_slice %dma_wait3A_87[%mul3A_75, %dma_wait3A_88] : memref<10240x128xf32, #tpu.memory_space<hbm>> -> memref<640x128xf32, #tpu.memory_space<hbm>>
      %dma_wait3A_90 = arith.constant 0 : i32
      %dma_wait3A_91 = tpu.memref_slice %arg6[%mul3A_73, %dma_wait3A_90] : memref<10240x128xf32, #tpu.memory_space<vmem_shared>> -> memref<640x128xf32, #tpu.memory_space<vmem_shared>>
      tpu.wait_dma2 semaphore(%run_scoped3A : memref<!tpu.dma_semaphore, #tpu.memory_space<semaphore_mem>>) src(%dma_wait3A_91 : memref<640x128xf32, #tpu.memory_space<vmem_shared>>) dst(%dma_wait3A_89 : memref<640x128xf32, #tpu.memory_space<hbm>>)
      tpu.yield
    }) : () -> ()
    return
  }
}

#map = affine_map<(d0, d1) -> (0)>
#map1 = affine_map<(d0, d1) -> (0, 0, 0)>
module attributes {stable_mosaic.version = 14 : i64} {
  func.func @_sc_degree(%arg0: i32, %arg1: i32, %arg2: memref<327680xi32, #tpu.memory_space<hbm>>, %arg3: memref<2x10240x16xf32, #tpu.memory_space<hbm>>, %arg4: memref<10240x16xf32, #tpu.memory_space<vmem_shared>>, %arg5: memref<128x16xf32, #tpu.memory_space<vmem>>, %arg6: memref<128xi32, #tpu.memory_space<vmem>>, %arg7: memref<128xi32, #tpu.memory_space<vmem>>, %arg8: memref<128xi32, #tpu.memory_space<vmem>>, %arg9: memref<128xi32, #tpu.memory_space<vmem>>, %arg10: memref<!tpu.dma_semaphore, #tpu.memory_space<semaphore_mem>>, %arg11: memref<!tpu.dma_semaphore, #tpu.memory_space<semaphore_mem>>, %arg12: memref<!tpu.dma_semaphore, #tpu.memory_space<semaphore_mem>>, %arg13: memref<!tpu.dma_semaphore, #tpu.memory_space<semaphore_mem>>) attributes {dimension_semantics = [#tpu.dimension_semantics<core_parallel>, #tpu.dimension_semantics<subcore_parallel>], iteration_bounds = array<i64: 2, 16>, scalar_prefetch = 0 : i64, scratch_operands = 10 : i64, tpu.core_type = #tpu.core_type<sc_vector_subcore>, window_params = [{transform_indices = #map}, {transform_indices = #map1}]} {
    %mul3A = arith.constant 16 : i32
    %mul3A_0 = arith.muli %arg0, %mul3A : i32
    %add3A = arith.addi %mul3A_0, %arg1 : i32
    %mul3A_1 = arith.constant 80 : i32
    %mul3A_2 = arith.muli %add3A, %mul3A_1 : i32
    %mul3A_3 = arith.constant 128 : i32
    %mul3A_4 = arith.muli %mul3A_2, %mul3A_3 : i32
    %scan3A = arith.constant 0 : i32
    %scan3A_5 = arith.constant 128 : i32
    %scan3A_6 = arith.addi %scan3A, %scan3A_5 : i32
    %scan3A_7 = arith.constant 1 : i32
    scf.for %scan3A_44 = %scan3A to %scan3A_6 step %scan3A_7  : i32 {
      %mul3A_45 = arith.constant 1 : i32
      %mul3A_46 = arith.muli %scan3A_44, %mul3A_45 : i32
      %add3A_47 = arith.constant 0 : i32
      %add3A_48 = arith.addi %add3A_47, %mul3A_46 : i32
      %broadcast_in_dim3A = arith.constant 0.000000e+00 : f32
      %broadcast_in_dim3A_49 = vector.broadcast %broadcast_in_dim3A : f32 to vector<16xf32>
      %swap3A = arith.index_cast %add3A_48 : i32 to index
      %swap3A_50 = arith.constant 0 : index
      %swap3A_51 = tpu.vector_load %arg5[%swap3A, %swap3A_50] {strides = array<i32>} : memref<128x16xf32, #tpu.memory_space<vmem>>, vector<1x16xf32>,
      %swap3A_52 = vector.shape_cast %swap3A_51 : vector<1x16xf32> to vector<16xf32>
      %swap3A_53 = vector.shape_cast %broadcast_in_dim3A_49 : vector<16xf32> to vector<1x16xf32>
      tpu.vector_store %arg5[%swap3A, %swap3A_50], %swap3A_53 {strides = array<i32>} : memref<128x16xf32, #tpu.memory_space<vmem>>, vector<1x16xf32>,
    }
    %scan3A_8 = arith.constant 128 : i32
    %scan3A_9 = arith.constant 0 : i32
    %scan3A_10 = arith.constant 5 : i32
    %scan3A_11 = arith.addi %scan3A_9, %scan3A_10 : i32
    %scan3A_12 = arith.constant 1 : i32
    scf.for %scan3A_44 = %scan3A_9 to %scan3A_11 step %scan3A_12  : i32 {
      %mul3A_45 = arith.constant 1 : i32
      %mul3A_46 = arith.muli %scan3A_44, %mul3A_45 : i32
      %add3A_47 = arith.constant 0 : i32
      %add3A_48 = arith.addi %add3A_47, %mul3A_46 : i32
      %mul3A_49 = arith.constant 640 : i32
      %mul3A_50 = arith.muli %arg1, %mul3A_49 : i32
      %mul3A_51 = arith.constant 128 : i32
      %mul3A_52 = arith.muli %add3A_48, %mul3A_51 : i32
      %add3A_53 = arith.addi %mul3A_50, %mul3A_52 : i32
      "tpu.region"() ({
        %run_scoped3A = tpu.sem_alloc : memref<!tpu.dma_semaphore, #tpu.memory_space<semaphore_mem>>
        %dma_start3A_54 = arith.constant 0 : i32
        %dma_start3A_55 = tpu.memref_slice %arg4[%add3A_53, %dma_start3A_54] : memref<10240x16xf32, #tpu.memory_space<vmem_shared>> -> memref<128x16xf32, #tpu.memory_space<vmem_shared>>
        %dma_start3A_56 = arith.constant 0 : i32
        %dma_start3A_57 = tpu.memref_slice %arg4[%add3A_53, %dma_start3A_56] : memref<10240x16xf32, #tpu.memory_space<vmem_shared>> -> memref<128x16xf32, #tpu.memory_space<vmem_shared>>
        tpu.enqueue_dma source(%arg5 : memref<128x16xf32, #tpu.memory_space<vmem>>) target(%dma_start3A_57 : memref<128x16xf32, #tpu.memory_space<vmem_shared>>) target_semaphore(%run_scoped3A : memref<!tpu.dma_semaphore, #tpu.memory_space<semaphore_mem>>)
        %dma_wait3A = arith.constant 0 : i32
        %dma_wait3A_58 = tpu.memref_slice %arg4[%add3A_53, %dma_wait3A] : memref<10240x16xf32, #tpu.memory_space<vmem_shared>> -> memref<128x16xf32, #tpu.memory_space<vmem_shared>>
        %dma_wait3A_59 = arith.constant 0 : i32
        %dma_wait3A_60 = tpu.memref_slice %arg4[%add3A_53, %dma_wait3A_59] : memref<10240x16xf32, #tpu.memory_space<vmem_shared>> -> memref<128x16xf32, #tpu.memory_space<vmem_shared>>
        tpu.wait_dma2 semaphore(%run_scoped3A : memref<!tpu.dma_semaphore, #tpu.memory_space<semaphore_mem>>) src(%arg5 : memref<128x16xf32, #tpu.memory_space<vmem>>) dst(%dma_wait3A_60 : memref<128x16xf32, #tpu.memory_space<vmem_shared>>)
        tpu.yield
      }) : () -> ()
    }
    %scan3A_13 = arith.constant 5 : i32
    %scan3A_14 = arith.constant 0 : i32
    %scan3A_15 = arith.constant 128 : i32
    %scan3A_16 = arith.addi %scan3A_14, %scan3A_15 : i32
    %scan3A_17 = arith.constant 1 : i32
    scf.for %scan3A_44 = %scan3A_14 to %scan3A_16 step %scan3A_17  : i32 {
      %mul3A_45 = arith.constant 1 : i32
      %mul3A_46 = arith.muli %scan3A_44, %mul3A_45 : i32
      %add3A_47 = arith.constant 0 : i32
      %add3A_48 = arith.addi %add3A_47, %mul3A_46 : i32
      %broadcast_in_dim3A = arith.constant 1.000000e+00 : f32
      %broadcast_in_dim3A_49 = vector.broadcast %broadcast_in_dim3A : f32 to vector<16xf32>
      %swap3A = arith.index_cast %add3A_48 : i32 to index
      %swap3A_50 = arith.constant 0 : index
      %swap3A_51 = tpu.vector_load %arg5[%swap3A, %swap3A_50] {strides = array<i32>} : memref<128x16xf32, #tpu.memory_space<vmem>>, vector<1x16xf32>,
      %swap3A_52 = vector.shape_cast %swap3A_51 : vector<1x16xf32> to vector<16xf32>
      %swap3A_53 = vector.shape_cast %broadcast_in_dim3A_49 : vector<16xf32> to vector<1x16xf32>
      tpu.vector_store %arg5[%swap3A, %swap3A_50], %swap3A_53 {strides = array<i32>} : memref<128x16xf32, #tpu.memory_space<vmem>>, vector<1x16xf32>,
    }
    %scan3A_18 = arith.constant 128 : i32
    %barrier3A = arith.constant 0 : index
    tpu.barrier barrier_id(%barrier3A)
    %add3A_19 = arith.constant 0 : i32
    %add3A_20 = arith.addi %mul3A_4, %add3A_19 : i32
    %dma_start3A = tpu.memref_slice %arg2[%add3A_20] : memref<327680xi32, #tpu.memory_space<hbm>> -> memref<128xi32, #tpu.memory_space<hbm>>
    %dma_start3A_21 = tpu.memref_slice %arg2[%add3A_20] : memref<327680xi32, #tpu.memory_space<hbm>> -> memref<128xi32, #tpu.memory_space<hbm>>
    tpu.enqueue_dma source(%dma_start3A_21 : memref<128xi32, #tpu.memory_space<hbm>>) target(%arg6 : memref<128xi32, #tpu.memory_space<vmem>>) target_semaphore(%arg10 : memref<!tpu.dma_semaphore, #tpu.memory_space<semaphore_mem>>)
    %add3A_22 = arith.constant 128 : i32
    %add3A_23 = arith.addi %mul3A_4, %add3A_22 : i32
    %dma_start3A_24 = tpu.memref_slice %arg2[%add3A_23] : memref<327680xi32, #tpu.memory_space<hbm>> -> memref<128xi32, #tpu.memory_space<hbm>>
    %dma_start3A_25 = tpu.memref_slice %arg2[%add3A_23] : memref<327680xi32, #tpu.memory_space<hbm>> -> memref<128xi32, #tpu.memory_space<hbm>>
    tpu.enqueue_dma source(%dma_start3A_25 : memref<128xi32, #tpu.memory_space<hbm>>) target(%arg7 : memref<128xi32, #tpu.memory_space<vmem>>) target_semaphore(%arg11 : memref<!tpu.dma_semaphore, #tpu.memory_space<semaphore_mem>>)
    %add3A_26 = arith.constant 256 : i32
    %add3A_27 = arith.addi %mul3A_4, %add3A_26 : i32
    %dma_start3A_28 = tpu.memref_slice %arg2[%add3A_27] : memref<327680xi32, #tpu.memory_space<hbm>> -> memref<128xi32, #tpu.memory_space<hbm>>
    %dma_start3A_29 = tpu.memref_slice %arg2[%add3A_27] : memref<327680xi32, #tpu.memory_space<hbm>> -> memref<128xi32, #tpu.memory_space<hbm>>
    tpu.enqueue_dma source(%dma_start3A_29 : memref<128xi32, #tpu.memory_space<hbm>>) target(%arg8 : memref<128xi32, #tpu.memory_space<vmem>>) target_semaphore(%arg12 : memref<!tpu.dma_semaphore, #tpu.memory_space<semaphore_mem>>)
    %add3A_30 = arith.constant 384 : i32
    %add3A_31 = arith.addi %mul3A_4, %add3A_30 : i32
    %dma_start3A_32 = tpu.memref_slice %arg2[%add3A_31] : memref<327680xi32, #tpu.memory_space<hbm>> -> memref<128xi32, #tpu.memory_space<hbm>>
    %dma_start3A_33 = tpu.memref_slice %arg2[%add3A_31] : memref<327680xi32, #tpu.memory_space<hbm>> -> memref<128xi32, #tpu.memory_space<hbm>>
    tpu.enqueue_dma source(%dma_start3A_33 : memref<128xi32, #tpu.memory_space<hbm>>) target(%arg9 : memref<128xi32, #tpu.memory_space<vmem>>) target_semaphore(%arg13 : memref<!tpu.dma_semaphore, #tpu.memory_space<semaphore_mem>>)
    %scan3A_34 = arith.constant 0 : i32
    %scan3A_35 = arith.constant 20 : i32
    %scan3A_36 = arith.addi %scan3A_34, %scan3A_35 : i32
    %scan3A_37 = arith.constant 1 : i32
    scf.for %scan3A_44 = %scan3A_34 to %scan3A_36 step %scan3A_37  : i32 {
      %mul3A_45 = arith.constant 4 : i32
      %mul3A_46 = arith.muli %scan3A_44, %mul3A_45 : i32
      %add3A_47 = arith.constant 0 : i32
      %add3A_48 = arith.addi %add3A_47, %mul3A_46 : i32
      %add3A_49 = arith.constant 0 : i32
      %add3A_50 = arith.addi %add3A_48, %add3A_49 : i32
      %mul3A_51 = arith.constant 128 : i32
      %mul3A_52 = arith.muli %add3A_50, %mul3A_51 : i32
      %add3A_53 = arith.addi %mul3A_4, %mul3A_52 : i32
      %dma_wait3A = tpu.memref_slice %arg2[%add3A_53] : memref<327680xi32, #tpu.memory_space<hbm>> -> memref<128xi32, #tpu.memory_space<hbm>>
      %dma_wait3A_54 = tpu.memref_slice %arg2[%add3A_53] : memref<327680xi32, #tpu.memory_space<hbm>> -> memref<128xi32, #tpu.memory_space<hbm>>
      tpu.wait_dma2 semaphore(%arg10 : memref<!tpu.dma_semaphore, #tpu.memory_space<semaphore_mem>>) src(%dma_wait3A_54 : memref<128xi32, #tpu.memory_space<hbm>>) dst(%arg6 : memref<128xi32, #tpu.memory_space<vmem>>)
      "tpu.region"() ({
        %run_scoped3A = tpu.sem_alloc : memref<!tpu.dma_semaphore, #tpu.memory_space<semaphore_mem>>
        %dma_start3A_101 = arith.constant 0 : i32
        %dma_start3A_102 = arith.constant 0 : i32
        %dma_start3A_103 = tpu.memref_slice %arg4[%dma_start3A_101, %dma_start3A_102] : memref<10240x16xf32, #tpu.memory_space<vmem_shared>> -> memref<10240x16xf32, #tpu.memory_space<vmem_shared>>
        tpu.enqueue_indirect_dma source(%arg5 : memref<128x16xf32, #tpu.memory_space<vmem>>) target(%dma_start3A_103 : memref<10240x16xf32, #tpu.memory_space<vmem_shared>>) offsets(%arg6 : memref<128xi32, #tpu.memory_space<vmem>>) semaphore(%run_scoped3A : memref<!tpu.dma_semaphore, #tpu.memory_space<semaphore_mem>>) {add = true}
        %dma_wait3A_104 = arith.constant 0 : i32
        %dma_wait3A_105 = arith.constant 0 : i32
        %dma_wait3A_106 = tpu.memref_slice %arg4[%dma_wait3A_104, %dma_wait3A_105] : memref<10240x16xf32, #tpu.memory_space<vmem_shared>> -> memref<10240x16xf32, #tpu.memory_space<vmem_shared>>
        tpu.wait_indirect_dma semaphore(%run_scoped3A : memref<!tpu.dma_semaphore, #tpu.memory_space<semaphore_mem>>) src(%arg5 : memref<128x16xf32, #tpu.memory_space<vmem>>) dst(%dma_wait3A_106 : memref<10240x16xf32, #tpu.memory_space<vmem_shared>>)
        tpu.yield
      }) : () -> ()
      %add3A_55 = arith.constant 4 : i32
      %add3A_56 = arith.addi %add3A_50, %add3A_55 : i32
      %lt3A = arith.constant 80 : i32
      %lt3A_57 = arith.cmpi slt, %add3A_56, %lt3A : i32
      %convert_element_type3A = arith.extui %lt3A_57 : i1 to i32
      %cond3A = arith.constant 0 : i32
      %cond3A_58 = arith.cmpi ne, %convert_element_type3A, %cond3A : i32
      scf.if %cond3A_58 {
        %add3A_101 = arith.constant 4 : i32
        %add3A_102 = arith.addi %add3A_50, %add3A_101 : i32
        %mul3A_103 = arith.constant 128 : i32
        %mul3A_104 = arith.muli %add3A_102, %mul3A_103 : i32
        %add3A_105 = arith.addi %mul3A_4, %mul3A_104 : i32
        %dma_start3A_106 = tpu.memref_slice %arg2[%add3A_105] : memref<327680xi32, #tpu.memory_space<hbm>> -> memref<128xi32, #tpu.memory_space<hbm>>
        %dma_start3A_107 = tpu.memref_slice %arg2[%add3A_105] : memref<327680xi32, #tpu.memory_space<hbm>> -> memref<128xi32, #tpu.memory_space<hbm>>
        tpu.enqueue_dma source(%dma_start3A_107 : memref<128xi32, #tpu.memory_space<hbm>>) target(%arg6 : memref<128xi32, #tpu.memory_space<vmem>>) target_semaphore(%arg10 : memref<!tpu.dma_semaphore, #tpu.memory_space<semaphore_mem>>)
      } else {
      }
      %add3A_59 = arith.constant 1 : i32
      %add3A_60 = arith.addi %add3A_48, %add3A_59 : i32
      %mul3A_61 = arith.constant 128 : i32
      %mul3A_62 = arith.muli %add3A_60, %mul3A_61 : i32
      %add3A_63 = arith.addi %mul3A_4, %mul3A_62 : i32
      %dma_wait3A_64 = tpu.memref_slice %arg2[%add3A_63] : memref<327680xi32, #tpu.memory_space<hbm>> -> memref<128xi32, #tpu.memory_space<hbm>>
      %dma_wait3A_65 = tpu.memref_slice %arg2[%add3A_63] : memref<327680xi32, #tpu.memory_space<hbm>> -> memref<128xi32, #tpu.memory_space<hbm>>
      tpu.wait_dma2 semaphore(%arg11 : memref<!tpu.dma_semaphore, #tpu.memory_space<semaphore_mem>>) src(%dma_wait3A_65 : memref<128xi32, #tpu.memory_space<hbm>>) dst(%arg7 : memref<128xi32, #tpu.memory_space<vmem>>)
      "tpu.region"() ({
        %run_scoped3A = tpu.sem_alloc : memref<!tpu.dma_semaphore, #tpu.memory_space<semaphore_mem>>
        %dma_start3A_101 = arith.constant 0 : i32
        %dma_start3A_102 = arith.constant 0 : i32
        %dma_start3A_103 = tpu.memref_slice %arg4[%dma_start3A_101, %dma_start3A_102] : memref<10240x16xf32, #tpu.memory_space<vmem_shared>> -> memref<10240x16xf32, #tpu.memory_space<vmem_shared>>
        tpu.enqueue_indirect_dma source(%arg5 : memref<128x16xf32, #tpu.memory_space<vmem>>) target(%dma_start3A_103 : memref<10240x16xf32, #tpu.memory_space<vmem_shared>>) offsets(%arg7 : memref<128xi32, #tpu.memory_space<vmem>>) semaphore(%run_scoped3A : memref<!tpu.dma_semaphore, #tpu.memory_space<semaphore_mem>>) {add = true}
        %dma_wait3A_104 = arith.constant 0 : i32
        %dma_wait3A_105 = arith.constant 0 : i32
        %dma_wait3A_106 = tpu.memref_slice %arg4[%dma_wait3A_104, %dma_wait3A_105] : memref<10240x16xf32, #tpu.memory_space<vmem_shared>> -> memref<10240x16xf32, #tpu.memory_space<vmem_shared>>
        tpu.wait_indirect_dma semaphore(%run_scoped3A : memref<!tpu.dma_semaphore, #tpu.memory_space<semaphore_mem>>) src(%arg5 : memref<128x16xf32, #tpu.memory_space<vmem>>) dst(%dma_wait3A_106 : memref<10240x16xf32, #tpu.memory_space<vmem_shared>>)
        tpu.yield
      }) : () -> ()
      %add3A_66 = arith.constant 4 : i32
      %add3A_67 = arith.addi %add3A_60, %add3A_66 : i32
      %lt3A_68 = arith.constant 80 : i32
      %lt3A_69 = arith.cmpi slt, %add3A_67, %lt3A_68 : i32
      %convert_element_type3A_70 = arith.extui %lt3A_69 : i1 to i32
      %cond3A_71 = arith.constant 0 : i32
      %cond3A_72 = arith.cmpi ne, %convert_element_type3A_70, %cond3A_71 : i32
      scf.if %cond3A_72 {
        %add3A_101 = arith.constant 4 : i32
        %add3A_102 = arith.addi %add3A_60, %add3A_101 : i32
        %mul3A_103 = arith.constant 128 : i32
        %mul3A_104 = arith.muli %add3A_102, %mul3A_103 : i32
        %add3A_105 = arith.addi %mul3A_4, %mul3A_104 : i32
        %dma_start3A_106 = tpu.memref_slice %arg2[%add3A_105] : memref<327680xi32, #tpu.memory_space<hbm>> -> memref<128xi32, #tpu.memory_space<hbm>>
        %dma_start3A_107 = tpu.memref_slice %arg2[%add3A_105] : memref<327680xi32, #tpu.memory_space<hbm>> -> memref<128xi32, #tpu.memory_space<hbm>>
        tpu.enqueue_dma source(%dma_start3A_107 : memref<128xi32, #tpu.memory_space<hbm>>) target(%arg7 : memref<128xi32, #tpu.memory_space<vmem>>) target_semaphore(%arg11 : memref<!tpu.dma_semaphore, #tpu.memory_space<semaphore_mem>>)
      } else {
      }
      %add3A_73 = arith.constant 2 : i32
      %add3A_74 = arith.addi %add3A_48, %add3A_73 : i32
      %mul3A_75 = arith.constant 128 : i32
      %mul3A_76 = arith.muli %add3A_74, %mul3A_75 : i32
      %add3A_77 = arith.addi %mul3A_4, %mul3A_76 : i32
      %dma_wait3A_78 = tpu.memref_slice %arg2[%add3A_77] : memref<327680xi32, #tpu.memory_space<hbm>> -> memref<128xi32, #tpu.memory_space<hbm>>
      %dma_wait3A_79 = tpu.memref_slice %arg2[%add3A_77] : memref<327680xi32, #tpu.memory_space<hbm>> -> memref<128xi32, #tpu.memory_space<hbm>>
      tpu.wait_dma2 semaphore(%arg12 : memref<!tpu.dma_semaphore, #tpu.memory_space<semaphore_mem>>) src(%dma_wait3A_79 : memref<128xi32, #tpu.memory_space<hbm>>) dst(%arg8 : memref<128xi32, #tpu.memory_space<vmem>>)
      "tpu.region"() ({
        %run_scoped3A = tpu.sem_alloc : memref<!tpu.dma_semaphore, #tpu.memory_space<semaphore_mem>>
        %dma_start3A_101 = arith.constant 0 : i32
        %dma_start3A_102 = arith.constant 0 : i32
        %dma_start3A_103 = tpu.memref_slice %arg4[%dma_start3A_101, %dma_start3A_102] : memref<10240x16xf32, #tpu.memory_space<vmem_shared>> -> memref<10240x16xf32, #tpu.memory_space<vmem_shared>>
        tpu.enqueue_indirect_dma source(%arg5 : memref<128x16xf32, #tpu.memory_space<vmem>>) target(%dma_start3A_103 : memref<10240x16xf32, #tpu.memory_space<vmem_shared>>) offsets(%arg8 : memref<128xi32, #tpu.memory_space<vmem>>) semaphore(%run_scoped3A : memref<!tpu.dma_semaphore, #tpu.memory_space<semaphore_mem>>) {add = true}
        %dma_wait3A_104 = arith.constant 0 : i32
        %dma_wait3A_105 = arith.constant 0 : i32
        %dma_wait3A_106 = tpu.memref_slice %arg4[%dma_wait3A_104, %dma_wait3A_105] : memref<10240x16xf32, #tpu.memory_space<vmem_shared>> -> memref<10240x16xf32, #tpu.memory_space<vmem_shared>>
        tpu.wait_indirect_dma semaphore(%run_scoped3A : memref<!tpu.dma_semaphore, #tpu.memory_space<semaphore_mem>>) src(%arg5 : memref<128x16xf32, #tpu.memory_space<vmem>>) dst(%dma_wait3A_106 : memref<10240x16xf32, #tpu.memory_space<vmem_shared>>)
        tpu.yield
      }) : () -> ()
      %add3A_80 = arith.constant 4 : i32
      %add3A_81 = arith.addi %add3A_74, %add3A_80 : i32
      %lt3A_82 = arith.constant 80 : i32
      %lt3A_83 = arith.cmpi slt, %add3A_81, %lt3A_82 : i32
      %convert_element_type3A_84 = arith.extui %lt3A_83 : i1 to i32
      %cond3A_85 = arith.constant 0 : i32
      %cond3A_86 = arith.cmpi ne, %convert_element_type3A_84, %cond3A_85 : i32
      scf.if %cond3A_86 {
        %add3A_101 = arith.constant 4 : i32
        %add3A_102 = arith.addi %add3A_74, %add3A_101 : i32
        %mul3A_103 = arith.constant 128 : i32
        %mul3A_104 = arith.muli %add3A_102, %mul3A_103 : i32
        %add3A_105 = arith.addi %mul3A_4, %mul3A_104 : i32
        %dma_start3A_106 = tpu.memref_slice %arg2[%add3A_105] : memref<327680xi32, #tpu.memory_space<hbm>> -> memref<128xi32, #tpu.memory_space<hbm>>
        %dma_start3A_107 = tpu.memref_slice %arg2[%add3A_105] : memref<327680xi32, #tpu.memory_space<hbm>> -> memref<128xi32, #tpu.memory_space<hbm>>
        tpu.enqueue_dma source(%dma_start3A_107 : memref<128xi32, #tpu.memory_space<hbm>>) target(%arg8 : memref<128xi32, #tpu.memory_space<vmem>>) target_semaphore(%arg12 : memref<!tpu.dma_semaphore, #tpu.memory_space<semaphore_mem>>)
      } else {
      }
      %add3A_87 = arith.constant 3 : i32
      %add3A_88 = arith.addi %add3A_48, %add3A_87 : i32
      %mul3A_89 = arith.constant 128 : i32
      %mul3A_90 = arith.muli %add3A_88, %mul3A_89 : i32
      %add3A_91 = arith.addi %mul3A_4, %mul3A_90 : i32
      %dma_wait3A_92 = tpu.memref_slice %arg2[%add3A_91] : memref<327680xi32, #tpu.memory_space<hbm>> -> memref<128xi32, #tpu.memory_space<hbm>>
      %dma_wait3A_93 = tpu.memref_slice %arg2[%add3A_91] : memref<327680xi32, #tpu.memory_space<hbm>> -> memref<128xi32, #tpu.memory_space<hbm>>
      tpu.wait_dma2 semaphore(%arg13 : memref<!tpu.dma_semaphore, #tpu.memory_space<semaphore_mem>>) src(%dma_wait3A_93 : memref<128xi32, #tpu.memory_space<hbm>>) dst(%arg9 : memref<128xi32, #tpu.memory_space<vmem>>)
      "tpu.region"() ({
        %run_scoped3A = tpu.sem_alloc : memref<!tpu.dma_semaphore, #tpu.memory_space<semaphore_mem>>
        %dma_start3A_101 = arith.constant 0 : i32
        %dma_start3A_102 = arith.constant 0 : i32
        %dma_start3A_103 = tpu.memref_slice %arg4[%dma_start3A_101, %dma_start3A_102] : memref<10240x16xf32, #tpu.memory_space<vmem_shared>> -> memref<10240x16xf32, #tpu.memory_space<vmem_shared>>
        tpu.enqueue_indirect_dma source(%arg5 : memref<128x16xf32, #tpu.memory_space<vmem>>) target(%dma_start3A_103 : memref<10240x16xf32, #tpu.memory_space<vmem_shared>>) offsets(%arg9 : memref<128xi32, #tpu.memory_space<vmem>>) semaphore(%run_scoped3A : memref<!tpu.dma_semaphore, #tpu.memory_space<semaphore_mem>>) {add = true}
        %dma_wait3A_104 = arith.constant 0 : i32
        %dma_wait3A_105 = arith.constant 0 : i32
        %dma_wait3A_106 = tpu.memref_slice %arg4[%dma_wait3A_104, %dma_wait3A_105] : memref<10240x16xf32, #tpu.memory_space<vmem_shared>> -> memref<10240x16xf32, #tpu.memory_space<vmem_shared>>
        tpu.wait_indirect_dma semaphore(%run_scoped3A : memref<!tpu.dma_semaphore, #tpu.memory_space<semaphore_mem>>) src(%arg5 : memref<128x16xf32, #tpu.memory_space<vmem>>) dst(%dma_wait3A_106 : memref<10240x16xf32, #tpu.memory_space<vmem_shared>>)
        tpu.yield
      }) : () -> ()
      %add3A_94 = arith.constant 4 : i32
      %add3A_95 = arith.addi %add3A_88, %add3A_94 : i32
      %lt3A_96 = arith.constant 80 : i32
      %lt3A_97 = arith.cmpi slt, %add3A_95, %lt3A_96 : i32
      %convert_element_type3A_98 = arith.extui %lt3A_97 : i1 to i32
      %cond3A_99 = arith.constant 0 : i32
      %cond3A_100 = arith.cmpi ne, %convert_element_type3A_98, %cond3A_99 : i32
      scf.if %cond3A_100 {
        %add3A_101 = arith.constant 4 : i32
        %add3A_102 = arith.addi %add3A_88, %add3A_101 : i32
        %mul3A_103 = arith.constant 128 : i32
        %mul3A_104 = arith.muli %add3A_102, %mul3A_103 : i32
        %add3A_105 = arith.addi %mul3A_4, %mul3A_104 : i32
        %dma_start3A_106 = tpu.memref_slice %arg2[%add3A_105] : memref<327680xi32, #tpu.memory_space<hbm>> -> memref<128xi32, #tpu.memory_space<hbm>>
        %dma_start3A_107 = tpu.memref_slice %arg2[%add3A_105] : memref<327680xi32, #tpu.memory_space<hbm>> -> memref<128xi32, #tpu.memory_space<hbm>>
        tpu.enqueue_dma source(%dma_start3A_107 : memref<128xi32, #tpu.memory_space<hbm>>) target(%arg9 : memref<128xi32, #tpu.memory_space<vmem>>) target_semaphore(%arg13 : memref<!tpu.dma_semaphore, #tpu.memory_space<semaphore_mem>>)
      } else {
      }
    }
    %scan3A_38 = arith.constant 20 : i32
    %barrier3A_39 = arith.constant 0 : index
    tpu.barrier barrier_id(%barrier3A_39)
    %mul3A_40 = arith.constant 640 : i32
    %mul3A_41 = arith.muli %arg1, %mul3A_40 : i32
    %mul3A_42 = arith.constant 640 : i32
    %mul3A_43 = arith.muli %arg1, %mul3A_42 : i32
    "tpu.region"() ({
      %run_scoped3A = tpu.sem_alloc : memref<!tpu.dma_semaphore, #tpu.memory_space<semaphore_mem>>
      %dma_start3A_44 = arith.constant 0 : i32
      %dma_start3A_45 = arith.constant 0 : i32
      %dma_start3A_46 = tpu.memref_slice %arg3[%arg0, %dma_start3A_44, %dma_start3A_45] : memref<2x10240x16xf32, #tpu.memory_space<hbm>> -> memref<1x10240x16xf32, #tpu.memory_space<hbm>>
      %dma_start3A_47 = tpu.memref_squeeze %dma_start3A_46 : memref<1x10240x16xf32, #tpu.memory_space<hbm>> -> memref<10240x16xf32, #tpu.memory_space<hbm>>
      %dma_start3A_48 = arith.constant 0 : i32
      %dma_start3A_49 = tpu.memref_slice %dma_start3A_47[%mul3A_43, %dma_start3A_48] : memref<10240x16xf32, #tpu.memory_space<hbm>> -> memref<640x16xf32, #tpu.memory_space<hbm>>
      %dma_start3A_50 = arith.constant 0 : i32
      %dma_start3A_51 = tpu.memref_slice %arg4[%mul3A_41, %dma_start3A_50] : memref<10240x16xf32, #tpu.memory_space<vmem_shared>> -> memref<640x16xf32, #tpu.memory_space<vmem_shared>>
      tpu.enqueue_dma source(%dma_start3A_51 : memref<640x16xf32, #tpu.memory_space<vmem_shared>>) target(%dma_start3A_49 : memref<640x16xf32, #tpu.memory_space<hbm>>) target_semaphore(%run_scoped3A : memref<!tpu.dma_semaphore, #tpu.memory_space<semaphore_mem>>)
      %dma_wait3A = arith.constant 0 : i32
      %dma_wait3A_52 = arith.constant 0 : i32
      %dma_wait3A_53 = tpu.memref_slice %arg3[%arg0, %dma_wait3A, %dma_wait3A_52] : memref<2x10240x16xf32, #tpu.memory_space<hbm>> -> memref<1x10240x16xf32, #tpu.memory_space<hbm>>
      %dma_wait3A_54 = tpu.memref_squeeze %dma_wait3A_53 : memref<1x10240x16xf32, #tpu.memory_space<hbm>> -> memref<10240x16xf32, #tpu.memory_space<hbm>>
      %dma_wait3A_55 = arith.constant 0 : i32
      %dma_wait3A_56 = tpu.memref_slice %dma_wait3A_54[%mul3A_43, %dma_wait3A_55] : memref<10240x16xf32, #tpu.memory_space<hbm>> -> memref<640x16xf32, #tpu.memory_space<hbm>>
      %dma_wait3A_57 = arith.constant 0 : i32
      %dma_wait3A_58 = tpu.memref_slice %arg4[%mul3A_41, %dma_wait3A_57] : memref<10240x16xf32, #tpu.memory_space<vmem_shared>> -> memref<640x16xf32, #tpu.memory_space<vmem_shared>>
      tpu.wait_dma2 semaphore(%run_scoped3A : memref<!tpu.dma_semaphore, #tpu.memory_space<semaphore_mem>>) src(%dma_wait3A_58 : memref<640x16xf32, #tpu.memory_space<vmem_shared>>) dst(%dma_wait3A_56 : memref<640x16xf32, #tpu.memory_space<hbm>>)
      tpu.yield
    }) : () -> ()
    return
  }
}

#map = affine_map<(d0, d1) -> (0, 0)>
#map1 = affine_map<(d0, d1) -> (0)>
#map2 = affine_map<(d0, d1) -> (0, 0, 0)>
module attributes {stable_mosaic.version = 14 : i64} {
  func.func @_sc_aggregate(%arg0: i32, %arg1: i32, %arg2: memref<10000x128xf32, #tpu.memory_space<hbm>>, %arg3: memref<327680xi32, #tpu.memory_space<hbm>>, %arg4: memref<327680xi32, #tpu.memory_space<hbm>>, %arg5: memref<2x10240x128xf32, #tpu.memory_space<hbm>>, %arg6: memref<10240x128xf32, #tpu.memory_space<vmem_shared>>, %arg7: memref<128x128xf32, #tpu.memory_space<vmem>>, %arg8: memref<128x128xf32, #tpu.memory_space<vmem>>, %arg9: memref<128xi32, #tpu.memory_space<vmem>>, %arg10: memref<128xi32, #tpu.memory_space<vmem>>, %arg11: memref<128xi32, #tpu.memory_space<vmem>>, %arg12: memref<128xi32, #tpu.memory_space<vmem>>, %arg13: memref<128xi32, #tpu.memory_space<vmem>>, %arg14: memref<128xi32, #tpu.memory_space<vmem>>, %arg15: memref<128xi32, #tpu.memory_space<vmem>>, %arg16: memref<128xi32, #tpu.memory_space<vmem>>, %arg17: memref<!tpu.dma_semaphore, #tpu.memory_space<semaphore_mem>>, %arg18: memref<!tpu.dma_semaphore, #tpu.memory_space<semaphore_mem>>, %arg19: memref<!tpu.dma_semaphore, #tpu.memory_space<semaphore_mem>>, %arg20: memref<!tpu.dma_semaphore, #tpu.memory_space<semaphore_mem>>, %arg21: memref<!tpu.dma_semaphore, #tpu.memory_space<semaphore_mem>>, %arg22: memref<!tpu.dma_semaphore, #tpu.memory_space<semaphore_mem>>) attributes {dimension_semantics = [#tpu.dimension_semantics<core_parallel>, #tpu.dimension_semantics<subcore_parallel>], iteration_bounds = array<i64: 2, 16>, scalar_prefetch = 0 : i64, scratch_operands = 17 : i64, tpu.core_type = #tpu.core_type<sc_vector_subcore>, window_params = [{transform_indices = #map}, {transform_indices = #map1}, {transform_indices = #map1}, {transform_indices = #map2}]} {
    %mul3A = arith.constant 16 : i32
    %mul3A_0 = arith.muli %arg0, %mul3A : i32
    %add3A = arith.addi %mul3A_0, %arg1 : i32
    %mul3A_1 = arith.constant 80 : i32
    %mul3A_2 = arith.muli %add3A, %mul3A_1 : i32
    %mul3A_3 = arith.constant 128 : i32
    %mul3A_4 = arith.muli %mul3A_2, %mul3A_3 : i32
    %scan3A = arith.constant 0 : i32
    %scan3A_5 = arith.constant 128 : i32
    %scan3A_6 = arith.addi %scan3A, %scan3A_5 : i32
    %scan3A_7 = arith.constant 1 : i32
    scf.for %scan3A_76 = %scan3A to %scan3A_6 step %scan3A_7  : i32 {
      %mul3A_77 = arith.constant 1 : i32
      %mul3A_78 = arith.muli %scan3A_76, %mul3A_77 : i32
      %add3A_79 = arith.constant 0 : i32
      %add3A_80 = arith.addi %add3A_79, %mul3A_78 : i32
      %scan3A_81 = arith.constant 0 : i32
      %scan3A_82 = arith.constant 8 : i32
      %scan3A_83 = arith.addi %scan3A_81, %scan3A_82 : i32
      %scan3A_84 = arith.constant 1 : i32
      scf.for %scan3A_86 = %scan3A_81 to %scan3A_83 step %scan3A_84  : i32 {
        %mul3A_87 = arith.constant 1 : i32
        %mul3A_88 = arith.muli %scan3A_86, %mul3A_87 : i32
        %add3A_89 = arith.constant 0 : i32
        %add3A_90 = arith.addi %add3A_89, %mul3A_88 : i32
        %broadcast_in_dim3A = arith.constant 0.000000e+00 : f32
        %broadcast_in_dim3A_91 = vector.broadcast %broadcast_in_dim3A : f32 to vector<16xf32>
        %mul3A_92 = arith.constant 16 : i32
        %mul3A_93 = arith.muli %add3A_90, %mul3A_92 : i32
        %swap3A = arith.index_cast %add3A_80 : i32 to index
        %swap3A_94 = arith.index_cast %mul3A_93 : i32 to index
        %swap3A_95 = tpu.vector_load %arg7[%swap3A, %swap3A_94] {strides = array<i32>} : memref<128x128xf32, #tpu.memory_space<vmem>>, vector<1x16xf32>,
        %swap3A_96 = vector.shape_cast %swap3A_95 : vector<1x16xf32> to vector<16xf32>
        %swap3A_97 = vector.shape_cast %broadcast_in_dim3A_91 : vector<16xf32> to vector<1x16xf32>
        tpu.vector_store %arg7[%swap3A, %swap3A_94], %swap3A_97 {strides = array<i32>} : memref<128x128xf32, #tpu.memory_space<vmem>>, vector<1x16xf32>,
      }
      %scan3A_85 = arith.constant 8 : i32
    }
    %scan3A_8 = arith.constant 128 : i32
    %scan3A_9 = arith.constant 0 : i32
    %scan3A_10 = arith.constant 5 : i32
    %scan3A_11 = arith.addi %scan3A_9, %scan3A_10 : i32
    %scan3A_12 = arith.constant 1 : i32
    scf.for %scan3A_76 = %scan3A_9 to %scan3A_11 step %scan3A_12  : i32 {
      %mul3A_77 = arith.constant 1 : i32
      %mul3A_78 = arith.muli %scan3A_76, %mul3A_77 : i32
      %add3A_79 = arith.constant 0 : i32
      %add3A_80 = arith.addi %add3A_79, %mul3A_78 : i32
      %mul3A_81 = arith.constant 640 : i32
      %mul3A_82 = arith.muli %arg1, %mul3A_81 : i32
      %mul3A_83 = arith.constant 128 : i32
      %mul3A_84 = arith.muli %add3A_80, %mul3A_83 : i32
      %add3A_85 = arith.addi %mul3A_82, %mul3A_84 : i32
      "tpu.region"() ({
        %run_scoped3A = tpu.sem_alloc : memref<!tpu.dma_semaphore, #tpu.memory_space<semaphore_mem>>
        %dma_start3A_86 = arith.constant 0 : i32
        %dma_start3A_87 = tpu.memref_slice %arg6[%add3A_85, %dma_start3A_86] : memref<10240x128xf32, #tpu.memory_space<vmem_shared>> -> memref<128x128xf32, #tpu.memory_space<vmem_shared>>
        %dma_start3A_88 = arith.constant 0 : i32
        %dma_start3A_89 = tpu.memref_slice %arg6[%add3A_85, %dma_start3A_88] : memref<10240x128xf32, #tpu.memory_space<vmem_shared>> -> memref<128x128xf32, #tpu.memory_space<vmem_shared>>
        tpu.enqueue_dma source(%arg7 : memref<128x128xf32, #tpu.memory_space<vmem>>) target(%dma_start3A_89 : memref<128x128xf32, #tpu.memory_space<vmem_shared>>) target_semaphore(%run_scoped3A : memref<!tpu.dma_semaphore, #tpu.memory_space<semaphore_mem>>)
        %dma_wait3A_90 = arith.constant 0 : i32
        %dma_wait3A_91 = tpu.memref_slice %arg6[%add3A_85, %dma_wait3A_90] : memref<10240x128xf32, #tpu.memory_space<vmem_shared>> -> memref<128x128xf32, #tpu.memory_space<vmem_shared>>
        %dma_wait3A_92 = arith.constant 0 : i32
        %dma_wait3A_93 = tpu.memref_slice %arg6[%add3A_85, %dma_wait3A_92] : memref<10240x128xf32, #tpu.memory_space<vmem_shared>> -> memref<128x128xf32, #tpu.memory_space<vmem_shared>>
        tpu.wait_dma2 semaphore(%run_scoped3A : memref<!tpu.dma_semaphore, #tpu.memory_space<semaphore_mem>>) src(%arg7 : memref<128x128xf32, #tpu.memory_space<vmem>>) dst(%dma_wait3A_93 : memref<128x128xf32, #tpu.memory_space<vmem_shared>>)
        tpu.yield
      }) : () -> ()
    }
    %scan3A_13 = arith.constant 5 : i32
    %barrier3A = arith.constant 0 : index
    tpu.barrier barrier_id(%barrier3A)
    %add3A_14 = arith.constant 0 : i32
    %add3A_15 = arith.addi %mul3A_4, %add3A_14 : i32
    %dma_start3A = tpu.memref_slice %arg3[%add3A_15] : memref<327680xi32, #tpu.memory_space<hbm>> -> memref<128xi32, #tpu.memory_space<hbm>>
    %dma_start3A_16 = tpu.memref_slice %arg3[%add3A_15] : memref<327680xi32, #tpu.memory_space<hbm>> -> memref<128xi32, #tpu.memory_space<hbm>>
    tpu.enqueue_dma source(%dma_start3A_16 : memref<128xi32, #tpu.memory_space<hbm>>) target(%arg9 : memref<128xi32, #tpu.memory_space<vmem>>) target_semaphore(%arg19 : memref<!tpu.dma_semaphore, #tpu.memory_space<semaphore_mem>>)
    %add3A_17 = arith.constant 0 : i32
    %add3A_18 = arith.addi %mul3A_4, %add3A_17 : i32
    %dma_start3A_19 = tpu.memref_slice %arg4[%add3A_18] : memref<327680xi32, #tpu.memory_space<hbm>> -> memref<128xi32, #tpu.memory_space<hbm>>
    %dma_start3A_20 = tpu.memref_slice %arg4[%add3A_18] : memref<327680xi32, #tpu.memory_space<hbm>> -> memref<128xi32, #tpu.memory_space<hbm>>
    tpu.enqueue_dma source(%dma_start3A_20 : memref<128xi32, #tpu.memory_space<hbm>>) target(%arg13 : memref<128xi32, #tpu.memory_space<vmem>>) target_semaphore(%arg19 : memref<!tpu.dma_semaphore, #tpu.memory_space<semaphore_mem>>)
    %add3A_21 = arith.constant 128 : i32
    %add3A_22 = arith.addi %mul3A_4, %add3A_21 : i32
    %dma_start3A_23 = tpu.memref_slice %arg3[%add3A_22] : memref<327680xi32, #tpu.memory_space<hbm>> -> memref<128xi32, #tpu.memory_space<hbm>>
    %dma_start3A_24 = tpu.memref_slice %arg3[%add3A_22] : memref<327680xi32, #tpu.memory_space<hbm>> -> memref<128xi32, #tpu.memory_space<hbm>>
    tpu.enqueue_dma source(%dma_start3A_24 : memref<128xi32, #tpu.memory_space<hbm>>) target(%arg10 : memref<128xi32, #tpu.memory_space<vmem>>) target_semaphore(%arg20 : memref<!tpu.dma_semaphore, #tpu.memory_space<semaphore_mem>>)
    %add3A_25 = arith.constant 128 : i32
    %add3A_26 = arith.addi %mul3A_4, %add3A_25 : i32
    %dma_start3A_27 = tpu.memref_slice %arg4[%add3A_26] : memref<327680xi32, #tpu.memory_space<hbm>> -> memref<128xi32, #tpu.memory_space<hbm>>
    %dma_start3A_28 = tpu.memref_slice %arg4[%add3A_26] : memref<327680xi32, #tpu.memory_space<hbm>> -> memref<128xi32, #tpu.memory_space<hbm>>
    tpu.enqueue_dma source(%dma_start3A_28 : memref<128xi32, #tpu.memory_space<hbm>>) target(%arg14 : memref<128xi32, #tpu.memory_space<vmem>>) target_semaphore(%arg20 : memref<!tpu.dma_semaphore, #tpu.memory_space<semaphore_mem>>)
    %add3A_29 = arith.constant 256 : i32
    %add3A_30 = arith.addi %mul3A_4, %add3A_29 : i32
    %dma_start3A_31 = tpu.memref_slice %arg3[%add3A_30] : memref<327680xi32, #tpu.memory_space<hbm>> -> memref<128xi32, #tpu.memory_space<hbm>>
    %dma_start3A_32 = tpu.memref_slice %arg3[%add3A_30] : memref<327680xi32, #tpu.memory_space<hbm>> -> memref<128xi32, #tpu.memory_space<hbm>>
    tpu.enqueue_dma source(%dma_start3A_32 : memref<128xi32, #tpu.memory_space<hbm>>) target(%arg11 : memref<128xi32, #tpu.memory_space<vmem>>) target_semaphore(%arg21 : memref<!tpu.dma_semaphore, #tpu.memory_space<semaphore_mem>>)
    %add3A_33 = arith.constant 256 : i32
    %add3A_34 = arith.addi %mul3A_4, %add3A_33 : i32
    %dma_start3A_35 = tpu.memref_slice %arg4[%add3A_34] : memref<327680xi32, #tpu.memory_space<hbm>> -> memref<128xi32, #tpu.memory_space<hbm>>
    %dma_start3A_36 = tpu.memref_slice %arg4[%add3A_34] : memref<327680xi32, #tpu.memory_space<hbm>> -> memref<128xi32, #tpu.memory_space<hbm>>
    tpu.enqueue_dma source(%dma_start3A_36 : memref<128xi32, #tpu.memory_space<hbm>>) target(%arg15 : memref<128xi32, #tpu.memory_space<vmem>>) target_semaphore(%arg21 : memref<!tpu.dma_semaphore, #tpu.memory_space<semaphore_mem>>)
    %add3A_37 = arith.constant 384 : i32
    %add3A_38 = arith.addi %mul3A_4, %add3A_37 : i32
    %dma_start3A_39 = tpu.memref_slice %arg3[%add3A_38] : memref<327680xi32, #tpu.memory_space<hbm>> -> memref<128xi32, #tpu.memory_space<hbm>>
    %dma_start3A_40 = tpu.memref_slice %arg3[%add3A_38] : memref<327680xi32, #tpu.memory_space<hbm>> -> memref<128xi32, #tpu.memory_space<hbm>>
    tpu.enqueue_dma source(%dma_start3A_40 : memref<128xi32, #tpu.memory_space<hbm>>) target(%arg12 : memref<128xi32, #tpu.memory_space<vmem>>) target_semaphore(%arg22 : memref<!tpu.dma_semaphore, #tpu.memory_space<semaphore_mem>>)
    %add3A_41 = arith.constant 384 : i32
    %add3A_42 = arith.addi %mul3A_4, %add3A_41 : i32
    %dma_start3A_43 = tpu.memref_slice %arg4[%add3A_42] : memref<327680xi32, #tpu.memory_space<hbm>> -> memref<128xi32, #tpu.memory_space<hbm>>
    %dma_start3A_44 = tpu.memref_slice %arg4[%add3A_42] : memref<327680xi32, #tpu.memory_space<hbm>> -> memref<128xi32, #tpu.memory_space<hbm>>
    tpu.enqueue_dma source(%dma_start3A_44 : memref<128xi32, #tpu.memory_space<hbm>>) target(%arg16 : memref<128xi32, #tpu.memory_space<vmem>>) target_semaphore(%arg22 : memref<!tpu.dma_semaphore, #tpu.memory_space<semaphore_mem>>)
    %add3A_45 = arith.constant 0 : i32
    %add3A_46 = arith.addi %mul3A_4, %add3A_45 : i32
    %dma_wait3A = tpu.memref_slice %arg3[%add3A_46] : memref<327680xi32, #tpu.memory_space<hbm>> -> memref<128xi32, #tpu.memory_space<hbm>>
    %dma_wait3A_47 = tpu.memref_slice %arg3[%add3A_46] : memref<327680xi32, #tpu.memory_space<hbm>> -> memref<128xi32, #tpu.memory_space<hbm>>
    tpu.wait_dma2 semaphore(%arg19 : memref<!tpu.dma_semaphore, #tpu.memory_space<semaphore_mem>>) src(%dma_wait3A_47 : memref<128xi32, #tpu.memory_space<hbm>>) dst(%arg9 : memref<128xi32, #tpu.memory_space<vmem>>)
    %add3A_48 = arith.constant 0 : i32
    %add3A_49 = arith.addi %mul3A_4, %add3A_48 : i32
    %dma_wait3A_50 = tpu.memref_slice %arg4[%add3A_49] : memref<327680xi32, #tpu.memory_space<hbm>> -> memref<128xi32, #tpu.memory_space<hbm>>
    %dma_wait3A_51 = tpu.memref_slice %arg4[%add3A_49] : memref<327680xi32, #tpu.memory_space<hbm>> -> memref<128xi32, #tpu.memory_space<hbm>>
    tpu.wait_dma2 semaphore(%arg19 : memref<!tpu.dma_semaphore, #tpu.memory_space<semaphore_mem>>) src(%dma_wait3A_51 : memref<128xi32, #tpu.memory_space<hbm>>) dst(%arg13 : memref<128xi32, #tpu.memory_space<vmem>>)
    %dma_start3A_52 = arith.constant 0 : i32
    %dma_start3A_53 = arith.constant 0 : i32
    %dma_start3A_54 = tpu.memref_slice %arg2[%dma_start3A_52, %dma_start3A_53] : memref<10000x128xf32, #tpu.memory_space<hbm>> -> memref<10000x128xf32, #tpu.memory_space<hbm>>
    tpu.enqueue_indirect_dma source(%dma_start3A_54 : memref<10000x128xf32, #tpu.memory_space<hbm>>) target(%arg7 : memref<128x128xf32, #tpu.memory_space<vmem>>) offsets(%arg9 : memref<128xi32, #tpu.memory_space<vmem>>) semaphore(%arg17 : memref<!tpu.dma_semaphore, #tpu.memory_space<semaphore_mem>>)
    %add3A_55 = arith.constant 128 : i32
    %add3A_56 = arith.addi %mul3A_4, %add3A_55 : i32
    %dma_wait3A_57 = tpu.memref_slice %arg3[%add3A_56] : memref<327680xi32, #tpu.memory_space<hbm>> -> memref<128xi32, #tpu.memory_space<hbm>>
    %dma_wait3A_58 = tpu.memref_slice %arg3[%add3A_56] : memref<327680xi32, #tpu.memory_space<hbm>> -> memref<128xi32, #tpu.memory_space<hbm>>
    tpu.wait_dma2 semaphore(%arg20 : memref<!tpu.dma_semaphore, #tpu.memory_space<semaphore_mem>>) src(%dma_wait3A_58 : memref<128xi32, #tpu.memory_space<hbm>>) dst(%arg10 : memref<128xi32, #tpu.memory_space<vmem>>)
    %add3A_59 = arith.constant 128 : i32
    %add3A_60 = arith.addi %mul3A_4, %add3A_59 : i32
    %dma_wait3A_61 = tpu.memref_slice %arg4[%add3A_60] : memref<327680xi32, #tpu.memory_space<hbm>> -> memref<128xi32, #tpu.memory_space<hbm>>
    %dma_wait3A_62 = tpu.memref_slice %arg4[%add3A_60] : memref<327680xi32, #tpu.memory_space<hbm>> -> memref<128xi32, #tpu.memory_space<hbm>>
    tpu.wait_dma2 semaphore(%arg20 : memref<!tpu.dma_semaphore, #tpu.memory_space<semaphore_mem>>) src(%dma_wait3A_62 : memref<128xi32, #tpu.memory_space<hbm>>) dst(%arg14 : memref<128xi32, #tpu.memory_space<vmem>>)
    %dma_start3A_63 = arith.constant 0 : i32
    %dma_start3A_64 = arith.constant 0 : i32
    %dma_start3A_65 = tpu.memref_slice %arg2[%dma_start3A_63, %dma_start3A_64] : memref<10000x128xf32, #tpu.memory_space<hbm>> -> memref<10000x128xf32, #tpu.memory_space<hbm>>
    tpu.enqueue_indirect_dma source(%dma_start3A_65 : memref<10000x128xf32, #tpu.memory_space<hbm>>) target(%arg8 : memref<128x128xf32, #tpu.memory_space<vmem>>) offsets(%arg10 : memref<128xi32, #tpu.memory_space<vmem>>) semaphore(%arg18 : memref<!tpu.dma_semaphore, #tpu.memory_space<semaphore_mem>>)
    %scan3A_66 = arith.constant 0 : i32
    %scan3A_67 = arith.constant 20 : i32
    %scan3A_68 = arith.addi %scan3A_66, %scan3A_67 : i32
    %scan3A_69 = arith.constant 1 : i32
    scf.for %scan3A_76 = %scan3A_66 to %scan3A_68 step %scan3A_69  : i32 {
      %mul3A_77 = arith.constant 4 : i32
      %mul3A_78 = arith.muli %scan3A_76, %mul3A_77 : i32
      %add3A_79 = arith.constant 0 : i32
      %add3A_80 = arith.addi %add3A_79, %mul3A_78 : i32
      %add3A_81 = arith.constant 0 : i32
      %add3A_82 = arith.addi %add3A_80, %add3A_81 : i32
      %dma_wait3A_83 = arith.constant 0 : i32
      %dma_wait3A_84 = arith.constant 0 : i32
      %dma_wait3A_85 = tpu.memref_slice %arg2[%dma_wait3A_83, %dma_wait3A_84] : memref<10000x128xf32, #tpu.memory_space<hbm>> -> memref<10000x128xf32, #tpu.memory_space<hbm>>
      tpu.wait_indirect_dma semaphore(%arg17 : memref<!tpu.dma_semaphore, #tpu.memory_space<semaphore_mem>>) src(%dma_wait3A_85 : memref<10000x128xf32, #tpu.memory_space<hbm>>) dst(%arg7 : memref<128x128xf32, #tpu.memory_space<vmem>>)
      "tpu.region"() ({
        %run_scoped3A = tpu.sem_alloc : memref<!tpu.dma_semaphore, #tpu.memory_space<semaphore_mem>>
        %dma_start3A_154 = arith.constant 0 : i32
        %dma_start3A_155 = arith.constant 0 : i32
        %dma_start3A_156 = tpu.memref_slice %arg6[%dma_start3A_154, %dma_start3A_155] : memref<10240x128xf32, #tpu.memory_space<vmem_shared>> -> memref<10240x128xf32, #tpu.memory_space<vmem_shared>>
        tpu.enqueue_indirect_dma source(%arg7 : memref<128x128xf32, #tpu.memory_space<vmem>>) target(%dma_start3A_156 : memref<10240x128xf32, #tpu.memory_space<vmem_shared>>) offsets(%arg13 : memref<128xi32, #tpu.memory_space<vmem>>) semaphore(%run_scoped3A : memref<!tpu.dma_semaphore, #tpu.memory_space<semaphore_mem>>) {add = true}
        %dma_wait3A_157 = arith.constant 0 : i32
        %dma_wait3A_158 = arith.constant 0 : i32
        %dma_wait3A_159 = tpu.memref_slice %arg6[%dma_wait3A_157, %dma_wait3A_158] : memref<10240x128xf32, #tpu.memory_space<vmem_shared>> -> memref<10240x128xf32, #tpu.memory_space<vmem_shared>>
        tpu.wait_indirect_dma semaphore(%run_scoped3A : memref<!tpu.dma_semaphore, #tpu.memory_space<semaphore_mem>>) src(%arg7 : memref<128x128xf32, #tpu.memory_space<vmem>>) dst(%dma_wait3A_159 : memref<10240x128xf32, #tpu.memory_space<vmem_shared>>)
        tpu.yield
      }) : () -> ()
      %add3A_86 = arith.constant 4 : i32
      %add3A_87 = arith.addi %add3A_82, %add3A_86 : i32
      %lt3A = arith.constant 80 : i32
      %lt3A_88 = arith.cmpi slt, %add3A_87, %lt3A : i32
      %convert_element_type3A = arith.extui %lt3A_88 : i1 to i32
      %cond3A = arith.constant 0 : i32
      %cond3A_89 = arith.cmpi ne, %convert_element_type3A, %cond3A : i32
      scf.if %cond3A_89 {
        %add3A_154 = arith.constant 4 : i32
        %add3A_155 = arith.addi %add3A_82, %add3A_154 : i32
        %mul3A_156 = arith.constant 128 : i32
        %mul3A_157 = arith.muli %add3A_155, %mul3A_156 : i32
        %add3A_158 = arith.addi %mul3A_4, %mul3A_157 : i32
        %dma_start3A_159 = tpu.memref_slice %arg3[%add3A_158] : memref<327680xi32, #tpu.memory_space<hbm>> -> memref<128xi32, #tpu.memory_space<hbm>>
        %dma_start3A_160 = tpu.memref_slice %arg3[%add3A_158] : memref<327680xi32, #tpu.memory_space<hbm>> -> memref<128xi32, #tpu.memory_space<hbm>>
        tpu.enqueue_dma source(%dma_start3A_160 : memref<128xi32, #tpu.memory_space<hbm>>) target(%arg9 : memref<128xi32, #tpu.memory_space<vmem>>) target_semaphore(%arg19 : memref<!tpu.dma_semaphore, #tpu.memory_space<semaphore_mem>>)
        %mul3A_161 = arith.constant 128 : i32
        %mul3A_162 = arith.muli %add3A_155, %mul3A_161 : i32
        %add3A_163 = arith.addi %mul3A_4, %mul3A_162 : i32
        %dma_start3A_164 = tpu.memref_slice %arg4[%add3A_163] : memref<327680xi32, #tpu.memory_space<hbm>> -> memref<128xi32, #tpu.memory_space<hbm>>
        %dma_start3A_165 = tpu.memref_slice %arg4[%add3A_163] : memref<327680xi32, #tpu.memory_space<hbm>> -> memref<128xi32, #tpu.memory_space<hbm>>
        tpu.enqueue_dma source(%dma_start3A_165 : memref<128xi32, #tpu.memory_space<hbm>>) target(%arg13 : memref<128xi32, #tpu.memory_space<vmem>>) target_semaphore(%arg19 : memref<!tpu.dma_semaphore, #tpu.memory_space<semaphore_mem>>)
      } else {
      }
      %add3A_90 = arith.constant 2 : i32
      %add3A_91 = arith.addi %add3A_82, %add3A_90 : i32
      %lt3A_92 = arith.constant 80 : i32
      %lt3A_93 = arith.cmpi slt, %add3A_91, %lt3A_92 : i32
      %convert_element_type3A_94 = arith.extui %lt3A_93 : i1 to i32
      %cond3A_95 = arith.constant 0 : i32
      %cond3A_96 = arith.cmpi ne, %convert_element_type3A_94, %cond3A_95 : i32
      scf.if %cond3A_96 {
        %add3A_154 = arith.constant 2 : i32
        %add3A_155 = arith.addi %add3A_82, %add3A_154 : i32
        %mul3A_156 = arith.constant 128 : i32
        %mul3A_157 = arith.muli %add3A_155, %mul3A_156 : i32
        %add3A_158 = arith.addi %mul3A_4, %mul3A_157 : i32
        %dma_wait3A_159 = tpu.memref_slice %arg3[%add3A_158] : memref<327680xi32, #tpu.memory_space<hbm>> -> memref<128xi32, #tpu.memory_space<hbm>>
        %dma_wait3A_160 = tpu.memref_slice %arg3[%add3A_158] : memref<327680xi32, #tpu.memory_space<hbm>> -> memref<128xi32, #tpu.memory_space<hbm>>
        tpu.wait_dma2 semaphore(%arg21 : memref<!tpu.dma_semaphore, #tpu.memory_space<semaphore_mem>>) src(%dma_wait3A_160 : memref<128xi32, #tpu.memory_space<hbm>>) dst(%arg11 : memref<128xi32, #tpu.memory_space<vmem>>)
        %mul3A_161 = arith.constant 128 : i32
        %mul3A_162 = arith.muli %add3A_155, %mul3A_161 : i32
        %add3A_163 = arith.addi %mul3A_4, %mul3A_162 : i32
        %dma_wait3A_164 = tpu.memref_slice %arg4[%add3A_163] : memref<327680xi32, #tpu.memory_space<hbm>> -> memref<128xi32, #tpu.memory_space<hbm>>
        %dma_wait3A_165 = tpu.memref_slice %arg4[%add3A_163] : memref<327680xi32, #tpu.memory_space<hbm>> -> memref<128xi32, #tpu.memory_space<hbm>>
        tpu.wait_dma2 semaphore(%arg21 : memref<!tpu.dma_semaphore, #tpu.memory_space<semaphore_mem>>) src(%dma_wait3A_165 : memref<128xi32, #tpu.memory_space<hbm>>) dst(%arg15 : memref<128xi32, #tpu.memory_space<vmem>>)
        %dma_start3A_166 = arith.constant 0 : i32
        %dma_start3A_167 = arith.constant 0 : i32
        %dma_start3A_168 = tpu.memref_slice %arg2[%dma_start3A_166, %dma_start3A_167] : memref<10000x128xf32, #tpu.memory_space<hbm>> -> memref<10000x128xf32, #tpu.memory_space<hbm>>
        tpu.enqueue_indirect_dma source(%dma_start3A_168 : memref<10000x128xf32, #tpu.memory_space<hbm>>) target(%arg7 : memref<128x128xf32, #tpu.memory_space<vmem>>) offsets(%arg11 : memref<128xi32, #tpu.memory_space<vmem>>) semaphore(%arg17 : memref<!tpu.dma_semaphore, #tpu.memory_space<semaphore_mem>>)
      } else {
      }
      %add3A_97 = arith.constant 1 : i32
      %add3A_98 = arith.addi %add3A_80, %add3A_97 : i32
      %dma_wait3A_99 = arith.constant 0 : i32
      %dma_wait3A_100 = arith.constant 0 : i32
      %dma_wait3A_101 = tpu.memref_slice %arg2[%dma_wait3A_99, %dma_wait3A_100] : memref<10000x128xf32, #tpu.memory_space<hbm>> -> memref<10000x128xf32, #tpu.memory_space<hbm>>
      tpu.wait_indirect_dma semaphore(%arg18 : memref<!tpu.dma_semaphore, #tpu.memory_space<semaphore_mem>>) src(%dma_wait3A_101 : memref<10000x128xf32, #tpu.memory_space<hbm>>) dst(%arg8 : memref<128x128xf32, #tpu.memory_space<vmem>>)
      "tpu.region"() ({
        %run_scoped3A = tpu.sem_alloc : memref<!tpu.dma_semaphore, #tpu.memory_space<semaphore_mem>>
        %dma_start3A_154 = arith.constant 0 : i32
        %dma_start3A_155 = arith.constant 0 : i32
        %dma_start3A_156 = tpu.memref_slice %arg6[%dma_start3A_154, %dma_start3A_155] : memref<10240x128xf32, #tpu.memory_space<vmem_shared>> -> memref<10240x128xf32, #tpu.memory_space<vmem_shared>>
        tpu.enqueue_indirect_dma source(%arg8 : memref<128x128xf32, #tpu.memory_space<vmem>>) target(%dma_start3A_156 : memref<10240x128xf32, #tpu.memory_space<vmem_shared>>) offsets(%arg14 : memref<128xi32, #tpu.memory_space<vmem>>) semaphore(%run_scoped3A : memref<!tpu.dma_semaphore, #tpu.memory_space<semaphore_mem>>) {add = true}
        %dma_wait3A_157 = arith.constant 0 : i32
        %dma_wait3A_158 = arith.constant 0 : i32
        %dma_wait3A_159 = tpu.memref_slice %arg6[%dma_wait3A_157, %dma_wait3A_158] : memref<10240x128xf32, #tpu.memory_space<vmem_shared>> -> memref<10240x128xf32, #tpu.memory_space<vmem_shared>>
        tpu.wait_indirect_dma semaphore(%run_scoped3A : memref<!tpu.dma_semaphore, #tpu.memory_space<semaphore_mem>>) src(%arg8 : memref<128x128xf32, #tpu.memory_space<vmem>>) dst(%dma_wait3A_159 : memref<10240x128xf32, #tpu.memory_space<vmem_shared>>)
        tpu.yield
      }) : () -> ()
      %add3A_102 = arith.constant 4 : i32
      %add3A_103 = arith.addi %add3A_98, %add3A_102 : i32
      %lt3A_104 = arith.constant 80 : i32
      %lt3A_105 = arith.cmpi slt, %add3A_103, %lt3A_104 : i32
      %convert_element_type3A_106 = arith.extui %lt3A_105 : i1 to i32
      %cond3A_107 = arith.constant 0 : i32
      %cond3A_108 = arith.cmpi ne, %convert_element_type3A_106, %cond3A_107 : i32
      scf.if %cond3A_108 {
        %add3A_154 = arith.constant 4 : i32
        %add3A_155 = arith.addi %add3A_98, %add3A_154 : i32
        %mul3A_156 = arith.constant 128 : i32
        %mul3A_157 = arith.muli %add3A_155, %mul3A_156 : i32
        %add3A_158 = arith.addi %mul3A_4, %mul3A_157 : i32
        %dma_start3A_159 = tpu.memref_slice %arg3[%add3A_158] : memref<327680xi32, #tpu.memory_space<hbm>> -> memref<128xi32, #tpu.memory_space<hbm>>
        %dma_start3A_160 = tpu.memref_slice %arg3[%add3A_158] : memref<327680xi32, #tpu.memory_space<hbm>> -> memref<128xi32, #tpu.memory_space<hbm>>
        tpu.enqueue_dma source(%dma_start3A_160 : memref<128xi32, #tpu.memory_space<hbm>>) target(%arg10 : memref<128xi32, #tpu.memory_space<vmem>>) target_semaphore(%arg20 : memref<!tpu.dma_semaphore, #tpu.memory_space<semaphore_mem>>)
        %mul3A_161 = arith.constant 128 : i32
        %mul3A_162 = arith.muli %add3A_155, %mul3A_161 : i32
        %add3A_163 = arith.addi %mul3A_4, %mul3A_162 : i32
        %dma_start3A_164 = tpu.memref_slice %arg4[%add3A_163] : memref<327680xi32, #tpu.memory_space<hbm>> -> memref<128xi32, #tpu.memory_space<hbm>>
        %dma_start3A_165 = tpu.memref_slice %arg4[%add3A_163] : memref<327680xi32, #tpu.memory_space<hbm>> -> memref<128xi32, #tpu.memory_space<hbm>>
        tpu.enqueue_dma source(%dma_start3A_165 : memref<128xi32, #tpu.memory_space<hbm>>) target(%arg14 : memref<128xi32, #tpu.memory_space<vmem>>) target_semaphore(%arg20 : memref<!tpu.dma_semaphore, #tpu.memory_space<semaphore_mem>>)
      } else {
      }
      %add3A_109 = arith.constant 2 : i32
      %add3A_110 = arith.addi %add3A_98, %add3A_109 : i32
      %lt3A_111 = arith.constant 80 : i32
      %lt3A_112 = arith.cmpi slt, %add3A_110, %lt3A_111 : i32
      %convert_element_type3A_113 = arith.extui %lt3A_112 : i1 to i32
      %cond3A_114 = arith.constant 0 : i32
      %cond3A_115 = arith.cmpi ne, %convert_element_type3A_113, %cond3A_114 : i32
      scf.if %cond3A_115 {
        %add3A_154 = arith.constant 2 : i32
        %add3A_155 = arith.addi %add3A_98, %add3A_154 : i32
        %mul3A_156 = arith.constant 128 : i32
        %mul3A_157 = arith.muli %add3A_155, %mul3A_156 : i32
        %add3A_158 = arith.addi %mul3A_4, %mul3A_157 : i32
        %dma_wait3A_159 = tpu.memref_slice %arg3[%add3A_158] : memref<327680xi32, #tpu.memory_space<hbm>> -> memref<128xi32, #tpu.memory_space<hbm>>
        %dma_wait3A_160 = tpu.memref_slice %arg3[%add3A_158] : memref<327680xi32, #tpu.memory_space<hbm>> -> memref<128xi32, #tpu.memory_space<hbm>>
        tpu.wait_dma2 semaphore(%arg22 : memref<!tpu.dma_semaphore, #tpu.memory_space<semaphore_mem>>) src(%dma_wait3A_160 : memref<128xi32, #tpu.memory_space<hbm>>) dst(%arg12 : memref<128xi32, #tpu.memory_space<vmem>>)
        %mul3A_161 = arith.constant 128 : i32
        %mul3A_162 = arith.muli %add3A_155, %mul3A_161 : i32
        %add3A_163 = arith.addi %mul3A_4, %mul3A_162 : i32
        %dma_wait3A_164 = tpu.memref_slice %arg4[%add3A_163] : memref<327680xi32, #tpu.memory_space<hbm>> -> memref<128xi32, #tpu.memory_space<hbm>>
        %dma_wait3A_165 = tpu.memref_slice %arg4[%add3A_163] : memref<327680xi32, #tpu.memory_space<hbm>> -> memref<128xi32, #tpu.memory_space<hbm>>
        tpu.wait_dma2 semaphore(%arg22 : memref<!tpu.dma_semaphore, #tpu.memory_space<semaphore_mem>>) src(%dma_wait3A_165 : memref<128xi32, #tpu.memory_space<hbm>>) dst(%arg16 : memref<128xi32, #tpu.memory_space<vmem>>)
        %dma_start3A_166 = arith.constant 0 : i32
        %dma_start3A_167 = arith.constant 0 : i32
        %dma_start3A_168 = tpu.memref_slice %arg2[%dma_start3A_166, %dma_start3A_167] : memref<10000x128xf32, #tpu.memory_space<hbm>> -> memref<10000x128xf32, #tpu.memory_space<hbm>>
        tpu.enqueue_indirect_dma source(%dma_start3A_168 : memref<10000x128xf32, #tpu.memory_space<hbm>>) target(%arg8 : memref<128x128xf32, #tpu.memory_space<vmem>>) offsets(%arg12 : memref<128xi32, #tpu.memory_space<vmem>>) semaphore(%arg18 : memref<!tpu.dma_semaphore, #tpu.memory_space<semaphore_mem>>)
      } else {
      }
      %add3A_116 = arith.constant 2 : i32
      %add3A_117 = arith.addi %add3A_80, %add3A_116 : i32
      %dma_wait3A_118 = arith.constant 0 : i32
      %dma_wait3A_119 = arith.constant 0 : i32
      %dma_wait3A_120 = tpu.memref_slice %arg2[%dma_wait3A_118, %dma_wait3A_119] : memref<10000x128xf32, #tpu.memory_space<hbm>> -> memref<10000x128xf32, #tpu.memory_space<hbm>>
      tpu.wait_indirect_dma semaphore(%arg17 : memref<!tpu.dma_semaphore, #tpu.memory_space<semaphore_mem>>) src(%dma_wait3A_120 : memref<10000x128xf32, #tpu.memory_space<hbm>>) dst(%arg7 : memref<128x128xf32, #tpu.memory_space<vmem>>)
      "tpu.region"() ({
        %run_scoped3A = tpu.sem_alloc : memref<!tpu.dma_semaphore, #tpu.memory_space<semaphore_mem>>
        %dma_start3A_154 = arith.constant 0 : i32
        %dma_start3A_155 = arith.constant 0 : i32
        %dma_start3A_156 = tpu.memref_slice %arg6[%dma_start3A_154, %dma_start3A_155] : memref<10240x128xf32, #tpu.memory_space<vmem_shared>> -> memref<10240x128xf32, #tpu.memory_space<vmem_shared>>
        tpu.enqueue_indirect_dma source(%arg7 : memref<128x128xf32, #tpu.memory_space<vmem>>) target(%dma_start3A_156 : memref<10240x128xf32, #tpu.memory_space<vmem_shared>>) offsets(%arg15 : memref<128xi32, #tpu.memory_space<vmem>>) semaphore(%run_scoped3A : memref<!tpu.dma_semaphore, #tpu.memory_space<semaphore_mem>>) {add = true}
        %dma_wait3A_157 = arith.constant 0 : i32
        %dma_wait3A_158 = arith.constant 0 : i32
        %dma_wait3A_159 = tpu.memref_slice %arg6[%dma_wait3A_157, %dma_wait3A_158] : memref<10240x128xf32, #tpu.memory_space<vmem_shared>> -> memref<10240x128xf32, #tpu.memory_space<vmem_shared>>
        tpu.wait_indirect_dma semaphore(%run_scoped3A : memref<!tpu.dma_semaphore, #tpu.memory_space<semaphore_mem>>) src(%arg7 : memref<128x128xf32, #tpu.memory_space<vmem>>) dst(%dma_wait3A_159 : memref<10240x128xf32, #tpu.memory_space<vmem_shared>>)
        tpu.yield
      }) : () -> ()
      %add3A_121 = arith.constant 4 : i32
      %add3A_122 = arith.addi %add3A_117, %add3A_121 : i32
      %lt3A_123 = arith.constant 80 : i32
      %lt3A_124 = arith.cmpi slt, %add3A_122, %lt3A_123 : i32
      %convert_element_type3A_125 = arith.extui %lt3A_124 : i1 to i32
      %cond3A_126 = arith.constant 0 : i32
      %cond3A_127 = arith.cmpi ne, %convert_element_type3A_125, %cond3A_126 : i32
      scf.if %cond3A_127 {
        %add3A_154 = arith.constant 4 : i32
        %add3A_155 = arith.addi %add3A_117, %add3A_154 : i32
        %mul3A_156 = arith.constant 128 : i32
        %mul3A_157 = arith.muli %add3A_155, %mul3A_156 : i32
        %add3A_158 = arith.addi %mul3A_4, %mul3A_157 : i32
        %dma_start3A_159 = tpu.memref_slice %arg3[%add3A_158] : memref<327680xi32, #tpu.memory_space<hbm>> -> memref<128xi32, #tpu.memory_space<hbm>>
        %dma_start3A_160 = tpu.memref_slice %arg3[%add3A_158] : memref<327680xi32, #tpu.memory_space<hbm>> -> memref<128xi32, #tpu.memory_space<hbm>>
        tpu.enqueue_dma source(%dma_start3A_160 : memref<128xi32, #tpu.memory_space<hbm>>) target(%arg11 : memref<128xi32, #tpu.memory_space<vmem>>) target_semaphore(%arg21 : memref<!tpu.dma_semaphore, #tpu.memory_space<semaphore_mem>>)
        %mul3A_161 = arith.constant 128 : i32
        %mul3A_162 = arith.muli %add3A_155, %mul3A_161 : i32
        %add3A_163 = arith.addi %mul3A_4, %mul3A_162 : i32
        %dma_start3A_164 = tpu.memref_slice %arg4[%add3A_163] : memref<327680xi32, #tpu.memory_space<hbm>> -> memref<128xi32, #tpu.memory_space<hbm>>
        %dma_start3A_165 = tpu.memref_slice %arg4[%add3A_163] : memref<327680xi32, #tpu.memory_space<hbm>> -> memref<128xi32, #tpu.memory_space<hbm>>
        tpu.enqueue_dma source(%dma_start3A_165 : memref<128xi32, #tpu.memory_space<hbm>>) target(%arg15 : memref<128xi32, #tpu.memory_space<vmem>>) target_semaphore(%arg21 : memref<!tpu.dma_semaphore, #tpu.memory_space<semaphore_mem>>)
      } else {
      }
      %add3A_128 = arith.constant 2 : i32
      %add3A_129 = arith.addi %add3A_117, %add3A_128 : i32
      %lt3A_130 = arith.constant 80 : i32
      %lt3A_131 = arith.cmpi slt, %add3A_129, %lt3A_130 : i32
      %convert_element_type3A_132 = arith.extui %lt3A_131 : i1 to i32
      %cond3A_133 = arith.constant 0 : i32
      %cond3A_134 = arith.cmpi ne, %convert_element_type3A_132, %cond3A_133 : i32
      scf.if %cond3A_134 {
        %add3A_154 = arith.constant 2 : i32
        %add3A_155 = arith.addi %add3A_117, %add3A_154 : i32
        %mul3A_156 = arith.constant 128 : i32
        %mul3A_157 = arith.muli %add3A_155, %mul3A_156 : i32
        %add3A_158 = arith.addi %mul3A_4, %mul3A_157 : i32
        %dma_wait3A_159 = tpu.memref_slice %arg3[%add3A_158] : memref<327680xi32, #tpu.memory_space<hbm>> -> memref<128xi32, #tpu.memory_space<hbm>>
        %dma_wait3A_160 = tpu.memref_slice %arg3[%add3A_158] : memref<327680xi32, #tpu.memory_space<hbm>> -> memref<128xi32, #tpu.memory_space<hbm>>
        tpu.wait_dma2 semaphore(%arg19 : memref<!tpu.dma_semaphore, #tpu.memory_space<semaphore_mem>>) src(%dma_wait3A_160 : memref<128xi32, #tpu.memory_space<hbm>>) dst(%arg9 : memref<128xi32, #tpu.memory_space<vmem>>)
        %mul3A_161 = arith.constant 128 : i32
        %mul3A_162 = arith.muli %add3A_155, %mul3A_161 : i32
        %add3A_163 = arith.addi %mul3A_4, %mul3A_162 : i32
        %dma_wait3A_164 = tpu.memref_slice %arg4[%add3A_163] : memref<327680xi32, #tpu.memory_space<hbm>> -> memref<128xi32, #tpu.memory_space<hbm>>
        %dma_wait3A_165 = tpu.memref_slice %arg4[%add3A_163] : memref<327680xi32, #tpu.memory_space<hbm>> -> memref<128xi32, #tpu.memory_space<hbm>>
        tpu.wait_dma2 semaphore(%arg19 : memref<!tpu.dma_semaphore, #tpu.memory_space<semaphore_mem>>) src(%dma_wait3A_165 : memref<128xi32, #tpu.memory_space<hbm>>) dst(%arg13 : memref<128xi32, #tpu.memory_space<vmem>>)
        %dma_start3A_166 = arith.constant 0 : i32
        %dma_start3A_167 = arith.constant 0 : i32
        %dma_start3A_168 = tpu.memref_slice %arg2[%dma_start3A_166, %dma_start3A_167] : memref<10000x128xf32, #tpu.memory_space<hbm>> -> memref<10000x128xf32, #tpu.memory_space<hbm>>
        tpu.enqueue_indirect_dma source(%dma_start3A_168 : memref<10000x128xf32, #tpu.memory_space<hbm>>) target(%arg7 : memref<128x128xf32, #tpu.memory_space<vmem>>) offsets(%arg9 : memref<128xi32, #tpu.memory_space<vmem>>) semaphore(%arg17 : memref<!tpu.dma_semaphore, #tpu.memory_space<semaphore_mem>>)
      } else {
      }
      %add3A_135 = arith.constant 3 : i32
      %add3A_136 = arith.addi %add3A_80, %add3A_135 : i32
      %dma_wait3A_137 = arith.constant 0 : i32
      %dma_wait3A_138 = arith.constant 0 : i32
      %dma_wait3A_139 = tpu.memref_slice %arg2[%dma_wait3A_137, %dma_wait3A_138] : memref<10000x128xf32, #tpu.memory_space<hbm>> -> memref<10000x128xf32, #tpu.memory_space<hbm>>
      tpu.wait_indirect_dma semaphore(%arg18 : memref<!tpu.dma_semaphore, #tpu.memory_space<semaphore_mem>>) src(%dma_wait3A_139 : memref<10000x128xf32, #tpu.memory_space<hbm>>) dst(%arg8 : memref<128x128xf32, #tpu.memory_space<vmem>>)
      "tpu.region"() ({
        %run_scoped3A = tpu.sem_alloc : memref<!tpu.dma_semaphore, #tpu.memory_space<semaphore_mem>>
        %dma_start3A_154 = arith.constant 0 : i32
        %dma_start3A_155 = arith.constant 0 : i32
        %dma_start3A_156 = tpu.memref_slice %arg6[%dma_start3A_154, %dma_start3A_155] : memref<10240x128xf32, #tpu.memory_space<vmem_shared>> -> memref<10240x128xf32, #tpu.memory_space<vmem_shared>>
        tpu.enqueue_indirect_dma source(%arg8 : memref<128x128xf32, #tpu.memory_space<vmem>>) target(%dma_start3A_156 : memref<10240x128xf32, #tpu.memory_space<vmem_shared>>) offsets(%arg16 : memref<128xi32, #tpu.memory_space<vmem>>) semaphore(%run_scoped3A : memref<!tpu.dma_semaphore, #tpu.memory_space<semaphore_mem>>) {add = true}
        %dma_wait3A_157 = arith.constant 0 : i32
        %dma_wait3A_158 = arith.constant 0 : i32
        %dma_wait3A_159 = tpu.memref_slice %arg6[%dma_wait3A_157, %dma_wait3A_158] : memref<10240x128xf32, #tpu.memory_space<vmem_shared>> -> memref<10240x128xf32, #tpu.memory_space<vmem_shared>>
        tpu.wait_indirect_dma semaphore(%run_scoped3A : memref<!tpu.dma_semaphore, #tpu.memory_space<semaphore_mem>>) src(%arg8 : memref<128x128xf32, #tpu.memory_space<vmem>>) dst(%dma_wait3A_159 : memref<10240x128xf32, #tpu.memory_space<vmem_shared>>)
        tpu.yield
      }) : () -> ()
      %add3A_140 = arith.constant 4 : i32
      %add3A_141 = arith.addi %add3A_136, %add3A_140 : i32
      %lt3A_142 = arith.constant 80 : i32
      %lt3A_143 = arith.cmpi slt, %add3A_141, %lt3A_142 : i32
      %convert_element_type3A_144 = arith.extui %lt3A_143 : i1 to i32
      %cond3A_145 = arith.constant 0 : i32
      %cond3A_146 = arith.cmpi ne, %convert_element_type3A_144, %cond3A_145 : i32
      scf.if %cond3A_146 {
        %add3A_154 = arith.constant 4 : i32
        %add3A_155 = arith.addi %add3A_136, %add3A_154 : i32
        %mul3A_156 = arith.constant 128 : i32
        %mul3A_157 = arith.muli %add3A_155, %mul3A_156 : i32
        %add3A_158 = arith.addi %mul3A_4, %mul3A_157 : i32
        %dma_start3A_159 = tpu.memref_slice %arg3[%add3A_158] : memref<327680xi32, #tpu.memory_space<hbm>> -> memref<128xi32, #tpu.memory_space<hbm>>
        %dma_start3A_160 = tpu.memref_slice %arg3[%add3A_158] : memref<327680xi32, #tpu.memory_space<hbm>> -> memref<128xi32, #tpu.memory_space<hbm>>
        tpu.enqueue_dma source(%dma_start3A_160 : memref<128xi32, #tpu.memory_space<hbm>>) target(%arg12 : memref<128xi32, #tpu.memory_space<vmem>>) target_semaphore(%arg22 : memref<!tpu.dma_semaphore, #tpu.memory_space<semaphore_mem>>)
        %mul3A_161 = arith.constant 128 : i32
        %mul3A_162 = arith.muli %add3A_155, %mul3A_161 : i32
        %add3A_163 = arith.addi %mul3A_4, %mul3A_162 : i32
        %dma_start3A_164 = tpu.memref_slice %arg4[%add3A_163] : memref<327680xi32, #tpu.memory_space<hbm>> -> memref<128xi32, #tpu.memory_space<hbm>>
        %dma_start3A_165 = tpu.memref_slice %arg4[%add3A_163] : memref<327680xi32, #tpu.memory_space<hbm>> -> memref<128xi32, #tpu.memory_space<hbm>>
        tpu.enqueue_dma source(%dma_start3A_165 : memref<128xi32, #tpu.memory_space<hbm>>) target(%arg16 : memref<128xi32, #tpu.memory_space<vmem>>) target_semaphore(%arg22 : memref<!tpu.dma_semaphore, #tpu.memory_space<semaphore_mem>>)
      } else {
      }
      %add3A_147 = arith.constant 2 : i32
      %add3A_148 = arith.addi %add3A_136, %add3A_147 : i32
      %lt3A_149 = arith.constant 80 : i32
      %lt3A_150 = arith.cmpi slt, %add3A_148, %lt3A_149 : i32
      %convert_element_type3A_151 = arith.extui %lt3A_150 : i1 to i32
      %cond3A_152 = arith.constant 0 : i32
      %cond3A_153 = arith.cmpi ne, %convert_element_type3A_151, %cond3A_152 : i32
      scf.if %cond3A_153 {
        %add3A_154 = arith.constant 2 : i32
        %add3A_155 = arith.addi %add3A_136, %add3A_154 : i32
        %mul3A_156 = arith.constant 128 : i32
        %mul3A_157 = arith.muli %add3A_155, %mul3A_156 : i32
        %add3A_158 = arith.addi %mul3A_4, %mul3A_157 : i32
        %dma_wait3A_159 = tpu.memref_slice %arg3[%add3A_158] : memref<327680xi32, #tpu.memory_space<hbm>> -> memref<128xi32, #tpu.memory_space<hbm>>
        %dma_wait3A_160 = tpu.memref_slice %arg3[%add3A_158] : memref<327680xi32, #tpu.memory_space<hbm>> -> memref<128xi32, #tpu.memory_space<hbm>>
        tpu.wait_dma2 semaphore(%arg20 : memref<!tpu.dma_semaphore, #tpu.memory_space<semaphore_mem>>) src(%dma_wait3A_160 : memref<128xi32, #tpu.memory_space<hbm>>) dst(%arg10 : memref<128xi32, #tpu.memory_space<vmem>>)
        %mul3A_161 = arith.constant 128 : i32
        %mul3A_162 = arith.muli %add3A_155, %mul3A_161 : i32
        %add3A_163 = arith.addi %mul3A_4, %mul3A_162 : i32
        %dma_wait3A_164 = tpu.memref_slice %arg4[%add3A_163] : memref<327680xi32, #tpu.memory_space<hbm>> -> memref<128xi32, #tpu.memory_space<hbm>>
        %dma_wait3A_165 = tpu.memref_slice %arg4[%add3A_163] : memref<327680xi32, #tpu.memory_space<hbm>> -> memref<128xi32, #tpu.memory_space<hbm>>
        tpu.wait_dma2 semaphore(%arg20 : memref<!tpu.dma_semaphore, #tpu.memory_space<semaphore_mem>>) src(%dma_wait3A_165 : memref<128xi32, #tpu.memory_space<hbm>>) dst(%arg14 : memref<128xi32, #tpu.memory_space<vmem>>)
        %dma_start3A_166 = arith.constant 0 : i32
        %dma_start3A_167 = arith.constant 0 : i32
        %dma_start3A_168 = tpu.memref_slice %arg2[%dma_start3A_166, %dma_start3A_167] : memref<10000x128xf32, #tpu.memory_space<hbm>> -> memref<10000x128xf32, #tpu.memory_space<hbm>>
        tpu.enqueue_indirect_dma source(%dma_start3A_168 : memref<10000x128xf32, #tpu.memory_space<hbm>>) target(%arg8 : memref<128x128xf32, #tpu.memory_space<vmem>>) offsets(%arg10 : memref<128xi32, #tpu.memory_space<vmem>>) semaphore(%arg18 : memref<!tpu.dma_semaphore, #tpu.memory_space<semaphore_mem>>)
      } else {
      }
    }
    %scan3A_70 = arith.constant 20 : i32
    %barrier3A_71 = arith.constant 0 : index
    tpu.barrier barrier_id(%barrier3A_71)
    %mul3A_72 = arith.constant 640 : i32
    %mul3A_73 = arith.muli %arg1, %mul3A_72 : i32
    %mul3A_74 = arith.constant 640 : i32
    %mul3A_75 = arith.muli %arg1, %mul3A_74 : i32
    "tpu.region"() ({
      %run_scoped3A = tpu.sem_alloc : memref<!tpu.dma_semaphore, #tpu.memory_space<semaphore_mem>>
      %dma_start3A_76 = arith.constant 0 : i32
      %dma_start3A_77 = arith.constant 0 : i32
      %dma_start3A_78 = tpu.memref_slice %arg5[%arg0, %dma_start3A_76, %dma_start3A_77] : memref<2x10240x128xf32, #tpu.memory_space<hbm>> -> memref<1x10240x128xf32, #tpu.memory_space<hbm>>
      %dma_start3A_79 = tpu.memref_squeeze %dma_start3A_78 : memref<1x10240x128xf32, #tpu.memory_space<hbm>> -> memref<10240x128xf32, #tpu.memory_space<hbm>>
      %dma_start3A_80 = arith.constant 0 : i32
      %dma_start3A_81 = tpu.memref_slice %dma_start3A_79[%mul3A_75, %dma_start3A_80] : memref<10240x128xf32, #tpu.memory_space<hbm>> -> memref<640x128xf32, #tpu.memory_space<hbm>>
      %dma_start3A_82 = arith.constant 0 : i32
      %dma_start3A_83 = tpu.memref_slice %arg6[%mul3A_73, %dma_start3A_82] : memref<10240x128xf32, #tpu.memory_space<vmem_shared>> -> memref<640x128xf32, #tpu.memory_space<vmem_shared>>
      tpu.enqueue_dma source(%dma_start3A_83 : memref<640x128xf32, #tpu.memory_space<vmem_shared>>) target(%dma_start3A_81 : memref<640x128xf32, #tpu.memory_space<hbm>>) target_semaphore(%run_scoped3A : memref<!tpu.dma_semaphore, #tpu.memory_space<semaphore_mem>>)
      %dma_wait3A_84 = arith.constant 0 : i32
      %dma_wait3A_85 = arith.constant 0 : i32
      %dma_wait3A_86 = tpu.memref_slice %arg5[%arg0, %dma_wait3A_84, %dma_wait3A_85] : memref<2x10240x128xf32, #tpu.memory_space<hbm>> -> memref<1x10240x128xf32, #tpu.memory_space<hbm>>
      %dma_wait3A_87 = tpu.memref_squeeze %dma_wait3A_86 : memref<1x10240x128xf32, #tpu.memory_space<hbm>> -> memref<10240x128xf32, #tpu.memory_space<hbm>>
      %dma_wait3A_88 = arith.constant 0 : i32
      %dma_wait3A_89 = tpu.memref_slice %dma_wait3A_87[%mul3A_75, %dma_wait3A_88] : memref<10240x128xf32, #tpu.memory_space<hbm>> -> memref<640x128xf32, #tpu.memory_space<hbm>>
      %dma_wait3A_90 = arith.constant 0 : i32
      %dma_wait3A_91 = tpu.memref_slice %arg6[%mul3A_73, %dma_wait3A_90] : memref<10240x128xf32, #tpu.memory_space<vmem_shared>> -> memref<640x128xf32, #tpu.memory_space<vmem_shared>>
      tpu.wait_dma2 semaphore(%run_scoped3A : memref<!tpu.dma_semaphore, #tpu.memory_space<semaphore_mem>>) src(%dma_wait3A_91 : memref<640x128xf32, #tpu.memory_space<vmem_shared>>) dst(%dma_wait3A_89 : memref<640x128xf32, #tpu.memory_space<hbm>>)
      tpu.yield
    }) : () -> ()
    return
  }
}

module attributes {stable_mosaic.version = 14 : i64} {
  func.func @_tc2_body(%arg0: i32, %arg1: memref<2x2000x128xf32, #tpu.memory_space<vmem>>, %arg2: memref<2000x128xf32, #tpu.memory_space<vmem>>, %arg3: memref<2x2000x16xf32, #tpu.memory_space<vmem>>, %arg4: memref<1x128xf32, #tpu.memory_space<vmem>>, %arg5: memref<128x128xf32, #tpu.memory_space<vmem>>, %arg6: memref<2000x128xf32, #tpu.memory_space<vmem>>) attributes {dimension_semantics = [#tpu.dimension_semantics<arbitrary>], iteration_bounds = array<i64: 5>, scalar_prefetch = 0 : i64, scratch_operands = 0 : i64, tpu.core_type = #tpu.core_type<tc>, window_params = [{transform_indices = @transform_0, window_bounds = array<i64: 2, 2000, 128>}, {transform_indices = @transform_1, window_bounds = array<i64: 2000, 128>}, {transform_indices = @transform_2, window_bounds = array<i64: 2, 2000, 16>}, {pipeline_mode = #tpu.pipeline_mode<synchronous>, transform_indices = @transform_3, window_bounds = array<i64: 1, 128>}, {pipeline_mode = #tpu.pipeline_mode<synchronous>, transform_indices = @transform_4, window_bounds = array<i64: 128, 128>}, {transform_indices = @transform_5, window_bounds = array<i64: 2000, 128>}]} {
    %get3A = arith.constant 0 : index
    %get3A_0 = arith.constant 0 : index
    %get3A_1 = arith.constant 0 : index
    %get3A_2 = vector.load %arg3[%get3A, %get3A_0, %get3A_1] : memref<2x2000x16xf32, #tpu.memory_space<vmem>>, vector<1x2000x1xf32>
    %get3A_3 = vector.shape_cast %get3A_2 : vector<1x2000x1xf32> to vector<2000x1xf32>
    %get3A_4 = arith.constant 1 : index
    %get3A_5 = arith.constant 0 : index
    %get3A_6 = arith.constant 0 : index
    %get3A_7 = vector.load %arg3[%get3A_4, %get3A_5, %get3A_6] : memref<2x2000x16xf32, #tpu.memory_space<vmem>>, vector<1x2000x1xf32>
    %get3A_8 = vector.shape_cast %get3A_7 : vector<1x2000x1xf32> to vector<2000x1xf32>
    %add3A = arith.addf %get3A_3, %get3A_8 : vector<2000x1xf32>
    %add3A_9 = arith.constant 1.000000e+00 : f32
    %add3A_10 = vector.broadcast %add3A_9 : f32 to vector<2000x1xf32>
    %add3A_11 = arith.addf %add3A, %add3A_10 : vector<2000x1xf32>
    %rsqrt3A = math.rsqrt %add3A_11 : vector<2000x1xf32>
    %get3A_12 = arith.constant 0 : index
    %get3A_13 = arith.constant 0 : index
    %get3A_14 = arith.constant 0 : index
    %get3A_15 = vector.load %arg1[%get3A_12, %get3A_13, %get3A_14] : memref<2x2000x128xf32, #tpu.memory_space<vmem>>, vector<1x2000x128xf32>
    %get3A_16 = vector.shape_cast %get3A_15 : vector<1x2000x128xf32> to vector<2000x128xf32>
    %get3A_17 = arith.constant 1 : index
    %get3A_18 = arith.constant 0 : index
    %get3A_19 = arith.constant 0 : index
    %get3A_20 = vector.load %arg1[%get3A_17, %get3A_18, %get3A_19] : memref<2x2000x128xf32, #tpu.memory_space<vmem>>, vector<1x2000x128xf32>
    %get3A_21 = vector.shape_cast %get3A_20 : vector<1x2000x128xf32> to vector<2000x128xf32>
    %add3A_22 = arith.addf %get3A_16, %get3A_21 : vector<2000x128xf32>
    %get3A_23 = arith.constant 0 : index
    %get3A_24 = arith.constant 0 : index
    %get3A_25 = vector.load %arg2[%get3A_23, %get3A_24] : memref<2000x128xf32, #tpu.memory_space<vmem>>, vector<2000x128xf32>
    %add3A_26 = arith.addf %add3A_22, %get3A_25 : vector<2000x128xf32>
    %mul3A = vector.broadcast %rsqrt3A : vector<2000x1xf32> to vector<2000x128xf32>
    %mul3A_27 = arith.mulf %mul3A, %add3A_26 : vector<2000x128xf32>
    %get3A_28 = arith.constant 0 : index
    %get3A_29 = arith.constant 0 : index
    %get3A_30 = vector.load %arg4[%get3A_28, %get3A_29] : memref<1x128xf32, #tpu.memory_space<vmem>>, vector<1x128xf32>
    %add3A_31 = vector.broadcast %get3A_30 : vector<1x128xf32> to vector<2000x128xf32>
    %add3A_32 = arith.addf %mul3A_27, %add3A_31 : vector<2000x128xf32>
    %max3A = arith.constant 0.000000e+00 : f32
    %max3A_33 = vector.broadcast %max3A : f32 to vector<2000x128xf32>
    %max3A_34 = arith.maximumf %add3A_32, %max3A_33 : vector<2000x128xf32>
    %get3A_35 = arith.constant 0 : index
    %get3A_36 = arith.constant 0 : index
    %get3A_37 = vector.load %arg5[%get3A_35, %get3A_36] : memref<128x128xf32, #tpu.memory_space<vmem>>, vector<128x128xf32>
    %dot_general3A = arith.constant dense<0.000000e+00> : vector<2000x128xf32>
    %dot_general3A_38 = tpu.matmul %max3A_34, %get3A_37, %dot_general3A {dimension_numbers = #tpu.dot_dimension_numbers<[1], [0], [0], [1], [0, 0, 1, 1], [], []>, transpose_lhs_hint = false} : vector<2000x128xf32>, vector<128x128xf32>, vector<2000x128xf32> -> vector<2000x128xf32>
    %mul3A_39 = vector.broadcast %rsqrt3A : vector<2000x1xf32> to vector<2000x128xf32>
    %mul3A_40 = arith.mulf %dot_general3A_38, %mul3A_39 : vector<2000x128xf32>
    %swap3A = arith.constant 0 : index
    %swap3A_41 = arith.constant 0 : index
    %swap3A_42 = vector.load %arg6[%swap3A, %swap3A_41] : memref<2000x128xf32, #tpu.memory_space<vmem>>, vector<2000x128xf32>
    tpu.vector_store %arg6[%swap3A, %swap3A_41], %mul3A_40 {strides = array<i32>} : memref<2000x128xf32, #tpu.memory_space<vmem>>, vector<2000x128xf32>,
    return
  }
  func.func @transform_0(%arg0: i32) -> (i32, i32, i32) {
    %c0_i32 = arith.constant 0 : i32
    %c0_i32_0 = arith.constant 0 : i32
    %c0_i32_1 = arith.constant 0 : i32
    return %c0_i32, %arg0, %c0_i32_0 : i32, i32, i32
  }
  func.func @transform_1(%arg0: i32) -> (i32, i32) {
    %c0_i32 = arith.constant 0 : i32
    %c0_i32_0 = arith.constant 0 : i32
    return %arg0, %c0_i32 : i32, i32
  }
  func.func @transform_2(%arg0: i32) -> (i32, i32, i32) {
    %c0_i32 = arith.constant 0 : i32
    %c0_i32_0 = arith.constant 0 : i32
    %c0_i32_1 = arith.constant 0 : i32
    return %c0_i32, %arg0, %c0_i32_0 : i32, i32, i32
  }
  func.func @transform_3(%arg0: i32) -> (i32, i32) {
    %c0_i32 = arith.constant 0 : i32
    %c0_i32_0 = arith.constant 0 : i32
    %c0_i32_1 = arith.constant 0 : i32
    return %c0_i32, %c0_i32_0 : i32, i32
  }
  func.func @transform_4(%arg0: i32) -> (i32, i32) {
    %c0_i32 = arith.constant 0 : i32
    %c0_i32_0 = arith.constant 0 : i32
    %c0_i32_1 = arith.constant 0 : i32
    return %c0_i32, %c0_i32_0 : i32, i32
  }
  func.func @transform_5(%arg0: i32) -> (i32, i32) {
    %c0_i32 = arith.constant 0 : i32
    %c0_i32_0 = arith.constant 0 : i32
    return %arg0, %c0_i32 : i32, i32
  }
}

module attributes {stable_mosaic.version = 14 : i64} {
  func.func @_tc1_body(%arg0: i32, %arg1: memref<2000x128xf32, #tpu.memory_space<vmem>>, %arg2: memref<128x128xf32, #tpu.memory_space<vmem>>, %arg3: memref<2x2000x16xf32, #tpu.memory_space<vmem>>, %arg4: memref<2000x128xf32, #tpu.memory_space<vmem>>) attributes {dimension_semantics = [#tpu.dimension_semantics<arbitrary>], iteration_bounds = array<i64: 5>, scalar_prefetch = 0 : i64, scratch_operands = 0 : i64, tpu.core_type = #tpu.core_type<tc>, window_params = [{transform_indices = @transform_0, window_bounds = array<i64: 2000, 128>}, {pipeline_mode = #tpu.pipeline_mode<synchronous>, transform_indices = @transform_1, window_bounds = array<i64: 128, 128>}, {transform_indices = @transform_2, window_bounds = array<i64: 2, 2000, 16>}, {transform_indices = @transform_3, window_bounds = array<i64: 2000, 128>}]} {
    %get3A = arith.constant 0 : index
    %get3A_0 = arith.constant 0 : index
    %get3A_1 = arith.constant 0 : index
    %get3A_2 = vector.load %arg3[%get3A, %get3A_0, %get3A_1] : memref<2x2000x16xf32, #tpu.memory_space<vmem>>, vector<1x2000x1xf32>
    %get3A_3 = vector.shape_cast %get3A_2 : vector<1x2000x1xf32> to vector<2000x1xf32>
    %get3A_4 = arith.constant 1 : index
    %get3A_5 = arith.constant 0 : index
    %get3A_6 = arith.constant 0 : index
    %get3A_7 = vector.load %arg3[%get3A_4, %get3A_5, %get3A_6] : memref<2x2000x16xf32, #tpu.memory_space<vmem>>, vector<1x2000x1xf32>
    %get3A_8 = vector.shape_cast %get3A_7 : vector<1x2000x1xf32> to vector<2000x1xf32>
    %add3A = arith.addf %get3A_3, %get3A_8 : vector<2000x1xf32>
    %add3A_9 = arith.constant 1.000000e+00 : f32
    %add3A_10 = vector.broadcast %add3A_9 : f32 to vector<2000x1xf32>
    %add3A_11 = arith.addf %add3A, %add3A_10 : vector<2000x1xf32>
    %rsqrt3A = math.rsqrt %add3A_11 : vector<2000x1xf32>
    %get3A_12 = arith.constant 0 : index
    %get3A_13 = arith.constant 0 : index
    %get3A_14 = vector.load %arg1[%get3A_12, %get3A_13] : memref<2000x128xf32, #tpu.memory_space<vmem>>, vector<2000x128xf32>
    %get3A_15 = arith.constant 0 : index
    %get3A_16 = arith.constant 0 : index
    %get3A_17 = vector.load %arg2[%get3A_15, %get3A_16] : memref<128x128xf32, #tpu.memory_space<vmem>>, vector<128x128xf32>
    %dot_general3A = arith.constant dense<0.000000e+00> : vector<2000x128xf32>
    %dot_general3A_18 = tpu.matmul %get3A_14, %get3A_17, %dot_general3A {dimension_numbers = #tpu.dot_dimension_numbers<[1], [0], [0], [1], [0, 0, 1, 1], [], []>, transpose_lhs_hint = false} : vector<2000x128xf32>, vector<128x128xf32>, vector<2000x128xf32> -> vector<2000x128xf32>
    %mul3A = vector.broadcast %rsqrt3A : vector<2000x1xf32> to vector<2000x128xf32>
    %mul3A_19 = arith.mulf %dot_general3A_18, %mul3A : vector<2000x128xf32>
    %swap3A = arith.constant 0 : index
    %swap3A_20 = arith.constant 0 : index
    %swap3A_21 = vector.load %arg4[%swap3A, %swap3A_20] : memref<2000x128xf32, #tpu.memory_space<vmem>>, vector<2000x128xf32>
    tpu.vector_store %arg4[%swap3A, %swap3A_20], %mul3A_19 {strides = array<i32>} : memref<2000x128xf32, #tpu.memory_space<vmem>>, vector<2000x128xf32>,
    return
  }
  func.func @transform_0(%arg0: i32) -> (i32, i32) {
    %c0_i32 = arith.constant 0 : i32
    %c0_i32_0 = arith.constant 0 : i32
    return %arg0, %c0_i32 : i32, i32
  }
  func.func @transform_1(%arg0: i32) -> (i32, i32) {
    %c0_i32 = arith.constant 0 : i32
    %c0_i32_0 = arith.constant 0 : i32
    %c0_i32_1 = arith.constant 0 : i32
    return %c0_i32, %c0_i32_0 : i32, i32
  }
  func.func @transform_2(%arg0: i32) -> (i32, i32, i32) {
    %c0_i32 = arith.constant 0 : i32
    %c0_i32_0 = arith.constant 0 : i32
    %c0_i32_1 = arith.constant 0 : i32
    return %c0_i32, %arg0, %c0_i32_0 : i32, i32, i32
  }
  func.func @transform_3(%arg0: i32) -> (i32, i32) {
    %c0_i32 = arith.constant 0 : i32
    %c0_i32_0 = arith.constant 0 : i32
    return %arg0, %c0_i32 : i32, i32
  }
}

module attributes {stable_mosaic.version = 14 : i64} {
  func.func @_tc3_body(%arg0: i32, %arg1: memref<2x2000x128xf32, #tpu.memory_space<vmem>>, %arg2: memref<2000x128xf32, #tpu.memory_space<vmem>>, %arg3: memref<2x2000x16xf32, #tpu.memory_space<vmem>>, %arg4: memref<1x128xf32, #tpu.memory_space<vmem>>, %arg5: memref<128x64xf32, #tpu.memory_space<vmem>>, %arg6: memref<1x64xf32, #tpu.memory_space<vmem>>, %arg7: memref<1x1x2000xi32, #tpu.memory_space<vmem>>, %arg8: memref<64x64xf32, #tpu.memory_space<vmem>>, %arg9: memref<64x1xf32, #tpu.memory_space<vmem>>) attributes {dimension_semantics = [#tpu.dimension_semantics<arbitrary>], iteration_bounds = array<i64: 5>, scalar_prefetch = 0 : i64, scratch_operands = 1 : i64, tpu.core_type = #tpu.core_type<tc>, window_params = [{transform_indices = @transform_0, window_bounds = array<i64: 2, 2000, 128>}, {transform_indices = @transform_1, window_bounds = array<i64: 2000, 128>}, {transform_indices = @transform_2, window_bounds = array<i64: 2, 2000, 16>}, {pipeline_mode = #tpu.pipeline_mode<synchronous>, transform_indices = @transform_3, window_bounds = array<i64: 1, 128>}, {pipeline_mode = #tpu.pipeline_mode<synchronous>, transform_indices = @transform_4, window_bounds = array<i64: 128, 64>}, {pipeline_mode = #tpu.pipeline_mode<synchronous>, transform_indices = @transform_5, window_bounds = array<i64: 1, 64>}, {transform_indices = @transform_6, window_bounds = array<i64: 1, 1, 2000>}, {pipeline_mode = #tpu.pipeline_mode<synchronous>, transform_indices = @transform_7, window_bounds = array<i64: 64, 64>}]} {
    %get3A = arith.constant 0 : index
    %get3A_0 = arith.constant 0 : index
    %get3A_1 = arith.constant 0 : index
    %get3A_2 = vector.load %arg3[%get3A, %get3A_0, %get3A_1] : memref<2x2000x16xf32, #tpu.memory_space<vmem>>, vector<1x2000x1xf32>
    %get3A_3 = vector.shape_cast %get3A_2 : vector<1x2000x1xf32> to vector<2000x1xf32>
    %get3A_4 = arith.constant 1 : index
    %get3A_5 = arith.constant 0 : index
    %get3A_6 = arith.constant 0 : index
    %get3A_7 = vector.load %arg3[%get3A_4, %get3A_5, %get3A_6] : memref<2x2000x16xf32, #tpu.memory_space<vmem>>, vector<1x2000x1xf32>
    %get3A_8 = vector.shape_cast %get3A_7 : vector<1x2000x1xf32> to vector<2000x1xf32>
    %add3A = arith.addf %get3A_3, %get3A_8 : vector<2000x1xf32>
    %add3A_9 = arith.constant 1.000000e+00 : f32
    %add3A_10 = vector.broadcast %add3A_9 : f32 to vector<2000x1xf32>
    %add3A_11 = arith.addf %add3A, %add3A_10 : vector<2000x1xf32>
    %rsqrt3A = math.rsqrt %add3A_11 : vector<2000x1xf32>
    %get3A_12 = arith.constant 0 : index
    %get3A_13 = arith.constant 0 : index
    %get3A_14 = arith.constant 0 : index
    %get3A_15 = vector.load %arg1[%get3A_12, %get3A_13, %get3A_14] : memref<2x2000x128xf32, #tpu.memory_space<vmem>>, vector<1x2000x128xf32>
    %get3A_16 = vector.shape_cast %get3A_15 : vector<1x2000x128xf32> to vector<2000x128xf32>
    %get3A_17 = arith.constant 1 : index
    %get3A_18 = arith.constant 0 : index
    %get3A_19 = arith.constant 0 : index
    %get3A_20 = vector.load %arg1[%get3A_17, %get3A_18, %get3A_19] : memref<2x2000x128xf32, #tpu.memory_space<vmem>>, vector<1x2000x128xf32>
    %get3A_21 = vector.shape_cast %get3A_20 : vector<1x2000x128xf32> to vector<2000x128xf32>
    %add3A_22 = arith.addf %get3A_16, %get3A_21 : vector<2000x128xf32>
    %get3A_23 = arith.constant 0 : index
    %get3A_24 = arith.constant 0 : index
    %get3A_25 = vector.load %arg2[%get3A_23, %get3A_24] : memref<2000x128xf32, #tpu.memory_space<vmem>>, vector<2000x128xf32>
    %add3A_26 = arith.addf %add3A_22, %get3A_25 : vector<2000x128xf32>
    %mul3A = vector.broadcast %rsqrt3A : vector<2000x1xf32> to vector<2000x128xf32>
    %mul3A_27 = arith.mulf %mul3A, %add3A_26 : vector<2000x128xf32>
    %get3A_28 = arith.constant 0 : index
    %get3A_29 = arith.constant 0 : index
    %get3A_30 = vector.load %arg4[%get3A_28, %get3A_29] : memref<1x128xf32, #tpu.memory_space<vmem>>, vector<1x128xf32>
    %add3A_31 = vector.broadcast %get3A_30 : vector<1x128xf32> to vector<2000x128xf32>
    %add3A_32 = arith.addf %mul3A_27, %add3A_31 : vector<2000x128xf32>
    %max3A = arith.constant 0.000000e+00 : f32
    %max3A_33 = vector.broadcast %max3A : f32 to vector<2000x128xf32>
    %max3A_34 = arith.maximumf %add3A_32, %max3A_33 : vector<2000x128xf32>
    %get3A_35 = arith.constant 0 : index
    %get3A_36 = arith.constant 0 : index
    %get3A_37 = vector.load %arg5[%get3A_35, %get3A_36] : memref<128x64xf32, #tpu.memory_space<vmem>>, vector<128x64xf32>
    %dot_general3A = arith.constant dense<0.000000e+00> : vector<2000x64xf32>
    %dot_general3A_38 = tpu.matmul %max3A_34, %get3A_37, %dot_general3A {dimension_numbers = #tpu.dot_dimension_numbers<[1], [0], [0], [1], [0, 0, 1, 1], [], []>, transpose_lhs_hint = false} : vector<2000x128xf32>, vector<128x64xf32>, vector<2000x64xf32> -> vector<2000x64xf32>
    %get3A_39 = arith.constant 0 : index
    %get3A_40 = arith.constant 0 : index
    %get3A_41 = vector.load %arg6[%get3A_39, %get3A_40] : memref<1x64xf32, #tpu.memory_space<vmem>>, vector<1x64xf32>
    %add3A_42 = vector.broadcast %get3A_41 : vector<1x64xf32> to vector<2000x64xf32>
    %add3A_43 = arith.addf %dot_general3A_38, %add3A_42 : vector<2000x64xf32>
    %get3A_44 = arith.constant 0 : index
    %get3A_45 = arith.constant 0 : index
    %get3A_46 = arith.constant 0 : index
    %get3A_47 = vector.load %arg7[%get3A_44, %get3A_45, %get3A_46] : memref<1x1x2000xi32, #tpu.memory_space<vmem>>, vector<1x1x2000xi32>
    %get3A_48 = vector.shape_cast %get3A_47 : vector<1x1x2000xi32> to vector<2000xi32>
    %iota3A = tpu.iota {dimensions = array<i32: 1>} : vector<2000x64xi32>
    %broadcast_in_dim3A = vector.shape_cast %get3A_48 : vector<2000xi32> to vector<2000x1xi32>
    %eq3A = vector.broadcast %broadcast_in_dim3A : vector<2000x1xi32> to vector<2000x64xi32>
    %eq3A_49 = arith.cmpi eq, %eq3A, %iota3A : vector<2000x64xi32>
    %convert_element_type3A = arith.extui %eq3A_49 : vector<2000x64xi1> to vector<2000x64xi32>
    %convert_element_type3A_50 = arith.sitofp %convert_element_type3A : vector<2000x64xi32> to vector<2000x64xf32>
    %dot_general3A_51 = arith.constant dense<0.000000e+00> : vector<64x64xf32>
    %dot_general3A_52 = tpu.matmul %convert_element_type3A_50, %add3A_43, %dot_general3A_51 {dimension_numbers = #tpu.dot_dimension_numbers<[0], [0], [1], [1], [0, 1, 1, 1], [], []>, transpose_lhs_hint = false} : vector<2000x64xf32>, vector<2000x64xf32>, vector<64x64xf32> -> vector<64x64xf32>
    %broadcast_in_dim3A_53 = arith.constant 1.000000e+00 : f32
    %broadcast_in_dim3A_54 = vector.broadcast %broadcast_in_dim3A_53 : f32 to vector<2000x1xf32>
    %dot_general3A_55 = arith.constant dense<0.000000e+00> : vector<64x1xf32>
    %dot_general3A_56 = tpu.matmul %convert_element_type3A_50, %broadcast_in_dim3A_54, %dot_general3A_55 {dimension_numbers = #tpu.dot_dimension_numbers<[0], [0], [1], [1], [0, 1, 1, 1], [], []>, transpose_lhs_hint = false} : vector<2000x64xf32>, vector<2000x1xf32>, vector<64x1xf32> -> vector<64x1xf32>
    %eq3A_57 = arith.constant 0 : i32
    %eq3A_58 = arith.cmpi eq, %arg0, %eq3A_57 : i32
    %convert_element_type3A_59 = arith.extui %eq3A_58 : i1 to i32
    %cond3A = arith.constant 0 : i32
    %cond3A_60 = arith.cmpi ne, %convert_element_type3A_59, %cond3A : i32
    scf.if %cond3A_60 {
      %swap3A = arith.constant 0 : index
      %swap3A_70 = arith.constant 0 : index
      %swap3A_71 = vector.load %arg8[%swap3A, %swap3A_70] : memref<64x64xf32, #tpu.memory_space<vmem>>, vector<64x64xf32>
      tpu.vector_store %arg8[%swap3A, %swap3A_70], %dot_general3A_52 {strides = array<i32>} : memref<64x64xf32, #tpu.memory_space<vmem>>, vector<64x64xf32>,
      %swap3A_72 = arith.constant 0 : index
      %swap3A_73 = arith.constant 0 : index
      %swap3A_74 = vector.load %arg9[%swap3A_72, %swap3A_73] : memref<64x1xf32, #tpu.memory_space<vmem>>, vector<64x1xf32>
      tpu.vector_store %arg9[%swap3A_72, %swap3A_73], %dot_general3A_56 {strides = array<i32>} : memref<64x1xf32, #tpu.memory_space<vmem>>, vector<64x1xf32>,
    } else {
    }
    %gt3A = arith.constant 0 : i32
    %gt3A_61 = arith.cmpi sgt, %arg0, %gt3A : i32
    %convert_element_type3A_62 = arith.extui %gt3A_61 : i1 to i32
    %cond3A_63 = arith.constant 0 : i32
    %cond3A_64 = arith.cmpi ne, %convert_element_type3A_62, %cond3A_63 : i32
    scf.if %cond3A_64 {
      %get3A_70 = arith.constant 0 : index
      %get3A_71 = arith.constant 0 : index
      %get3A_72 = vector.load %arg8[%get3A_70, %get3A_71] : memref<64x64xf32, #tpu.memory_space<vmem>>, vector<64x64xf32>
      %add3A_73 = arith.addf %get3A_72, %dot_general3A_52 : vector<64x64xf32>
      %swap3A = arith.constant 0 : index
      %swap3A_74 = arith.constant 0 : index
      %swap3A_75 = vector.load %arg8[%swap3A, %swap3A_74] : memref<64x64xf32, #tpu.memory_space<vmem>>, vector<64x64xf32>
      tpu.vector_store %arg8[%swap3A, %swap3A_74], %add3A_73 {strides = array<i32>} : memref<64x64xf32, #tpu.memory_space<vmem>>, vector<64x64xf32>,
      %get3A_76 = arith.constant 0 : index
      %get3A_77 = arith.constant 0 : index
      %get3A_78 = vector.load %arg9[%get3A_76, %get3A_77] : memref<64x1xf32, #tpu.memory_space<vmem>>, vector<64x1xf32>
      %add3A_79 = arith.addf %get3A_78, %dot_general3A_56 : vector<64x1xf32>
      %swap3A_80 = arith.constant 0 : index
      %swap3A_81 = arith.constant 0 : index
      %swap3A_82 = vector.load %arg9[%swap3A_80, %swap3A_81] : memref<64x1xf32, #tpu.memory_space<vmem>>, vector<64x1xf32>
      tpu.vector_store %arg9[%swap3A_80, %swap3A_81], %add3A_79 {strides = array<i32>} : memref<64x1xf32, #tpu.memory_space<vmem>>, vector<64x1xf32>,
    } else {
    }
    %eq3A_65 = arith.constant 4 : i32
    %eq3A_66 = arith.cmpi eq, %arg0, %eq3A_65 : i32
    %convert_element_type3A_67 = arith.extui %eq3A_66 : i1 to i32
    %cond3A_68 = arith.constant 0 : i32
    %cond3A_69 = arith.cmpi ne, %convert_element_type3A_67, %cond3A_68 : i32
    scf.if %cond3A_69 {
      %get3A_70 = arith.constant 0 : index
      %get3A_71 = arith.constant 0 : index
      %get3A_72 = vector.load %arg8[%get3A_70, %get3A_71] : memref<64x64xf32, #tpu.memory_space<vmem>>, vector<64x64xf32>
      %get3A_73 = arith.constant 0 : index
      %get3A_74 = arith.constant 0 : index
      %get3A_75 = vector.load %arg9[%get3A_73, %get3A_74] : memref<64x1xf32, #tpu.memory_space<vmem>>, vector<64x1xf32>
      %max3A_76 = arith.constant 1.000000e+00 : f32
      %max3A_77 = vector.broadcast %max3A_76 : f32 to vector<64x1xf32>
      %max3A_78 = arith.maximumf %get3A_75, %max3A_77 : vector<64x1xf32>
      %div3A = vector.broadcast %max3A_78 : vector<64x1xf32> to vector<64x64xf32>
      %div3A_79 = arith.divf %get3A_72, %div3A : vector<64x64xf32>
      %swap3A = arith.constant 0 : index
      %swap3A_80 = arith.constant 0 : index
      %swap3A_81 = vector.load %arg8[%swap3A, %swap3A_80] : memref<64x64xf32, #tpu.memory_space<vmem>>, vector<64x64xf32>
      tpu.vector_store %arg8[%swap3A, %swap3A_80], %div3A_79 {strides = array<i32>} : memref<64x64xf32, #tpu.memory_space<vmem>>, vector<64x64xf32>,
    } else {
    }
    return
  }
  func.func @transform_0(%arg0: i32) -> (i32, i32, i32) {
    %c0_i32 = arith.constant 0 : i32
    %c0_i32_0 = arith.constant 0 : i32
    %c0_i32_1 = arith.constant 0 : i32
    return %c0_i32, %arg0, %c0_i32_0 : i32, i32, i32
  }
  func.func @transform_1(%arg0: i32) -> (i32, i32) {
    %c0_i32 = arith.constant 0 : i32
    %c0_i32_0 = arith.constant 0 : i32
    return %arg0, %c0_i32 : i32, i32
  }
  func.func @transform_2(%arg0: i32) -> (i32, i32, i32) {
    %c0_i32 = arith.constant 0 : i32
    %c0_i32_0 = arith.constant 0 : i32
    %c0_i32_1 = arith.constant 0 : i32
    return %c0_i32, %arg0, %c0_i32_0 : i32, i32, i32
  }
  func.func @transform_3(%arg0: i32) -> (i32, i32) {
    %c0_i32 = arith.constant 0 : i32
    %c0_i32_0 = arith.constant 0 : i32
    %c0_i32_1 = arith.constant 0 : i32
    return %c0_i32, %c0_i32_0 : i32, i32
  }
  func.func @transform_4(%arg0: i32) -> (i32, i32) {
    %c0_i32 = arith.constant 0 : i32
    %c0_i32_0 = arith.constant 0 : i32
    %c0_i32_1 = arith.constant 0 : i32
    return %c0_i32, %c0_i32_0 : i32, i32
  }
  func.func @transform_5(%arg0: i32) -> (i32, i32) {
    %c0_i32 = arith.constant 0 : i32
    %c0_i32_0 = arith.constant 0 : i32
    %c0_i32_1 = arith.constant 0 : i32
    return %c0_i32, %c0_i32_0 : i32, i32
  }
  func.func @transform_6(%arg0: i32) -> (i32, i32, i32) {
    %c0_i32 = arith.constant 0 : i32
    %c0_i32_0 = arith.constant 0 : i32
    %c0_i32_1 = arith.constant 0 : i32
    return %arg0, %c0_i32, %c0_i32_0 : i32, i32, i32
  }
  func.func @transform_7(%arg0: i32) -> (i32, i32) {
    %c0_i32 = arith.constant 0 : i32
    %c0_i32_0 = arith.constant 0 : i32
    %c0_i32_1 = arith.constant 0 : i32
    return %c0_i32, %c0_i32_0 : i32, i32
  }
}

</mosaic_0001>

<sc_bundles>
// kernel: kernel.11.cloned.1.call-start
scs
__scs_entry_jumppad:
0x0: {  	(pc) =	sbr.rel $0x88, $3  }
0x1: {  	(tag) =	ssettag $0x0;
	lr =	simm.s32 $0x1  }
0x2: {  	[smem:$0x3F98] =	sst lr;
	_ =	strace $0xD0000000  }
0x3: {  	_ = 	snop  }
0x4: {  	_ = 	snop  }
0x5: {  	_ = 	snop  }
0x6: {  	_ = 	snop  }
0x7: {  	_ = 	snop  }
__scs_overlays_trampoline_lowered:
0x8: {  	[smem:$0x3FA7] =	sst s0  }
0x9: {  	[smem:$0x3FA8] =	sst s1  }
0xa: {  	[smem:$0x3FA9] =	sst s2  }
0xb: {  	[smem:$0x3FAA] =	sst s3  }
0xc: {  	[smem:$0x3FAB] =	sst s4  }
0xd: {  	[smem:$0x3FAC] =	sst s5  }
0xe: {  	[smem:$0x3FAD] =	sst s6  }
0xf: {  	[smem:$0x3FAE] =	sst s7  }
0x10: {  	[smem:$0x3FAF] =	sst s8  }
0x11: {  	[smem:$0x3FB0] =	sst s9;
	s0 =	simm.s32 @!p0 $0x0  }
0x12: {  	s1 =	sld [smem:$0x3F96];
	s0 =	simm.s32 @p0 $0x1  }
0x13: {  	[smem:$0x3FB1] =	sst s0;
	s0 =	simm.s32 @!p1 $0x0  }
0x14: {  	s2 =	sld [smem:$0x3F95];
	s0 =	simm.s32 @p1 $0x1  }
0x15: {  	[smem:$0x3FB2] =	sst s0;
	s0 =	simm.s32 @!p2 $0x0  }
0x16: {  	s3 =	sld [smem:$0x3FDB];
	s0 =	simm.s32 @p2 $0x1  }
0x17: {  	s4 =	simm.s32 $0x1BF5;
	[smem:$0x3FB4] =	sst s0  }
0x18: {  	s0 =	sld [smem:$0x3F97];
	_ =	swait.ge [sflag:s4], $0x0  }
0x19: {  	s7 =	sld [smem:$0x3F98]  }
0x1a: {  	s8 =	sadd.s32 $0xFFFFE003, lr  }
0x1b: {  	s9 =	sadd.s32 $0xFFFFFEF7, lr;
	s5 =	simm.s32 $0xFFFFFFFF;
	p2 =	slt.u32 s8, $0xFFFFF086  }
0x1c: {  	p1 =	slt.u32 s9, $0xF7A;
	s5 =	simm.s32 @!p2 $0x0  }
0x1d: {  	s5 =	simm.s32 @p1 $0x1;
	p0 =	seq.s32 s7, s2  }
0x1e: {  	s7 =	smul.u32 @!p0 $0xF7A, s2;
	p2 =	seq.s32 @!p0 s5, $0x0  }
0x1f: {  	s9 =	smul.u32 $0xF7A, s1;
	s8 =	simm.s32 @!p0 $0x1BF5;
	p2 =	por !p2, p0  }
0x20: {  	[sflag:s8] =	ssyncset.s32 @!p0 $0xFFFFF086;
	s6 =	sadd.s32 @!p0 s3, s7;
	s7 =	simm.s32 @!p0 $0x108  }
0x21: {  	s3 =	sadd.s32 s3, s9;
	s6 =	sadd.s32 @!p0 $0x88, s6;
	s7 =	simm.s32 @p2 $0x1082  }
0x22: {  	[simem:s7], [sflag:s8] =	dma.local @!p0 [hbm:s6], $0xF7A  }
0x23: {  	s9 =	sor.u32 $0xD0000000, s2;
	s6 =	simm.s32 $0x108;
	_ =	swait.ge @!p0 [sflag:s8], $0x0  }
0x24: {  	s3 =	sadd.s32 $0x88, s3;
	s6 =	simm.s32 @!p1 $0x1082;
	[sflag:s4] =	ssyncset.s32 $0xFFFFF086  }
0x25: {  	[simem:s6], [sflag:s4] =	dma.local [hbm:s3], $0xF7A  }
0x26: {  	[smem:$0x3F98] =	sst s1;
	(tag) =	ssettag s2;
	_ =	strace s9  }
0x27: {  	s1 =	sld [smem:$0x3FA8]  }
0x28: {  	s2 =	sld [smem:$0x3FA9]  }
0x29: {  	s4 =	sld [smem:$0x3FAB]  }
0x2a: {  	p0 =	seq.s32 s5, $0x0;
	s5 =	sld [smem:$0x3FAC]  }
0x2b: {  	s6 =	sld [smem:$0x3FAD]  }
0x2c: {  	s7 =	sld [smem:$0x3FAE]  }
0x2d: {  	s3 =	simm.s32 $0x108;
	s8 =	sld [smem:$0x3FAF]  }
0x2e: {  	s3 =	simm.s32 @!p0 $0x1082;
	s9 =	sld [smem:$0x3FB0]  }
0x2f: {  	lr =	sadd.s32 s0, s3;
	s0 =	sld [smem:$0x3FA7]  }
0x30: {  	s3 =	sld [smem:$0x3FAA]  }
0x31: {  	[smem:$0x3FB3] =	sst s10  }
0x32: {  	s10 =	sld [smem:$0x3FB1];
	_ =	sdelay $0x3  }
0x33: {  	p0 =	seq.s32 s10, $0x1;
	s10 =	sld [smem:$0x3FB3];
	_ =	sdelay $0x3  }
0x34: {  	[smem:$0x3FB3] =	sst s10  }
0x35: {  	s10 =	sld [smem:$0x3FB2];
	_ =	sdelay $0x3  }
0x36: {  	p1 =	seq.s32 s10, $0x1;
	s10 =	sld [smem:$0x3FB3];
	_ =	sdelay $0x3  }
0x37: {  	[smem:$0x3FB3] =	sst s10  }
0x38: {  	s10 =	sld [smem:$0x3FB4]  }
0x39: {  	_ = 	snop;
	(pc) =	sbr.ind lr, $3  }
0x3a: {  	_ = 	snop  }
0x3b: {  	_ = 	snop  }
0x3c: {  	p2 =	seq.s32 s10, $0x1;
	s10 =	sld [smem:$0x3FB3]  }
0x3d: {  	_ =	shalt  }
0x3e: {  	_ =	shalt  }
0x3f: {  	_ =	shalt  }
0x40: {  	_ =	shalt  }
0x41: {  	_ =	shalt  }
0x42: {  	_ =	shalt  }
0x43: {  	_ =	shalt  }
0x44: {  	_ =	shalt  }
0x45: {  	_ =	shalt  }
0x46: {  	_ =	shalt  }
0x47: {  	_ =	shalt  }
0x48: {  	_ =	shalt  }
0x49: {  	_ =	shalt  }
0x4a: {  	_ =	shalt  }
0x4b: {  	_ =	shalt  }
0x4c: {  	_ =	shalt  }
0x4d: {  	_ =	shalt  }
0x4e: {  	_ =	shalt  }
0x4f: {  	_ =	shalt  }
0x50: {  	_ =	shalt  }
0x51: {  	_ =	shalt  }
0x52: {  	_ =	shalt  }
0x53: {  	_ =	shalt  }
0x54: {  	_ =	shalt  }
0x55: {  	_ =	shalt  }
0x56: {  	_ =	shalt  }
0x57: {  	_ =	shalt  }
0x58: {  	_ =	shalt  }
0x59: {  	_ =	shalt  }
0x5a: {  	_ =	shalt  }
0x5b: {  	_ =	shalt  }
0x5c: {  	_ =	shalt  }
0x5d: {  	_ =	shalt  }
0x5e: {  	_ =	shalt  }
0x5f: {  	_ =	shalt  }
0x60: {  	_ =	shalt  }
0x61: {  	_ =	shalt  }
0x62: {  	_ =	shalt  }
0x63: {  	_ =	shalt  }
0x64: {  	_ =	shalt  }
0x65: {  	_ =	shalt  }
0x66: {  	_ =	shalt  }
0x67: {  	_ =	shalt  }
0x68: {  	_ =	shalt  }
0x69: {  	_ =	shalt  }
0x6a: {  	_ =	shalt  }
0x6b: {  	_ =	shalt  }
0x6c: {  	_ =	shalt  }
0x6d: {  	_ =	shalt  }
0x6e: {  	_ =	shalt  }
0x6f: {  	_ =	shalt  }
0x70: {  	_ =	shalt  }
0x71: {  	_ =	shalt  }
0x72: {  	_ =	shalt  }
0x73: {  	_ =	shalt  }
0x74: {  	_ =	shalt  }
0x75: {  	_ =	shalt  }
0x76: {  	_ =	shalt  }
0x77: {  	_ =	shalt  }
0x78: {  	_ =	shalt  }
0x79: {  	_ =	shalt  }
0x7a: {  	_ =	shalt  }
0x7b: {  	_ =	shalt  }
0x7c: {  	_ =	shalt  }
0x7d: {  	_ =	shalt  }
0x7e: {  	_ =	shalt  }
0x7f: {  	_ =	shalt  }
0x80: {  	_ =	shalt  }
0x81: {  	_ =	shalt  }
0x82: {  	_ =	shalt  }
0x83: {  	_ =	shalt  }
0x84: {  	_ =	shalt  }
0x85: {  	_ =	shalt  }
0x86: {  	_ =	shalt  }
0x87: {  	_ =	shalt  }
.Lfunc_end0:
.L_simem_size_0:
called_computation.1_lowered:
.L_overlay_start_0:
0x88: {  	s2 =	sld [smem:$0x3FD9]  }
0x89: {  	s3 =	sld [smem:$0x3FFE];
	_ =	sdelay $0x1  }
0x8a: {  	s1 =	srdreg.scid  }
0x8b: {  	s0 =	sand.u32 $0x1, s1  }
0x8c: {  	s16 =	sshll.u32 s0, $0xA;
	s2 =	sadd.s32 s3, s2  }
0x8d: {  	s2 =	sadd.s32 s2, s16  }
0x8e: {  	[smem:$0x3FBF] =	sst s2  }
0x8f: {  	_ = 	snop  }
0x90: {  	(tm) =	ssettm $0x1  }
0x91: {  	s17 =	sld [smem:$0x3FFB];
	_ =	sdelay $0x3  }
0x92: {  	_ =	strace s17  }
0x93: {  	s2 =	sld [smem:$0x3FFC];
	_ =	sdelay $0x3  }
0x94: {  	_ =	strace s2  }
0x95: {  	s2 =	sld [smem:$0x3FFD];
	_ =	sdelay $0x3  }
0x96: {  	_ =	strace s2  }
0x97: {  	_ =	strace $0x8FFFFFFF  }
0x98: {  	s18 =	sld [smem:$0x3FDB];
	_ =	sdelay $0x1  }
0x99: {  	s19 =	simm.s32 $_scs_section_size  }
0x9a: {  	s4 =	simm.s32 $_size__tile_overlayer_lowered;
	s5 =	simm.s32 $_tile_overlayer_lowered  }
0x9b: {  	s22 =	simm.s32 $0x1BFF;
	s21 =	sshll.u32 s5, $0x1;
	s2 =	sadd.s32 s19, s18  }
0x9c: {  	s6 =	simm.s32 $0x0;
	s20 =	sshll.u32 s4, $0x1;
	s4 =	sadd.s32 s21, s2  }
0x9d: {  	[timem:s6], [sflag:s22] =	dma.local [hbm:s4], s20  }
0x9e: {  	_ =	swait.ge [sflag:s22], s20  }
0x9f: {  	s3 =	ssub.s32 $0x0, s20;
	[sflag:s22] =	ssyncset.done $0x0  }
0xa0: {  	[sflag:s22] =	ssyncadd.s32 s3;
	_ =	sdelay $0x1  }
0xa1: {  	s23 =	simm.s32 $0x1B8B  }
0xa2: {  	_ =	swait.ge [sflag:s23], $0x1  }
0xa3: {  	[sflag:s23] =	ssyncset.done $0x0  }
0xa4: {  	s25 =	simm.s32 $0x1B8E;
	s24 =	sld [smem:$0x3FFE];
	[sflag:s23] =	ssyncadd.s32 $0xFFFFFFFF  }
0xa5: {  	s26 =	simm.s32 $execute0_lowered;
	[smem:$0x3FD2] =	sst s25  }
0xa6: {  	s4 =	sshll.u32 s26, $0x1;
	_ =	strace $0x80000049;
	[dreg:$0x1] =	wrdreg $0xFFFFFFFF  }
0xa7: {  	s28 =	simm.s32 $_size_execute0_lowered;
	s2 =	sadd.s32 s2, s4;
	[dreg:$0x0] =	wrdreg $0x0  }
0xa8: {  	s4 =	sshll.u32 s28, $0x1;
	[dreg:$0x2] =	wrdreg s2  }
0xa9: {  	[dreg:$0x3] =	wrdreg s4  }
0xaa: {  	[dreg:$0x4] =	wrdreg $0xC0  }
0xab: {  	_ =	task [dreg:s6], $0x5FFFF  }
0xac: {  	[dreg:$0x1] =	wrdreg $0xFFFFFFFF  }
0xad: {  	[dreg:$0x0] =	wrdreg $0x60  }
0xae: {  	[dreg:$0x2] =	wrdreg s24  }
0xaf: {  	[dreg:$0x3] =	wrdreg $0x0  }
0xb0: {  	[dreg:$0x4] =	wrdreg $0x9  }
0xb1: {  	_ =	task.clear_ibuf [dreg:s6], $0x5FFFF;
	_ =	strace $0x90000049  }
0xb2: {  	s29 =	simm.s32 $0x9;
	_ =	strace $0x8000004B  }
0xb3: {  	_ =	swait.ge [sflag:s29], $0x1  }
0xb4: {  	[sflag:s29] =	ssyncadd.s32 $0xFFFFFFFF  }
0xb5: {  	_ =	strace $0x9000004B  }
0xb6: {  	_ =	sfence  }
0xb7: {  	s30 =	sld [smem:$0x0];
	_ =	sdelay $0x2  }
0xb8: {  	s31 =	sshll.u32 s1, $0xD;
	s1 =	sshrl.u32 s1, $0x2  }
0xb9: {  	s3 =	sand.u32 $0x4000, s31;
	s1 =	sadd.s32 s1, s30  }
0xba: {  	s0 =	sor.u32 s3, s0;
	s1 =	sshll.u32 s1, $0x11  }
0xbb: {  	s0 =	sor.u32 s1, s0  }
0xbc: {  	s0 =	sadd.s32 $0x8F2B, s0  }
0xbd: {  	[sflag:s0] =	ssyncadd.remote.s32 $0x1  }
0xbe: {  	_ =	sfence.sel $0xFFFF  }
0xbf: {  	[dreg:$0x0] =	wrdreg $0xFFFFFFFF;
	(pc) =	sbr.abs _section_cstart, $3  }
0xc0: {  	[dreg:$0x1] =	wrdreg $0xFFFFFFFF  }
0xc1: {  	_ =	task.clear_ibuf [dreg:s6], $0x2FFFF;
	_ =	strace $0x9FFFFFFF  }
0xc2: {  	(tm) =	ssettm $0x7FFFFFFF  }
0xc3: {  	_ =	shalt  }
tec
execute0_lowered:
.L_overlay_start_1:
0x0: {  	(tag) =	ssettag $0x1  }
0x1: {  	s0 =	rddreg [dreg:$0x0]  }
0x2: {  	s1 =	rddreg [dreg:$0x1];
	s2 =	srdreg.scid;
	s3 =	simm.s32 $0x0  }
0x3: {  	s11 =	stileid.u32;
	s29 =	simm.s32 $0x14000;
	s30 =	simm.s32 $0x7  }
0x4: {  	s2 =	sand.u32 $0x1, s2;
	[smem:$0x7FF] =	sst s3;
	s8 =	smul.u32 $0x50000, s11  }
0x5: {  	s7 =	sadd.s32 $0xD000, s0;
	s9 =	sadd.s32 $0x3000, s0;
	s14 =	smul.u32 $0x2800, s11  }
0x6: {  	s4 =	sshll.u32 s2, $0x4;
	s5 =	smul.u32 $0x28000, s2;
	s2 =	ssub.s32 $0x2, s2  }
0x7: {  	_ =	strace $0x8000004A;
	s4 =	sor.u32 s11, s4;
	s10 =	sshrl.u32 s2, $0x1  }
0x8: {  	s8 =	sshrl.u32 s8, $0x2;
	s11 =	simm.s32 $0x3;
	s6 =	smul.u32 $0x2800, s4  }
0x9: {  	s4 =	sadd.s32 $0x67000, s0;
	s0 =	sadd.s32 s5, s0;
	s5 =	sadd.s32 s14, s5  }
0xa: {  	s2 =	ssub.s32 s2, s10;
	s31 =	sadd.s32 s8, s1;
	s19 =	sor.u32 $0x380, s5  }
0xb: {  	s0 =	sadd.s32 $0x8E200, s0;
	s2 =	smax.u32 s2, $0x1;
	s21 =	sor.u32 $0x300, s5  }
0xc: {  	s22 =	sor.u32 $0x280, s5;
	s5 =	sor.u32 $0x200, s5;
	[dreg:$0x3] =	wrdreg s31  }
0xd: {  	s24 =	sadd.s32 $0x4000, s31;
	s25 =	sadd.s32 $0x8000, s31;
	[dreg:$0xc] =	wrdreg s2  }
0xe: {  	s26 =	sadd.s32 $0xC000, s31;
	s28 =	sadd.s32 $0x10000, s31;
	[dreg:$0xd] =	wrdreg s24  }
0xf: {  	s6 =	sshrl.u32 s6, $0x3;
	s20 =	sshrl.u32 s19, $0x3;
	[dreg:$0xf] =	wrdreg s25  }
0x10: {  	s2 =	sshrl.u32 s21, $0x3;
	s23 =	sshrl.u32 s5, $0x3;
	[dreg:$0x10] =	wrdreg s26  }
0x11: {  	s0 =	sadd.s32 s14, s0;
	[dreg:$0x11] =	wrdreg s28;
	s14 =	simm.s32 $0x18000  }
0x12: {  	s24 =	simm.s32 $0x5;
	s25 =	simm.s32 $0x2;
	s26 =	simm.s32 $0x6  }
0x13: {  	s10 =	sadd.s32 s7, s6;
	s12 =	sadd.s32 s9, s6;
	[dreg:$0xe] =	wrdreg s0  }
0x14: {  	s13 =	sor.u32 $0x10, s6;
	s16 =	sor.u32 $0x20, s6;
	[dreg:$0x4] =	wrdreg s10  }
0x15: {  	s6 =	sor.u32 $0x30, s6;
	[dreg:$0x5] =	wrdreg s12;
	s15 =	sadd.s32 s7, s13  }
0x16: {  	s21 =	sadd.s32 s23, s9;
	s8 =	sadd.s32 s9, s13;
	[dreg:$0x6] =	wrdreg s15  }
0x17: {  	s17 =	sadd.s32 s7, s16;
	s18 =	sadd.s32 s7, s6;
	[dreg:$0x7] =	wrdreg s8  }
0x18: {  	s6 =	sadd.s32 s9, s6;
	s10 =	simm.s32 $0x1C380;
	[dreg:$0x8] =	wrdreg s17  }
0x19: {  	s12 =	simm.s32 $0x80;
	s13 =	simm.s32 $0x4;
	[dreg:$0xa] =	wrdreg s18  }
0x1a: {  	s8 =	sadd.s32 s9, s16;
	[dreg:$0xb] =	wrdreg s6;
	s15 =	sadd.s32 s20, s9  }
.Ltmp0:
0x1b: {  	s16 =	sadd.s32 s20, s7;
	s17 =	sadd.s32 s2, s9;
	(pc) =	sbr.rel .LBB2_1-.Ltmp0, $4  }
0x1c: {  	s6 =	sshrl.u32 s22, $0x3;
	s18 =	sadd.s32 s2, s7;
	s22 =	sadd.s32 s23, s7  }
0x1d: {  	s23 =	simm.s32 $0x1;
	s2 =	simm.s32 $0x0;
	[dreg:$0x9] =	wrdreg s8  }
0x1e: {  	s19 =	sadd.s32 s6, s9;
	s20 =	sadd.s32 s6, s7;
	s7 =	simm.s32 $0x1C100  }
0x1f: {  	v0 =	vimm.f32 $0.0e+00;
	s8 =	simm.s32 $0x1C300;
	s9 =	simm.s32 $0x1C180;
	s6 =	simm.s32 $0x1C080  }
.LBB2_6:
0x20: {  	_ =	swait.ge [sflag:s25], $0x4000  }
0x21: {  	[sflag:s25] =	ssyncset.done $0x0  }
0x22: {  	[sflag:s25] =	ssyncadd.s32 $0xFFFFC000  }
0x23: {  	[spmem:s1] =	stream.indirect.scatter.add.f32 [tilespmem:s14], [sflag:$0x7], $0x80, s10, s12, $0xb8;
	[tilespmem:$0x1C400] =	vst v63  }
0x24: {  	_ =	swait.ge [sflag:s30], $0x4000  }
0x25: {  	[sflag:s30] =	ssyncset.done $0x0  }
0x26: {  	[sflag:s30] =	ssyncadd.s32 $0xFFFFC000  }
0x27: {  	s0 =	stileid.u32;
	[bflag:$0x0] =	sbarrier.arrive $0xFFFF  }
0x28: {  	s0 =	sshll.u32 s0, $0x6;
	s31 =	rddreg [dreg:$0x3]  }
0x29: {  	s0 =	sor.u32 $0x1C07, s0;
	s28 =	rddreg [dreg:$0xe];
	s5 =	sshrl.u32 s31, $0x3  }
0x2a: {  	[hbm:s28], [sflag:s0] =	dma.local [spmem:s5], $0x2800  }
0x2b: {  	_ =	swait.ge [sflag:s30], $0x2800  }
0x2c: {  	s2 =	rddreg [dreg:$0x12]  }
0x2d: {  	s28 =	rddreg [dreg:$0xc];
	s2 =	sadd.s32 $0x1, s2  }
0x2e: {  	p0 =	sne.s32 s2, s28  }
.Ltmp1:
0x2f: {  	_ = 	snop;
	(pc) =	sbr.rel @!p0 .LBB2_7-.Ltmp1, $3  }
0x30: {  	_ =	sdelay $0x1  }
0x31: {  	[sflag:s30] =	ssyncset.done $0x0  }
0x32: {  	[sflag:s30] =	ssyncadd.s32 $0xFFFFD800  }
.LBB2_1:
0x33: {  	[dreg:$0x12] =	wrdreg s2;
	s5 =	simm.s32 $0x0;
	s28 =	simm.s32 $0x200  }
.LBB2_2:
0x34: {  	p0 =	sne.s32 s28, $0xFE00;
	[tilespmem:s5+$0x14070] =	vst v0  }
0x35: {  	[tilespmem:s5+$0x14000] =	vst v0  }
0x36: {  	[tilespmem:s5+$0x14010] =	vst v0  }
.Ltmp2:
0x37: {  	[tilespmem:s5+$0x14020] =	vst v0;
	(pc) =	sbr.rel @p0 .LBB2_2-.Ltmp2, $4  }
0x38: {  	[tilespmem:s5+$0x14030] =	vst v0  }
0x39: {  	[tilespmem:s5+$0x14040] =	vst v0  }
0x3a: {  	[tilespmem:s5+$0x14050] =	vst v0  }
0x3b: {  	[tilespmem:s5+$0x14060] =	vst v0;
	s5 =	sshra.s32 s28, $0x2;
	s28 =	sadd.s32 $0x200, s28  }
0x3c: {  	[tilespmem:s5+$0x14070] =	vst v0  }
0x3d: {  	[tilespmem:s5+$0x14000] =	vst v0  }
0x3e: {  	[tilespmem:s5+$0x14010] =	vst v0  }
0x3f: {  	[tilespmem:s5+$0x14020] =	vst v0  }
0x40: {  	[tilespmem:s5+$0x14030] =	vst v0  }
0x41: {  	[tilespmem:s5+$0x14040] =	vst v0  }
0x42: {  	[tilespmem:s5+$0x14050] =	vst v0  }
0x43: {  	[tilespmem:s5+$0x14060] =	vst v0  }
0x44: {  	[spmem:s31] =	stream.linear.scatter [tilespmem:s29], [sflag:$0x7], $0x4000, $0x38;
	[tilespmem:$0x1C400] =	vst v63  }
0x45: {  	_ =	swait.ge [sflag:s30], $0x4000  }
0x46: {  	[sflag:s30] =	ssyncset.done $0x0  }
0x47: {  	s0 =	rddreg [dreg:$0xd];
	[sflag:s30] =	ssyncadd.s32 $0xFFFFC000  }
0x48: {  	[spmem:s0] =	stream.linear.scatter [tilespmem:s29], [sflag:$0x7], $0x4000, $0x38;
	[tilespmem:$0x1C400] =	vst v63  }
0x49: {  	_ =	swait.ge [sflag:s30], $0x4000  }
0x4a: {  	[sflag:s30] =	ssyncset.done $0x0  }
0x4b: {  	s5 =	rddreg [dreg:$0xf];
	[sflag:s30] =	ssyncadd.s32 $0xFFFFC000  }
0x4c: {  	[spmem:s5] =	stream.linear.scatter [tilespmem:s29], [sflag:$0x7], $0x4000, $0x38;
	[tilespmem:$0x1C400] =	vst v63  }
0x4d: {  	_ =	swait.ge [sflag:s30], $0x4000  }
0x4e: {  	[sflag:s30] =	ssyncset.done $0x0  }
0x4f: {  	s28 =	rddreg [dreg:$0x10];
	[sflag:s30] =	ssyncadd.s32 $0xFFFFC000  }
0x50: {  	[spmem:s28] =	stream.linear.scatter [tilespmem:s29], [sflag:$0x7], $0x4000, $0x38;
	[tilespmem:$0x1C400] =	vst v63  }
0x51: {  	_ =	swait.ge [sflag:s30], $0x4000  }
0x52: {  	[sflag:s30] =	ssyncset.done $0x0  }
0x53: {  	s31 =	rddreg [dreg:$0x11];
	[sflag:s30] =	ssyncadd.s32 $0xFFFFC000  }
0x54: {  	[spmem:s31] =	stream.linear.scatter [tilespmem:s29], [sflag:$0x7], $0x4000, $0x38;
	[tilespmem:$0x1C400] =	vst v63  }
0x55: {  	_ =	swait.ge [sflag:s30], $0x4000  }
0x56: {  	[sflag:s30] =	ssyncset.done $0x0  }
0x57: {  	[sflag:s30] =	ssyncadd.s32 $0xFFFFC000  }
0x58: {  	[bflag:$0x0] =	sbarrier.arrive $0xFFFF  }
0x59: {  	s5 =	simm.s32 $0x0;
	s28 =	simm.s32 $0x1C000;
	s2 =	rddreg [dreg:$0x4]  }
0x5a: {  	[tilespmem:s28], [sflag:$0x3] =	stream.linear.gather [hbm4b:s2+s5], $0x80, $0x38;
	[tilespmem:$0x1C400] =	vst v63  }
0x5b: {  	s31 =	rddreg [dreg:$0x5];
	s2 =	simm.s32 $0x1C200  }
0x5c: {  	[tilespmem:s2], [sflag:$0x3] =	stream.linear.gather [hbm4b:s31+s5], $0x80, $0x38;
	[tilespmem:$0x1C400] =	vst v63  }
0x5d: {  	s2 =	rddreg [dreg:$0x6];
	s31 =	simm.s32 $0x1C080  }
0x5e: {  	[tilespmem:s31], [sflag:$0x4] =	stream.linear.gather [hbm4b:s2+s5], $0x80, $0x38;
	[tilespmem:$0x1C400] =	vst v63  }
0x5f: {  	s0 =	rddreg [dreg:$0x7];
	s2 =	simm.s32 $0x1C280  }
0x60: {  	[tilespmem:s2], [sflag:$0x4] =	stream.linear.gather [hbm4b:s0+s5], $0x80, $0x38;
	[tilespmem:$0x1C400] =	vst v63  }
0x61: {  	s2 =	rddreg [dreg:$0x8]  }
0x62: {  	[tilespmem:s7], [sflag:$0x5] =	stream.linear.gather [hbm4b:s2+s5], $0x80, $0x38;
	[tilespmem:$0x1C400] =	vst v63  }
0x63: {  	s2 =	rddreg [dreg:$0x9]  }
0x64: {  	[tilespmem:s8], [sflag:$0x5] =	stream.linear.gather [hbm4b:s2+s5], $0x80, $0x38;
	[tilespmem:$0x1C400] =	vst v63  }
0x65: {  	s2 =	rddreg [dreg:$0xa]  }
0x66: {  	[tilespmem:s9], [sflag:$0x6] =	stream.linear.gather [hbm4b:s2+s5], $0x80, $0x38;
	[tilespmem:$0x1C400] =	vst v63  }
0x67: {  	s2 =	rddreg [dreg:$0xb]  }
0x68: {  	[tilespmem:s10], [sflag:$0x6] =	stream.linear.gather [hbm4b:s2+s5], $0x80, $0x38;
	[tilespmem:$0x1C400] =	vst v63  }
0x69: {  	_ =	swait.ge [sflag:s11], $0x80  }
0x6a: {  	[sflag:s11] =	ssyncset.done $0x0  }
0x6b: {  	[sflag:s11] =	ssyncadd.s32 $0xFFFFFF80  }
0x6c: {  	_ =	swait.ge [sflag:s11], $0x80  }
0x6d: {  	[sflag:s11] =	ssyncset.done $0x0  }
0x6e: {  	[sflag:s11] =	ssyncadd.s32 $0xFFFFFF80  }
0x6f: {  	[tilespmem:s29], [sflag:$0x1] =	stream.indirect.gather [hbm4b:s4+s12], $0x80, s28, s12, $0xb8;
	[tilespmem:$0x1C400] =	vst v63  }
0x70: {  	_ =	swait.ge [sflag:s13], $0x80  }
0x71: {  	[sflag:s13] =	ssyncset.done $0x0  }
0x72: {  	[sflag:s13] =	ssyncadd.s32 $0xFFFFFF80  }
0x73: {  	_ =	swait.ge [sflag:s13], $0x80  }
0x74: {  	[sflag:s13] =	ssyncset.done $0x0  }
0x75: {  	s2 =	simm.s32 $0x1C000;
	[sflag:s13] =	ssyncadd.s32 $0xFFFFFF80  }
0x76: {  	[tilespmem:s14], [sflag:$0x2] =	stream.indirect.gather [hbm4b:s4+s12], $0x80, s31, s12, $0xb8;
	[tilespmem:$0x1C400] =	vst v63  }
.LBB2_4:
0x77: {  	_ =	swait.ge [sflag:s23], $0x4000  }
0x78: {  	[sflag:s23] =	ssyncset.done $0x0  }
0x79: {  	s0 =	simm.s32 $0x1C200;
	[sflag:s23] =	ssyncadd.s32 $0xFFFFC000  }
0x7a: {  	[spmem:s1] =	stream.indirect.scatter.add.f32 [tilespmem:s29], [sflag:$0x7], $0x80, s0, s12, $0xb8;
	[tilespmem:$0x1C400] =	vst v63  }
0x7b: {  	p0 =	seq.s32 s5, $0x4C0;
	_ =	swait.ge [sflag:s30], $0x4000  }
0x7c: {  	s28 =	sadd.s32 @!p0 s5, s22;
	[sflag:s30] =	ssyncset.done $0x0  }
0x7d: {  	s31 =	simm.s32 @!p0 $0x0;
	s0 =	simm.s32 @!p0 $0x1C000;
	[sflag:s30] =	ssyncadd.s32 $0xFFFFC000  }
0x7e: {  	[tilespmem:s0], [sflag:$0x3] =	stream.linear.gather @!p0 [hbm4b:s28+s31], $0x80, $0x38;
	[tilespmem:$0x1C400] =	vst v63  }
0x7f: {  	s0 =	sadd.s32 @!p0 s5, s21;
	s28 =	simm.s32 @!p0 $0x1C200  }
0x80: {  	[tilespmem:s28], [sflag:$0x3] =	stream.linear.gather @!p0 [hbm4b:s0+s31], $0x80, $0x38;
	[tilespmem:$0x1C400] =	vst v63  }
0x81: {  	_ =	swait.ge [sflag:s24], $0x80  }
0x82: {  	[sflag:s24] =	ssyncset.done $0x0  }
0x83: {  	[sflag:s24] =	ssyncadd.s32 $0xFFFFFF80  }
0x84: {  	_ =	swait.ge [sflag:s24], $0x80  }
0x85: {  	[sflag:s24] =	ssyncset.done $0x0  }
0x86: {  	[sflag:s24] =	ssyncadd.s32 $0xFFFFFF80  }
0x87: {  	[tilespmem:s29], [sflag:$0x1] =	stream.indirect.gather [hbm4b:s4+s12], $0x80, s7, s12, $0xb8;
	[tilespmem:$0x1C400] =	vst v63  }
0x88: {  	_ =	swait.ge [sflag:s25], $0x4000  }
0x89: {  	[sflag:s25] =	ssyncset.done $0x0  }
0x8a: {  	s28 =	simm.s32 $0x1C280;
	[sflag:s25] =	ssyncadd.s32 $0xFFFFC000  }
0x8b: {  	[spmem:s1] =	stream.indirect.scatter.add.f32 [tilespmem:s14], [sflag:$0x7], $0x80, s28, s12, $0xb8;
	[tilespmem:$0x1C400] =	vst v63  }
0x8c: {  	_ =	swait.ge [sflag:s30], $0x4000  }
0x8d: {  	[sflag:s30] =	ssyncset.done $0x0  }
0x8e: {  	s0 =	sadd.s32 @!p0 s5, s20;
	s28 =	simm.s32 @!p0 $0x1C080;
	[sflag:s30] =	ssyncadd.s32 $0xFFFFC000  }
0x8f: {  	[tilespmem:s28], [sflag:$0x4] =	stream.linear.gather @!p0 [hbm4b:s0+s31], $0x80, $0x38;
	[tilespmem:$0x1C400] =	vst v63  }
0x90: {  	s0 =	sadd.s32 @!p0 s5, s19;
	s28 =	simm.s32 @!p0 $0x1C280  }
0x91: {  	[tilespmem:s28], [sflag:$0x4] =	stream.linear.gather @!p0 [hbm4b:s0+s31], $0x80, $0x38;
	[tilespmem:$0x1C400] =	vst v63  }
0x92: {  	_ =	swait.ge [sflag:s26], $0x80  }
0x93: {  	[sflag:s26] =	ssyncset.done $0x0  }
0x94: {  	[sflag:s26] =	ssyncadd.s32 $0xFFFFFF80  }
0x95: {  	_ =	swait.ge [sflag:s26], $0x80  }
0x96: {  	[sflag:s26] =	ssyncset.done $0x0  }
0x97: {  	[sflag:s26] =	ssyncadd.s32 $0xFFFFFF80  }
0x98: {  	[tilespmem:s14], [sflag:$0x2] =	stream.indirect.gather [hbm4b:s4+s12], $0x80, s9, s12, $0xb8;
	[tilespmem:$0x1C400] =	vst v63  }
0x99: {  	_ =	swait.ge [sflag:s23], $0x4000  }
0x9a: {  	[sflag:s23] =	ssyncset.done $0x0  }
.Ltmp3:
0x9b: {  	[sflag:s23] =	ssyncadd.s32 $0xFFFFC000;
	(pc) =	sbr.rel @p0 .LBB2_6-.Ltmp3, $4  }
0x9c: {  	[spmem:s1] =	stream.indirect.scatter.add.f32 [tilespmem:s29], [sflag:$0x7], $0x80, s8, s12, $0xb8;
	[tilespmem:$0x1C400] =	vst v63  }
0x9d: {  	_ =	swait.ge [sflag:s30], $0x4000  }
0x9e: {  	[sflag:s30] =	ssyncset.done $0x0  }
0x9f: {  	[sflag:s30] =	ssyncadd.s32 $0xFFFFC000  }
0xa0: {  	s0 =	sadd.s32 s5, s18  }
0xa1: {  	[tilespmem:s7], [sflag:$0x5] =	stream.linear.gather [hbm4b:s0+s3], $0x80, $0x38;
	[tilespmem:$0x1C400] =	vst v63  }
0xa2: {  	s31 =	sadd.s32 s5, s17  }
0xa3: {  	[tilespmem:s8], [sflag:$0x5] =	stream.linear.gather [hbm4b:s31+s3], $0x80, $0x38;
	[tilespmem:$0x1C400] =	vst v63  }
0xa4: {  	_ =	swait.ge [sflag:s11], $0x80  }
0xa5: {  	[sflag:s11] =	ssyncset.done $0x0  }
0xa6: {  	[sflag:s11] =	ssyncadd.s32 $0xFFFFFF80  }
0xa7: {  	_ =	swait.ge [sflag:s11], $0x80  }
0xa8: {  	[sflag:s11] =	ssyncset.done $0x0  }
0xa9: {  	[sflag:s11] =	ssyncadd.s32 $0xFFFFFF80  }
0xaa: {  	[tilespmem:s29], [sflag:$0x1] =	stream.indirect.gather [hbm4b:s4+s12], $0x80, s2, s12, $0xb8;
	[tilespmem:$0x1C400] =	vst v63  }
0xab: {  	_ =	swait.ge [sflag:s25], $0x4000  }
0xac: {  	[sflag:s25] =	ssyncset.done $0x0  }
0xad: {  	[sflag:s25] =	ssyncadd.s32 $0xFFFFC000  }
0xae: {  	[spmem:s1] =	stream.indirect.scatter.add.f32 [tilespmem:s14], [sflag:$0x7], $0x80, s10, s12, $0xb8;
	[tilespmem:$0x1C400] =	vst v63  }
0xaf: {  	_ =	swait.ge [sflag:s30], $0x4000  }
0xb0: {  	[sflag:s30] =	ssyncset.done $0x0  }
0xb1: {  	s28 =	sadd.s32 s5, s16;
	[sflag:s30] =	ssyncadd.s32 $0xFFFFC000  }
0xb2: {  	[tilespmem:s9], [sflag:$0x6] =	stream.linear.gather [hbm4b:s28+s3], $0x80, $0x38;
	[tilespmem:$0x1C400] =	vst v63  }
0xb3: {  	s31 =	sadd.s32 s5, s15  }
0xb4: {  	[tilespmem:s10], [sflag:$0x6] =	stream.linear.gather [hbm4b:s31+s3], $0x80, $0x38;
	[tilespmem:$0x1C400] =	vst v63  }
0xb5: {  	_ =	swait.ge [sflag:s13], $0x80  }
0xb6: {  	[sflag:s13] =	ssyncset.done $0x0  }
.Ltmp4:
0xb7: {  	[sflag:s13] =	ssyncadd.s32 $0xFFFFFF80;
	(pc) =	sbr.rel .LBB2_4-.Ltmp4, $4  }
0xb8: {  	_ =	swait.ge [sflag:s13], $0x80  }
0xb9: {  	[sflag:s13] =	ssyncset.done $0x0  }
0xba: {  	s5 =	sadd.s32 $0x40, s5;
	[sflag:s13] =	ssyncadd.s32 $0xFFFFFF80  }
0xbb: {  	[tilespmem:s14], [sflag:$0x2] =	stream.indirect.gather [hbm4b:s4+s12], $0x80, s6, s12, $0xb8;
	[tilespmem:$0x1C400] =	vst v63  }
.LBB2_7:
0xbc: {  	_ =	sfence.sel $0x180000  }
0xbd: {  	[bflag:$0x0] =	sbarrier.arrive $0xFFFF  }
0xbe: {  	_ =	strace $0x9000004A  }
0xbf: {  	s0 =	stileid.u32;
	[bflag:$0x2] =	sbarrier.arrive $0xFFFF  }
0xc0: {  	p0 =	sne.s32 s0, $0x0;
	s0 =	rddreg [dreg:$0x2]  }
0xc1: {  	s0 =	sadd.s32 @!p0 $0x100000, s0  }
0xc2: {  	[sflag:s0] =	ssyncadd.tile.s32 @!p0 $0x1;
	_ =	shalt  }
.Lfunc_end2:
_tile_overlayer_lowered:
.L_overlay_start_2:
0xc3: {  	(tag) =	ssettag $0x2  }
0xc4: {  	s0 =	rddreg [dreg:$0x0];
	s2 =	stileid.u32  }
0xc5: {  	s1 =	rddreg [dreg:$0x1];
	p0 =	sne.s32 s2, $0x0  }
0xc6: {  	s3 =	rddreg [dreg:$0x2];
	[bflag:$0x3] =	sbarrier.arrive $0xFFFF;
	s2 =	simm.s32 @!p0 $0x1C07  }
0xc7: {  	[timem:s3], [sflag:s2] =	dma.local @!p0 [hbm:s0], s1  }
0xc8: {  	s0 =	simm.s32 @!p0 $0x7  }
0xc9: {  	_ =	swait.ge @!p0 [sflag:s0], s1  }
0xca: {  	s1 =	ssub.s32 @!p0 $0x0, s1;
	[sflag:s0] =	ssyncset.done @!p0 $0x0  }
0xcb: {  	[sflag:s0] =	ssyncadd.s32 @!p0 s1  }
0xcc: {  	[bflag:$0x3] =	sbarrier.arrive $0xFFFF  }
0xcd: {  	_ =	shalt  }

// kernel: kernel.14.cloned.1.call-start
scs
__scs_entry_jumppad:
0x0: {  	(pc) =	sbr.rel $0x88, $3  }
0x1: {  	(tag) =	ssettag $0x0;
	lr =	simm.s32 $0x1  }
0x2: {  	[smem:$0x3F98] =	sst lr;
	_ =	strace $0xD0000000  }
0x3: {  	_ = 	snop  }
0x4: {  	_ = 	snop  }
0x5: {  	_ = 	snop  }
0x6: {  	_ = 	snop  }
0x7: {  	_ = 	snop  }
__scs_overlays_trampoline_lowered:
0x8: {  	[smem:$0x3FA7] =	sst s0  }
0x9: {  	[smem:$0x3FA8] =	sst s1  }
0xa: {  	[smem:$0x3FA9] =	sst s2  }
0xb: {  	[smem:$0x3FAA] =	sst s3  }
0xc: {  	[smem:$0x3FAB] =	sst s4  }
0xd: {  	[smem:$0x3FAC] =	sst s5  }
0xe: {  	[smem:$0x3FAD] =	sst s6  }
0xf: {  	[smem:$0x3FAE] =	sst s7  }
0x10: {  	[smem:$0x3FAF] =	sst s8  }
0x11: {  	[smem:$0x3FB0] =	sst s9;
	s0 =	simm.s32 @!p0 $0x0  }
0x12: {  	s1 =	sld [smem:$0x3F96];
	s0 =	simm.s32 @p0 $0x1  }
0x13: {  	[smem:$0x3FB1] =	sst s0;
	s0 =	simm.s32 @!p1 $0x0  }
0x14: {  	s2 =	sld [smem:$0x3F95];
	s0 =	simm.s32 @p1 $0x1  }
0x15: {  	[smem:$0x3FB2] =	sst s0;
	s0 =	simm.s32 @!p2 $0x0  }
0x16: {  	s3 =	sld [smem:$0x3FDB];
	s0 =	simm.s32 @p2 $0x1  }
0x17: {  	s4 =	simm.s32 $0x1BF5;
	[smem:$0x3FB4] =	sst s0  }
0x18: {  	s0 =	sld [smem:$0x3F97];
	_ =	swait.ge [sflag:s4], $0x0  }
0x19: {  	s7 =	sld [smem:$0x3F98]  }
0x1a: {  	s8 =	sadd.s32 $0xFFFFE003, lr  }
0x1b: {  	s9 =	sadd.s32 $0xFFFFFEF7, lr;
	s5 =	simm.s32 $0xFFFFFFFF;
	p2 =	slt.u32 s8, $0xFFFFF086  }
0x1c: {  	p1 =	slt.u32 s9, $0xF7A;
	s5 =	simm.s32 @!p2 $0x0  }
0x1d: {  	s5 =	simm.s32 @p1 $0x1;
	p0 =	seq.s32 s7, s2  }
0x1e: {  	s7 =	smul.u32 @!p0 $0xF7A, s2;
	p2 =	seq.s32 @!p0 s5, $0x0  }
0x1f: {  	s9 =	smul.u32 $0xF7A, s1;
	s8 =	simm.s32 @!p0 $0x1BF5;
	p2 =	por !p2, p0  }
0x20: {  	[sflag:s8] =	ssyncset.s32 @!p0 $0xFFFFF086;
	s6 =	sadd.s32 @!p0 s3, s7;
	s7 =	simm.s32 @!p0 $0x108  }
0x21: {  	s3 =	sadd.s32 s3, s9;
	s6 =	sadd.s32 @!p0 $0x88, s6;
	s7 =	simm.s32 @p2 $0x1082  }
0x22: {  	[simem:s7], [sflag:s8] =	dma.local @!p0 [hbm:s6], $0xF7A  }
0x23: {  	s9 =	sor.u32 $0xD0000000, s2;
	s6 =	simm.s32 $0x108;
	_ =	swait.ge @!p0 [sflag:s8], $0x0  }
0x24: {  	s3 =	sadd.s32 $0x88, s3;
	s6 =	simm.s32 @!p1 $0x1082;
	[sflag:s4] =	ssyncset.s32 $0xFFFFF086  }
0x25: {  	[simem:s6], [sflag:s4] =	dma.local [hbm:s3], $0xF7A  }
0x26: {  	[smem:$0x3F98] =	sst s1;
	(tag) =	ssettag s2;
	_ =	strace s9  }
0x27: {  	s1 =	sld [smem:$0x3FA8]  }
0x28: {  	s2 =	sld [smem:$0x3FA9]  }
0x29: {  	s4 =	sld [smem:$0x3FAB]  }
0x2a: {  	p0 =	seq.s32 s5, $0x0;
	s5 =	sld [smem:$0x3FAC]  }
0x2b: {  	s6 =	sld [smem:$0x3FAD]  }
0x2c: {  	s7 =	sld [smem:$0x3FAE]  }
0x2d: {  	s3 =	simm.s32 $0x108;
	s8 =	sld [smem:$0x3FAF]  }
0x2e: {  	s3 =	simm.s32 @!p0 $0x1082;
	s9 =	sld [smem:$0x3FB0]  }
0x2f: {  	lr =	sadd.s32 s0, s3;
	s0 =	sld [smem:$0x3FA7]  }
0x30: {  	s3 =	sld [smem:$0x3FAA]  }
0x31: {  	[smem:$0x3FB3] =	sst s10  }
0x32: {  	s10 =	sld [smem:$0x3FB1];
	_ =	sdelay $0x3  }
0x33: {  	p0 =	seq.s32 s10, $0x1;
	s10 =	sld [smem:$0x3FB3];
	_ =	sdelay $0x3  }
0x34: {  	[smem:$0x3FB3] =	sst s10  }
0x35: {  	s10 =	sld [smem:$0x3FB2];
	_ =	sdelay $0x3  }
0x36: {  	p1 =	seq.s32 s10, $0x1;
	s10 =	sld [smem:$0x3FB3];
	_ =	sdelay $0x3  }
0x37: {  	[smem:$0x3FB3] =	sst s10  }
0x38: {  	s10 =	sld [smem:$0x3FB4]  }
0x39: {  	_ = 	snop;
	(pc) =	sbr.ind lr, $3  }
0x3a: {  	_ = 	snop  }
0x3b: {  	_ = 	snop  }
0x3c: {  	p2 =	seq.s32 s10, $0x1;
	s10 =	sld [smem:$0x3FB3]  }
0x3d: {  	_ =	shalt  }
0x3e: {  	_ =	shalt  }
0x3f: {  	_ =	shalt  }
0x40: {  	_ =	shalt  }
0x41: {  	_ =	shalt  }
0x42: {  	_ =	shalt  }
0x43: {  	_ =	shalt  }
0x44: {  	_ =	shalt  }
0x45: {  	_ =	shalt  }
0x46: {  	_ =	shalt  }
0x47: {  	_ =	shalt  }
0x48: {  	_ =	shalt  }
0x49: {  	_ =	shalt  }
0x4a: {  	_ =	shalt  }
0x4b: {  	_ =	shalt  }
0x4c: {  	_ =	shalt  }
0x4d: {  	_ =	shalt  }
0x4e: {  	_ =	shalt  }
0x4f: {  	_ =	shalt  }
0x50: {  	_ =	shalt  }
0x51: {  	_ =	shalt  }
0x52: {  	_ =	shalt  }
0x53: {  	_ =	shalt  }
0x54: {  	_ =	shalt  }
0x55: {  	_ =	shalt  }
0x56: {  	_ =	shalt  }
0x57: {  	_ =	shalt  }
0x58: {  	_ =	shalt  }
0x59: {  	_ =	shalt  }
0x5a: {  	_ =	shalt  }
0x5b: {  	_ =	shalt  }
0x5c: {  	_ =	shalt  }
0x5d: {  	_ =	shalt  }
0x5e: {  	_ =	shalt  }
0x5f: {  	_ =	shalt  }
0x60: {  	_ =	shalt  }
0x61: {  	_ =	shalt  }
0x62: {  	_ =	shalt  }
0x63: {  	_ =	shalt  }
0x64: {  	_ =	shalt  }
0x65: {  	_ =	shalt  }
0x66: {  	_ =	shalt  }
0x67: {  	_ =	shalt  }
0x68: {  	_ =	shalt  }
0x69: {  	_ =	shalt  }
0x6a: {  	_ =	shalt  }
0x6b: {  	_ =	shalt  }
0x6c: {  	_ =	shalt  }
0x6d: {  	_ =	shalt  }
0x6e: {  	_ =	shalt  }
0x6f: {  	_ =	shalt  }
0x70: {  	_ =	shalt  }
0x71: {  	_ =	shalt  }
0x72: {  	_ =	shalt  }
0x73: {  	_ =	shalt  }
0x74: {  	_ =	shalt  }
0x75: {  	_ =	shalt  }
0x76: {  	_ =	shalt  }
0x77: {  	_ =	shalt  }
0x78: {  	_ =	shalt  }
0x79: {  	_ =	shalt  }
0x7a: {  	_ =	shalt  }
0x7b: {  	_ =	shalt  }
0x7c: {  	_ =	shalt  }
0x7d: {  	_ =	shalt  }
0x7e: {  	_ =	shalt  }
0x7f: {  	_ =	shalt  }
0x80: {  	_ =	shalt  }
0x81: {  	_ =	shalt  }
0x82: {  	_ =	shalt  }
0x83: {  	_ =	shalt  }
0x84: {  	_ =	shalt  }
0x85: {  	_ =	shalt  }
0x86: {  	_ =	shalt  }
0x87: {  	_ =	shalt  }
.Lfunc_end0:
.L_simem_size_0:
called_computation.2_lowered:
.L_overlay_start_0:
0x88: {  	s2 =	sld [smem:$0x3FD9]  }
0x89: {  	s3 =	sld [smem:$0x3FFE];
	_ =	sdelay $0x1  }
0x8a: {  	s1 =	srdreg.scid  }
0x8b: {  	s0 =	sand.u32 $0x1, s1  }
0x8c: {  	s16 =	sshll.u32 s0, $0xA;
	s2 =	sadd.s32 s3, s2  }
0x8d: {  	s2 =	sadd.s32 s2, s16  }
0x8e: {  	[smem:$0x3FBF] =	sst s2  }
0x8f: {  	_ = 	snop  }
0x90: {  	(tm) =	ssettm $0x1  }
0x91: {  	s17 =	sld [smem:$0x3FFB];
	_ =	sdelay $0x3  }
0x92: {  	_ =	strace s17  }
0x93: {  	s2 =	sld [smem:$0x3FFC];
	_ =	sdelay $0x3  }
0x94: {  	_ =	strace s2  }
0x95: {  	s2 =	sld [smem:$0x3FFD];
	_ =	sdelay $0x3  }
0x96: {  	_ =	strace s2  }
0x97: {  	_ =	strace $0x8FFFFFFF  }
0x98: {  	s18 =	sld [smem:$0x3FDB];
	_ =	sdelay $0x1  }
0x99: {  	s19 =	simm.s32 $_scs_section_size  }
0x9a: {  	s4 =	simm.s32 $_size__tile_overlayer_lowered;
	s5 =	simm.s32 $_tile_overlayer_lowered  }
0x9b: {  	s22 =	simm.s32 $0x1BFF;
	s21 =	sshll.u32 s5, $0x1;
	s2 =	sadd.s32 s19, s18  }
0x9c: {  	s6 =	simm.s32 $0x0;
	s20 =	sshll.u32 s4, $0x1;
	s4 =	sadd.s32 s21, s2  }
0x9d: {  	[timem:s6], [sflag:s22] =	dma.local [hbm:s4], s20  }
0x9e: {  	_ =	swait.ge [sflag:s22], s20  }
0x9f: {  	s3 =	ssub.s32 $0x0, s20;
	[sflag:s22] =	ssyncset.done $0x0  }
0xa0: {  	[sflag:s22] =	ssyncadd.s32 s3;
	_ =	sdelay $0x1  }
0xa1: {  	s23 =	simm.s32 $0x1B8B  }
0xa2: {  	_ =	swait.ge [sflag:s23], $0x1  }
0xa3: {  	[sflag:s23] =	ssyncset.done $0x0  }
0xa4: {  	s25 =	simm.s32 $0x1B8E;
	s24 =	sld [smem:$0x3FFE];
	[sflag:s23] =	ssyncadd.s32 $0xFFFFFFFF  }
0xa5: {  	s26 =	simm.s32 $execute0_lowered;
	[smem:$0x3FD2] =	sst s25  }
0xa6: {  	s4 =	sshll.u32 s26, $0x1;
	_ =	strace $0x8000004C;
	[dreg:$0x1] =	wrdreg $0xFFFFFFFF  }
0xa7: {  	s28 =	simm.s32 $_size_execute0_lowered;
	s2 =	sadd.s32 s2, s4;
	[dreg:$0x0] =	wrdreg $0x0  }
0xa8: {  	s4 =	sshll.u32 s28, $0x1;
	[dreg:$0x2] =	wrdreg s2  }
0xa9: {  	[dreg:$0x3] =	wrdreg s4  }
0xaa: {  	[dreg:$0x4] =	wrdreg $0xC0  }
0xab: {  	_ =	task [dreg:s6], $0x5FFFF  }
0xac: {  	[dreg:$0x1] =	wrdreg $0xFFFFFFFF  }
0xad: {  	[dreg:$0x0] =	wrdreg $0x60  }
0xae: {  	[dreg:$0x2] =	wrdreg s24  }
0xaf: {  	[dreg:$0x3] =	wrdreg $0x0  }
0xb0: {  	[dreg:$0x4] =	wrdreg $0x9  }
0xb1: {  	_ =	task.clear_ibuf [dreg:s6], $0x5FFFF;
	_ =	strace $0x9000004C  }
0xb2: {  	s29 =	simm.s32 $0x9;
	_ =	strace $0x8000004E  }
0xb3: {  	_ =	swait.ge [sflag:s29], $0x1  }
0xb4: {  	[sflag:s29] =	ssyncadd.s32 $0xFFFFFFFF  }
0xb5: {  	_ =	strace $0x9000004E  }
0xb6: {  	_ =	sfence  }
0xb7: {  	s30 =	sld [smem:$0x0];
	_ =	sdelay $0x2  }
0xb8: {  	s31 =	sshll.u32 s1, $0xD;
	s1 =	sshrl.u32 s1, $0x2  }
0xb9: {  	s3 =	sand.u32 $0x4000, s31;
	s1 =	sadd.s32 s1, s30  }
0xba: {  	s0 =	sor.u32 s3, s0;
	s1 =	sshll.u32 s1, $0x11  }
0xbb: {  	s0 =	sor.u32 s1, s0  }
0xbc: {  	s0 =	sadd.s32 $0x8F2B, s0  }
0xbd: {  	[sflag:s0] =	ssyncadd.remote.s32 $0x1  }
0xbe: {  	_ =	sfence.sel $0xFFFF  }
0xbf: {  	[dreg:$0x0] =	wrdreg $0xFFFFFFFF;
	(pc) =	sbr.abs _section_cstart, $3  }
0xc0: {  	[dreg:$0x1] =	wrdreg $0xFFFFFFFF  }
0xc1: {  	_ =	task.clear_ibuf [dreg:s6], $0x2FFFF;
	_ =	strace $0x9FFFFFFF  }
0xc2: {  	(tm) =	ssettm $0x7FFFFFFF  }
0xc3: {  	_ =	shalt  }
tec
execute0_lowered:
.L_overlay_start_1:
0x0: {  	(tag) =	ssettag $0x1  }
0x1: {  	s0 =	rddreg [dreg:$0x0]  }
0x2: {  	s1 =	rddreg [dreg:$0x1];
	s2 =	srdreg.scid;
	s3 =	simm.s32 $0x0  }
0x3: {  	s11 =	stileid.u32;
	s29 =	simm.s32 $0x14000;
	s30 =	simm.s32 $0x7  }
0x4: {  	s2 =	sand.u32 $0x1, s2;
	[smem:$0x7FF] =	sst s3;
	s8 =	smul.u32 $0x50000, s11  }
0x5: {  	s7 =	sadd.s32 $0xD000, s0;
	s9 =	sadd.s32 $0x3000, s0;
	s14 =	smul.u32 $0x2800, s11  }
0x6: {  	s4 =	sshll.u32 s2, $0x4;
	s5 =	smul.u32 $0x28000, s2;
	s2 =	ssub.s32 $0x2, s2  }
0x7: {  	_ =	strace $0x8000004D;
	s4 =	sor.u32 s11, s4;
	s10 =	sshrl.u32 s2, $0x1  }
0x8: {  	s8 =	sshrl.u32 s8, $0x2;
	s11 =	simm.s32 $0x3;
	s6 =	smul.u32 $0x2800, s4  }
0x9: {  	s4 =	sadd.s32 $0x67000, s0;
	s0 =	sadd.s32 s5, s0;
	s5 =	sadd.s32 s14, s5  }
0xa: {  	s2 =	ssub.s32 s2, s10;
	s31 =	sadd.s32 s8, s1;
	s19 =	sor.u32 $0x380, s5  }
0xb: {  	s0 =	sadd.s32 $0x8E200, s0;
	s2 =	smax.u32 s2, $0x1;
	s21 =	sor.u32 $0x300, s5  }
0xc: {  	s22 =	sor.u32 $0x280, s5;
	s5 =	sor.u32 $0x200, s5;
	[dreg:$0x3] =	wrdreg s31  }
0xd: {  	s24 =	sadd.s32 $0x4000, s31;
	s25 =	sadd.s32 $0x8000, s31;
	[dreg:$0xc] =	wrdreg s2  }
0xe: {  	s26 =	sadd.s32 $0xC000, s31;
	s28 =	sadd.s32 $0x10000, s31;
	[dreg:$0xd] =	wrdreg s24  }
0xf: {  	s6 =	sshrl.u32 s6, $0x3;
	s20 =	sshrl.u32 s19, $0x3;
	[dreg:$0xf] =	wrdreg s25  }
0x10: {  	s2 =	sshrl.u32 s21, $0x3;
	s23 =	sshrl.u32 s5, $0x3;
	[dreg:$0x10] =	wrdreg s26  }
0x11: {  	s0 =	sadd.s32 s14, s0;
	[dreg:$0x11] =	wrdreg s28;
	s14 =	simm.s32 $0x18000  }
0x12: {  	s24 =	simm.s32 $0x5;
	s25 =	simm.s32 $0x2;
	s26 =	simm.s32 $0x6  }
0x13: {  	s10 =	sadd.s32 s7, s6;
	s12 =	sadd.s32 s9, s6;
	[dreg:$0xe] =	wrdreg s0  }
0x14: {  	s13 =	sor.u32 $0x10, s6;
	s16 =	sor.u32 $0x20, s6;
	[dreg:$0x4] =	wrdreg s10  }
0x15: {  	s6 =	sor.u32 $0x30, s6;
	[dreg:$0x5] =	wrdreg s12;
	s15 =	sadd.s32 s7, s13  }
0x16: {  	s21 =	sadd.s32 s23, s9;
	s8 =	sadd.s32 s9, s13;
	[dreg:$0x6] =	wrdreg s15  }
0x17: {  	s17 =	sadd.s32 s7, s16;
	s18 =	sadd.s32 s7, s6;
	[dreg:$0x7] =	wrdreg s8  }
0x18: {  	s6 =	sadd.s32 s9, s6;
	s10 =	simm.s32 $0x1C380;
	[dreg:$0x8] =	wrdreg s17  }
0x19: {  	s12 =	simm.s32 $0x80;
	s13 =	simm.s32 $0x4;
	[dreg:$0xa] =	wrdreg s18  }
0x1a: {  	s8 =	sadd.s32 s9, s16;
	[dreg:$0xb] =	wrdreg s6;
	s15 =	sadd.s32 s20, s9  }
.Ltmp0:
0x1b: {  	s16 =	sadd.s32 s20, s7;
	s17 =	sadd.s32 s2, s9;
	(pc) =	sbr.rel .LBB2_1-.Ltmp0, $4  }
0x1c: {  	s6 =	sshrl.u32 s22, $0x3;
	s18 =	sadd.s32 s2, s7;
	s22 =	sadd.s32 s23, s7  }
0x1d: {  	s23 =	simm.s32 $0x1;
	s2 =	simm.s32 $0x0;
	[dreg:$0x9] =	wrdreg s8  }
0x1e: {  	s19 =	sadd.s32 s6, s9;
	s20 =	sadd.s32 s6, s7;
	s7 =	simm.s32 $0x1C100  }
0x1f: {  	v0 =	vimm.f32 $0.0e+00;
	s8 =	simm.s32 $0x1C300;
	s9 =	simm.s32 $0x1C180;
	s6 =	simm.s32 $0x1C080  }
.LBB2_6:
0x20: {  	_ =	swait.ge [sflag:s25], $0x4000  }
0x21: {  	[sflag:s25] =	ssyncset.done $0x0  }
0x22: {  	[sflag:s25] =	ssyncadd.s32 $0xFFFFC000  }
0x23: {  	[spmem:s1] =	stream.indirect.scatter.add.f32 [tilespmem:s14], [sflag:$0x7], $0x80, s10, s12, $0xb8;
	[tilespmem:$0x1C400] =	vst v63  }
0x24: {  	_ =	swait.ge [sflag:s30], $0x4000  }
0x25: {  	[sflag:s30] =	ssyncset.done $0x0  }
0x26: {  	[sflag:s30] =	ssyncadd.s32 $0xFFFFC000  }
0x27: {  	s0 =	stileid.u32;
	[bflag:$0x0] =	sbarrier.arrive $0xFFFF  }
0x28: {  	s0 =	sshll.u32 s0, $0x6;
	s31 =	rddreg [dreg:$0x3]  }
0x29: {  	s0 =	sor.u32 $0x1C07, s0;
	s28 =	rddreg [dreg:$0xe];
	s5 =	sshrl.u32 s31, $0x3  }
0x2a: {  	[hbm:s28], [sflag:s0] =	dma.local [spmem:s5], $0x2800  }
0x2b: {  	_ =	swait.ge [sflag:s30], $0x2800  }
0x2c: {  	s2 =	rddreg [dreg:$0x12]  }
0x2d: {  	s28 =	rddreg [dreg:$0xc];
	s2 =	sadd.s32 $0x1, s2  }
0x2e: {  	p0 =	sne.s32 s2, s28  }
.Ltmp1:
0x2f: {  	_ = 	snop;
	(pc) =	sbr.rel @!p0 .LBB2_7-.Ltmp1, $3  }
0x30: {  	_ =	sdelay $0x1  }
0x31: {  	[sflag:s30] =	ssyncset.done $0x0  }
0x32: {  	[sflag:s30] =	ssyncadd.s32 $0xFFFFD800  }
.LBB2_1:
0x33: {  	[dreg:$0x12] =	wrdreg s2;
	s5 =	simm.s32 $0x0;
	s28 =	simm.s32 $0x200  }
.LBB2_2:
0x34: {  	p0 =	sne.s32 s28, $0xFE00;
	[tilespmem:s5+$0x14070] =	vst v0  }
0x35: {  	[tilespmem:s5+$0x14000] =	vst v0  }
0x36: {  	[tilespmem:s5+$0x14010] =	vst v0  }
.Ltmp2:
0x37: {  	[tilespmem:s5+$0x14020] =	vst v0;
	(pc) =	sbr.rel @p0 .LBB2_2-.Ltmp2, $4  }
0x38: {  	[tilespmem:s5+$0x14030] =	vst v0  }
0x39: {  	[tilespmem:s5+$0x14040] =	vst v0  }
0x3a: {  	[tilespmem:s5+$0x14050] =	vst v0  }
0x3b: {  	[tilespmem:s5+$0x14060] =	vst v0;
	s5 =	sshra.s32 s28, $0x2;
	s28 =	sadd.s32 $0x200, s28  }
0x3c: {  	[tilespmem:s5+$0x14070] =	vst v0  }
0x3d: {  	[tilespmem:s5+$0x14000] =	vst v0  }
0x3e: {  	[tilespmem:s5+$0x14010] =	vst v0  }
0x3f: {  	[tilespmem:s5+$0x14020] =	vst v0  }
0x40: {  	[tilespmem:s5+$0x14030] =	vst v0  }
0x41: {  	[tilespmem:s5+$0x14040] =	vst v0  }
0x42: {  	[tilespmem:s5+$0x14050] =	vst v0  }
0x43: {  	[tilespmem:s5+$0x14060] =	vst v0  }
0x44: {  	[spmem:s31] =	stream.linear.scatter [tilespmem:s29], [sflag:$0x7], $0x4000, $0x38;
	[tilespmem:$0x1C400] =	vst v63  }
0x45: {  	_ =	swait.ge [sflag:s30], $0x4000  }
0x46: {  	[sflag:s30] =	ssyncset.done $0x0  }
0x47: {  	s0 =	rddreg [dreg:$0xd];
	[sflag:s30] =	ssyncadd.s32 $0xFFFFC000  }
0x48: {  	[spmem:s0] =	stream.linear.scatter [tilespmem:s29], [sflag:$0x7], $0x4000, $0x38;
	[tilespmem:$0x1C400] =	vst v63  }
0x49: {  	_ =	swait.ge [sflag:s30], $0x4000  }
0x4a: {  	[sflag:s30] =	ssyncset.done $0x0  }
0x4b: {  	s5 =	rddreg [dreg:$0xf];
	[sflag:s30] =	ssyncadd.s32 $0xFFFFC000  }
0x4c: {  	[spmem:s5] =	stream.linear.scatter [tilespmem:s29], [sflag:$0x7], $0x4000, $0x38;
	[tilespmem:$0x1C400] =	vst v63  }
0x4d: {  	_ =	swait.ge [sflag:s30], $0x4000  }
0x4e: {  	[sflag:s30] =	ssyncset.done $0x0  }
0x4f: {  	s28 =	rddreg [dreg:$0x10];
	[sflag:s30] =	ssyncadd.s32 $0xFFFFC000  }
0x50: {  	[spmem:s28] =	stream.linear.scatter [tilespmem:s29], [sflag:$0x7], $0x4000, $0x38;
	[tilespmem:$0x1C400] =	vst v63  }
0x51: {  	_ =	swait.ge [sflag:s30], $0x4000  }
0x52: {  	[sflag:s30] =	ssyncset.done $0x0  }
0x53: {  	s31 =	rddreg [dreg:$0x11];
	[sflag:s30] =	ssyncadd.s32 $0xFFFFC000  }
0x54: {  	[spmem:s31] =	stream.linear.scatter [tilespmem:s29], [sflag:$0x7], $0x4000, $0x38;
	[tilespmem:$0x1C400] =	vst v63  }
0x55: {  	_ =	swait.ge [sflag:s30], $0x4000  }
0x56: {  	[sflag:s30] =	ssyncset.done $0x0  }
0x57: {  	[sflag:s30] =	ssyncadd.s32 $0xFFFFC000  }
0x58: {  	[bflag:$0x0] =	sbarrier.arrive $0xFFFF  }
0x59: {  	s5 =	simm.s32 $0x0;
	s28 =	simm.s32 $0x1C000;
	s2 =	rddreg [dreg:$0x4]  }
0x5a: {  	[tilespmem:s28], [sflag:$0x3] =	stream.linear.gather [hbm4b:s2+s5], $0x80, $0x38;
	[tilespmem:$0x1C400] =	vst v63  }
0x5b: {  	s31 =	rddreg [dreg:$0x5];
	s2 =	simm.s32 $0x1C200  }
0x5c: {  	[tilespmem:s2], [sflag:$0x3] =	stream.linear.gather [hbm4b:s31+s5], $0x80, $0x38;
	[tilespmem:$0x1C400] =	vst v63  }
0x5d: {  	s2 =	rddreg [dreg:$0x6];
	s31 =	simm.s32 $0x1C080  }
0x5e: {  	[tilespmem:s31], [sflag:$0x4] =	stream.linear.gather [hbm4b:s2+s5], $0x80, $0x38;
	[tilespmem:$0x1C400] =	vst v63  }
0x5f: {  	s0 =	rddreg [dreg:$0x7];
	s2 =	simm.s32 $0x1C280  }
0x60: {  	[tilespmem:s2], [sflag:$0x4] =	stream.linear.gather [hbm4b:s0+s5], $0x80, $0x38;
	[tilespmem:$0x1C400] =	vst v63  }
0x61: {  	s2 =	rddreg [dreg:$0x8]  }
0x62: {  	[tilespmem:s7], [sflag:$0x5] =	stream.linear.gather [hbm4b:s2+s5], $0x80, $0x38;
	[tilespmem:$0x1C400] =	vst v63  }
0x63: {  	s2 =	rddreg [dreg:$0x9]  }
0x64: {  	[tilespmem:s8], [sflag:$0x5] =	stream.linear.gather [hbm4b:s2+s5], $0x80, $0x38;
	[tilespmem:$0x1C400] =	vst v63  }
0x65: {  	s2 =	rddreg [dreg:$0xa]  }
0x66: {  	[tilespmem:s9], [sflag:$0x6] =	stream.linear.gather [hbm4b:s2+s5], $0x80, $0x38;
	[tilespmem:$0x1C400] =	vst v63  }
0x67: {  	s2 =	rddreg [dreg:$0xb]  }
0x68: {  	[tilespmem:s10], [sflag:$0x6] =	stream.linear.gather [hbm4b:s2+s5], $0x80, $0x38;
	[tilespmem:$0x1C400] =	vst v63  }
0x69: {  	_ =	swait.ge [sflag:s11], $0x80  }
0x6a: {  	[sflag:s11] =	ssyncset.done $0x0  }
0x6b: {  	[sflag:s11] =	ssyncadd.s32 $0xFFFFFF80  }
0x6c: {  	_ =	swait.ge [sflag:s11], $0x80  }
0x6d: {  	[sflag:s11] =	ssyncset.done $0x0  }
0x6e: {  	[sflag:s11] =	ssyncadd.s32 $0xFFFFFF80  }
0x6f: {  	[tilespmem:s29], [sflag:$0x1] =	stream.indirect.gather [hbm4b:s4+s12], $0x80, s28, s12, $0xb8;
	[tilespmem:$0x1C400] =	vst v63  }
0x70: {  	_ =	swait.ge [sflag:s13], $0x80  }
0x71: {  	[sflag:s13] =	ssyncset.done $0x0  }
0x72: {  	[sflag:s13] =	ssyncadd.s32 $0xFFFFFF80  }
0x73: {  	_ =	swait.ge [sflag:s13], $0x80  }
0x74: {  	[sflag:s13] =	ssyncset.done $0x0  }
0x75: {  	s2 =	simm.s32 $0x1C000;
	[sflag:s13] =	ssyncadd.s32 $0xFFFFFF80  }
0x76: {  	[tilespmem:s14], [sflag:$0x2] =	stream.indirect.gather [hbm4b:s4+s12], $0x80, s31, s12, $0xb8;
	[tilespmem:$0x1C400] =	vst v63  }
.LBB2_4:
0x77: {  	_ =	swait.ge [sflag:s23], $0x4000  }
0x78: {  	[sflag:s23] =	ssyncset.done $0x0  }
0x79: {  	s0 =	simm.s32 $0x1C200;
	[sflag:s23] =	ssyncadd.s32 $0xFFFFC000  }
0x7a: {  	[spmem:s1] =	stream.indirect.scatter.add.f32 [tilespmem:s29], [sflag:$0x7], $0x80, s0, s12, $0xb8;
	[tilespmem:$0x1C400] =	vst v63  }
0x7b: {  	p0 =	seq.s32 s5, $0x4C0;
	_ =	swait.ge [sflag:s30], $0x4000  }
0x7c: {  	s28 =	sadd.s32 @!p0 s5, s22;
	[sflag:s30] =	ssyncset.done $0x0  }
0x7d: {  	s31 =	simm.s32 @!p0 $0x0;
	s0 =	simm.s32 @!p0 $0x1C000;
	[sflag:s30] =	ssyncadd.s32 $0xFFFFC000  }
0x7e: {  	[tilespmem:s0], [sflag:$0x3] =	stream.linear.gather @!p0 [hbm4b:s28+s31], $0x80, $0x38;
	[tilespmem:$0x1C400] =	vst v63  }
0x7f: {  	s0 =	sadd.s32 @!p0 s5, s21;
	s28 =	simm.s32 @!p0 $0x1C200  }
0x80: {  	[tilespmem:s28], [sflag:$0x3] =	stream.linear.gather @!p0 [hbm4b:s0+s31], $0x80, $0x38;
	[tilespmem:$0x1C400] =	vst v63  }
0x81: {  	_ =	swait.ge [sflag:s24], $0x80  }
0x82: {  	[sflag:s24] =	ssyncset.done $0x0  }
0x83: {  	[sflag:s24] =	ssyncadd.s32 $0xFFFFFF80  }
0x84: {  	_ =	swait.ge [sflag:s24], $0x80  }
0x85: {  	[sflag:s24] =	ssyncset.done $0x0  }
0x86: {  	[sflag:s24] =	ssyncadd.s32 $0xFFFFFF80  }
0x87: {  	[tilespmem:s29], [sflag:$0x1] =	stream.indirect.gather [hbm4b:s4+s12], $0x80, s7, s12, $0xb8;
	[tilespmem:$0x1C400] =	vst v63  }
0x88: {  	_ =	swait.ge [sflag:s25], $0x4000  }
0x89: {  	[sflag:s25] =	ssyncset.done $0x0  }
0x8a: {  	s28 =	simm.s32 $0x1C280;
	[sflag:s25] =	ssyncadd.s32 $0xFFFFC000  }
0x8b: {  	[spmem:s1] =	stream.indirect.scatter.add.f32 [tilespmem:s14], [sflag:$0x7], $0x80, s28, s12, $0xb8;
	[tilespmem:$0x1C400] =	vst v63  }
0x8c: {  	_ =	swait.ge [sflag:s30], $0x4000  }
0x8d: {  	[sflag:s30] =	ssyncset.done $0x0  }
0x8e: {  	s0 =	sadd.s32 @!p0 s5, s20;
	s28 =	simm.s32 @!p0 $0x1C080;
	[sflag:s30] =	ssyncadd.s32 $0xFFFFC000  }
0x8f: {  	[tilespmem:s28], [sflag:$0x4] =	stream.linear.gather @!p0 [hbm4b:s0+s31], $0x80, $0x38;
	[tilespmem:$0x1C400] =	vst v63  }
0x90: {  	s0 =	sadd.s32 @!p0 s5, s19;
	s28 =	simm.s32 @!p0 $0x1C280  }
0x91: {  	[tilespmem:s28], [sflag:$0x4] =	stream.linear.gather @!p0 [hbm4b:s0+s31], $0x80, $0x38;
	[tilespmem:$0x1C400] =	vst v63  }
0x92: {  	_ =	swait.ge [sflag:s26], $0x80  }
0x93: {  	[sflag:s26] =	ssyncset.done $0x0  }
0x94: {  	[sflag:s26] =	ssyncadd.s32 $0xFFFFFF80  }
0x95: {  	_ =	swait.ge [sflag:s26], $0x80  }
0x96: {  	[sflag:s26] =	ssyncset.done $0x0  }
0x97: {  	[sflag:s26] =	ssyncadd.s32 $0xFFFFFF80  }
0x98: {  	[tilespmem:s14], [sflag:$0x2] =	stream.indirect.gather [hbm4b:s4+s12], $0x80, s9, s12, $0xb8;
	[tilespmem:$0x1C400] =	vst v63  }
0x99: {  	_ =	swait.ge [sflag:s23], $0x4000  }
0x9a: {  	[sflag:s23] =	ssyncset.done $0x0  }
.Ltmp3:
0x9b: {  	[sflag:s23] =	ssyncadd.s32 $0xFFFFC000;
	(pc) =	sbr.rel @p0 .LBB2_6-.Ltmp3, $4  }
0x9c: {  	[spmem:s1] =	stream.indirect.scatter.add.f32 [tilespmem:s29], [sflag:$0x7], $0x80, s8, s12, $0xb8;
	[tilespmem:$0x1C400] =	vst v63  }
0x9d: {  	_ =	swait.ge [sflag:s30], $0x4000  }
0x9e: {  	[sflag:s30] =	ssyncset.done $0x0  }
0x9f: {  	[sflag:s30] =	ssyncadd.s32 $0xFFFFC000  }
0xa0: {  	s0 =	sadd.s32 s5, s18  }
0xa1: {  	[tilespmem:s7], [sflag:$0x5] =	stream.linear.gather [hbm4b:s0+s3], $0x80, $0x38;
	[tilespmem:$0x1C400] =	vst v63  }
0xa2: {  	s31 =	sadd.s32 s5, s17  }
0xa3: {  	[tilespmem:s8], [sflag:$0x5] =	stream.linear.gather [hbm4b:s31+s3], $0x80, $0x38;
	[tilespmem:$0x1C400] =	vst v63  }
0xa4: {  	_ =	swait.ge [sflag:s11], $0x80  }
0xa5: {  	[sflag:s11] =	ssyncset.done $0x0  }
0xa6: {  	[sflag:s11] =	ssyncadd.s32 $0xFFFFFF80  }
0xa7: {  	_ =	swait.ge [sflag:s11], $0x80  }
0xa8: {  	[sflag:s11] =	ssyncset.done $0x0  }
0xa9: {  	[sflag:s11] =	ssyncadd.s32 $0xFFFFFF80  }
0xaa: {  	[tilespmem:s29], [sflag:$0x1] =	stream.indirect.gather [hbm4b:s4+s12], $0x80, s2, s12, $0xb8;
	[tilespmem:$0x1C400] =	vst v63  }
0xab: {  	_ =	swait.ge [sflag:s25], $0x4000  }
0xac: {  	[sflag:s25] =	ssyncset.done $0x0  }
0xad: {  	[sflag:s25] =	ssyncadd.s32 $0xFFFFC000  }
0xae: {  	[spmem:s1] =	stream.indirect.scatter.add.f32 [tilespmem:s14], [sflag:$0x7], $0x80, s10, s12, $0xb8;
	[tilespmem:$0x1C400] =	vst v63  }
0xaf: {  	_ =	swait.ge [sflag:s30], $0x4000  }
0xb0: {  	[sflag:s30] =	ssyncset.done $0x0  }
0xb1: {  	s28 =	sadd.s32 s5, s16;
	[sflag:s30] =	ssyncadd.s32 $0xFFFFC000  }
0xb2: {  	[tilespmem:s9], [sflag:$0x6] =	stream.linear.gather [hbm4b:s28+s3], $0x80, $0x38;
	[tilespmem:$0x1C400] =	vst v63  }
0xb3: {  	s31 =	sadd.s32 s5, s15  }
0xb4: {  	[tilespmem:s10], [sflag:$0x6] =	stream.linear.gather [hbm4b:s31+s3], $0x80, $0x38;
	[tilespmem:$0x1C400] =	vst v63  }
0xb5: {  	_ =	swait.ge [sflag:s13], $0x80  }
0xb6: {  	[sflag:s13] =	ssyncset.done $0x0  }
.Ltmp4:
0xb7: {  	[sflag:s13] =	ssyncadd.s32 $0xFFFFFF80;
	(pc) =	sbr.rel .LBB2_4-.Ltmp4, $4  }
0xb8: {  	_ =	swait.ge [sflag:s13], $0x80  }
0xb9: {  	[sflag:s13] =	ssyncset.done $0x0  }
0xba: {  	s5 =	sadd.s32 $0x40, s5;
	[sflag:s13] =	ssyncadd.s32 $0xFFFFFF80  }
0xbb: {  	[tilespmem:s14], [sflag:$0x2] =	stream.indirect.gather [hbm4b:s4+s12], $0x80, s6, s12, $0xb8;
	[tilespmem:$0x1C400] =	vst v63  }
.LBB2_7:
0xbc: {  	_ =	sfence.sel $0x180000  }
0xbd: {  	[bflag:$0x0] =	sbarrier.arrive $0xFFFF  }
0xbe: {  	_ =	strace $0x9000004D  }
0xbf: {  	s0 =	stileid.u32;
	[bflag:$0x2] =	sbarrier.arrive $0xFFFF  }
0xc0: {  	p0 =	sne.s32 s0, $0x0;
	s0 =	rddreg [dreg:$0x2]  }
0xc1: {  	s0 =	sadd.s32 @!p0 $0x100000, s0  }
0xc2: {  	[sflag:s0] =	ssyncadd.tile.s32 @!p0 $0x1;
	_ =	shalt  }
.Lfunc_end2:
_tile_overlayer_lowered:
.L_overlay_start_2:
0xc3: {  	(tag) =	ssettag $0x2  }
0xc4: {  	s0 =	rddreg [dreg:$0x0];
	s2 =	stileid.u32  }
0xc5: {  	s1 =	rddreg [dreg:$0x1];
	p0 =	sne.s32 s2, $0x0  }
0xc6: {  	s3 =	rddreg [dreg:$0x2];
	[bflag:$0x3] =	sbarrier.arrive $0xFFFF;
	s2 =	simm.s32 @!p0 $0x1C07  }
0xc7: {  	[timem:s3], [sflag:s2] =	dma.local @!p0 [hbm:s0], s1  }
0xc8: {  	s0 =	simm.s32 @!p0 $0x7  }
0xc9: {  	_ =	swait.ge @!p0 [sflag:s0], s1  }
0xca: {  	s1 =	ssub.s32 @!p0 $0x0, s1;
	[sflag:s0] =	ssyncset.done @!p0 $0x0  }
0xcb: {  	[sflag:s0] =	ssyncadd.s32 @!p0 s1  }
0xcc: {  	[bflag:$0x3] =	sbarrier.arrive $0xFFFF  }
0xcd: {  	_ =	shalt  }

// kernel: kernel.8.cloned.1.call-start
scs
__scs_entry_jumppad:
0x0: {  	(pc) =	sbr.rel $0x88, $3  }
0x1: {  	(tag) =	ssettag $0x0;
	lr =	simm.s32 $0x1  }
0x2: {  	[smem:$0x3F98] =	sst lr;
	_ =	strace $0xD0000000  }
0x3: {  	_ = 	snop  }
0x4: {  	_ = 	snop  }
0x5: {  	_ = 	snop  }
0x6: {  	_ = 	snop  }
0x7: {  	_ = 	snop  }
__scs_overlays_trampoline_lowered:
0x8: {  	[smem:$0x3FA7] =	sst s0  }
0x9: {  	[smem:$0x3FA8] =	sst s1  }
0xa: {  	[smem:$0x3FA9] =	sst s2  }
0xb: {  	[smem:$0x3FAA] =	sst s3  }
0xc: {  	[smem:$0x3FAB] =	sst s4  }
0xd: {  	[smem:$0x3FAC] =	sst s5  }
0xe: {  	[smem:$0x3FAD] =	sst s6  }
0xf: {  	[smem:$0x3FAE] =	sst s7  }
0x10: {  	[smem:$0x3FAF] =	sst s8  }
0x11: {  	[smem:$0x3FB0] =	sst s9;
	s0 =	simm.s32 @!p0 $0x0  }
0x12: {  	s1 =	sld [smem:$0x3F96];
	s0 =	simm.s32 @p0 $0x1  }
0x13: {  	[smem:$0x3FB1] =	sst s0;
	s0 =	simm.s32 @!p1 $0x0  }
0x14: {  	s2 =	sld [smem:$0x3F95];
	s0 =	simm.s32 @p1 $0x1  }
0x15: {  	[smem:$0x3FB2] =	sst s0;
	s0 =	simm.s32 @!p2 $0x0  }
0x16: {  	s3 =	sld [smem:$0x3FDB];
	s0 =	simm.s32 @p2 $0x1  }
0x17: {  	s4 =	simm.s32 $0x1BF5;
	[smem:$0x3FB4] =	sst s0  }
0x18: {  	s0 =	sld [smem:$0x3F97];
	_ =	swait.ge [sflag:s4], $0x0  }
0x19: {  	s7 =	sld [smem:$0x3F98]  }
0x1a: {  	s8 =	sadd.s32 $0xFFFFE003, lr  }
0x1b: {  	s9 =	sadd.s32 $0xFFFFFEF7, lr;
	s5 =	simm.s32 $0xFFFFFFFF;
	p2 =	slt.u32 s8, $0xFFFFF086  }
0x1c: {  	p1 =	slt.u32 s9, $0xF7A;
	s5 =	simm.s32 @!p2 $0x0  }
0x1d: {  	s5 =	simm.s32 @p1 $0x1;
	p0 =	seq.s32 s7, s2  }
0x1e: {  	s7 =	smul.u32 @!p0 $0xF7A, s2;
	p2 =	seq.s32 @!p0 s5, $0x0  }
0x1f: {  	s9 =	smul.u32 $0xF7A, s1;
	s8 =	simm.s32 @!p0 $0x1BF5;
	p2 =	por !p2, p0  }
0x20: {  	[sflag:s8] =	ssyncset.s32 @!p0 $0xFFFFF086;
	s6 =	sadd.s32 @!p0 s3, s7;
	s7 =	simm.s32 @!p0 $0x108  }
0x21: {  	s3 =	sadd.s32 s3, s9;
	s6 =	sadd.s32 @!p0 $0x88, s6;
	s7 =	simm.s32 @p2 $0x1082  }
0x22: {  	[simem:s7], [sflag:s8] =	dma.local @!p0 [hbm:s6], $0xF7A  }
0x23: {  	s9 =	sor.u32 $0xD0000000, s2;
	s6 =	simm.s32 $0x108;
	_ =	swait.ge @!p0 [sflag:s8], $0x0  }
0x24: {  	s3 =	sadd.s32 $0x88, s3;
	s6 =	simm.s32 @!p1 $0x1082;
	[sflag:s4] =	ssyncset.s32 $0xFFFFF086  }
0x25: {  	[simem:s6], [sflag:s4] =	dma.local [hbm:s3], $0xF7A  }
0x26: {  	[smem:$0x3F98] =	sst s1;
	(tag) =	ssettag s2;
	_ =	strace s9  }
0x27: {  	s1 =	sld [smem:$0x3FA8]  }
0x28: {  	s2 =	sld [smem:$0x3FA9]  }
0x29: {  	s4 =	sld [smem:$0x3FAB]  }
0x2a: {  	p0 =	seq.s32 s5, $0x0;
	s5 =	sld [smem:$0x3FAC]  }
0x2b: {  	s6 =	sld [smem:$0x3FAD]  }
0x2c: {  	s7 =	sld [smem:$0x3FAE]  }
0x2d: {  	s3 =	simm.s32 $0x108;
	s8 =	sld [smem:$0x3FAF]  }
0x2e: {  	s3 =	simm.s32 @!p0 $0x1082;
	s9 =	sld [smem:$0x3FB0]  }
0x2f: {  	lr =	sadd.s32 s0, s3;
	s0 =	sld [smem:$0x3FA7]  }
0x30: {  	s3 =	sld [smem:$0x3FAA]  }
0x31: {  	[smem:$0x3FB3] =	sst s10  }
0x32: {  	s10 =	sld [smem:$0x3FB1];
	_ =	sdelay $0x3  }
0x33: {  	p0 =	seq.s32 s10, $0x1;
	s10 =	sld [smem:$0x3FB3];
	_ =	sdelay $0x3  }
0x34: {  	[smem:$0x3FB3] =	sst s10  }
0x35: {  	s10 =	sld [smem:$0x3FB2];
	_ =	sdelay $0x3  }
0x36: {  	p1 =	seq.s32 s10, $0x1;
	s10 =	sld [smem:$0x3FB3];
	_ =	sdelay $0x3  }
0x37: {  	[smem:$0x3FB3] =	sst s10  }
0x38: {  	s10 =	sld [smem:$0x3FB4]  }
0x39: {  	_ = 	snop;
	(pc) =	sbr.ind lr, $3  }
0x3a: {  	_ = 	snop  }
0x3b: {  	_ = 	snop  }
0x3c: {  	p2 =	seq.s32 s10, $0x1;
	s10 =	sld [smem:$0x3FB3]  }
0x3d: {  	_ =	shalt  }
0x3e: {  	_ =	shalt  }
0x3f: {  	_ =	shalt  }
0x40: {  	_ =	shalt  }
0x41: {  	_ =	shalt  }
0x42: {  	_ =	shalt  }
0x43: {  	_ =	shalt  }
0x44: {  	_ =	shalt  }
0x45: {  	_ =	shalt  }
0x46: {  	_ =	shalt  }
0x47: {  	_ =	shalt  }
0x48: {  	_ =	shalt  }
0x49: {  	_ =	shalt  }
0x4a: {  	_ =	shalt  }
0x4b: {  	_ =	shalt  }
0x4c: {  	_ =	shalt  }
0x4d: {  	_ =	shalt  }
0x4e: {  	_ =	shalt  }
0x4f: {  	_ =	shalt  }
0x50: {  	_ =	shalt  }
0x51: {  	_ =	shalt  }
0x52: {  	_ =	shalt  }
0x53: {  	_ =	shalt  }
0x54: {  	_ =	shalt  }
0x55: {  	_ =	shalt  }
0x56: {  	_ =	shalt  }
0x57: {  	_ =	shalt  }
0x58: {  	_ =	shalt  }
0x59: {  	_ =	shalt  }
0x5a: {  	_ =	shalt  }
0x5b: {  	_ =	shalt  }
0x5c: {  	_ =	shalt  }
0x5d: {  	_ =	shalt  }
0x5e: {  	_ =	shalt  }
0x5f: {  	_ =	shalt  }
0x60: {  	_ =	shalt  }
0x61: {  	_ =	shalt  }
0x62: {  	_ =	shalt  }
0x63: {  	_ =	shalt  }
0x64: {  	_ =	shalt  }
0x65: {  	_ =	shalt  }
0x66: {  	_ =	shalt  }
0x67: {  	_ =	shalt  }
0x68: {  	_ =	shalt  }
0x69: {  	_ =	shalt  }
0x6a: {  	_ =	shalt  }
0x6b: {  	_ =	shalt  }
0x6c: {  	_ =	shalt  }
0x6d: {  	_ =	shalt  }
0x6e: {  	_ =	shalt  }
0x6f: {  	_ =	shalt  }
0x70: {  	_ =	shalt  }
0x71: {  	_ =	shalt  }
0x72: {  	_ =	shalt  }
0x73: {  	_ =	shalt  }
0x74: {  	_ =	shalt  }
0x75: {  	_ =	shalt  }
0x76: {  	_ =	shalt  }
0x77: {  	_ =	shalt  }
0x78: {  	_ =	shalt  }
0x79: {  	_ =	shalt  }
0x7a: {  	_ =	shalt  }
0x7b: {  	_ =	shalt  }
0x7c: {  	_ =	shalt  }
0x7d: {  	_ =	shalt  }
0x7e: {  	_ =	shalt  }
0x7f: {  	_ =	shalt  }
0x80: {  	_ =	shalt  }
0x81: {  	_ =	shalt  }
0x82: {  	_ =	shalt  }
0x83: {  	_ =	shalt  }
0x84: {  	_ =	shalt  }
0x85: {  	_ =	shalt  }
0x86: {  	_ =	shalt  }
0x87: {  	_ =	shalt  }
.Lfunc_end0:
.L_simem_size_0:
called_computation_lowered:
.L_overlay_start_0:
0x88: {  	s2 =	sld [smem:$0x3FD9]  }
0x89: {  	s3 =	sld [smem:$0x3FFE];
	_ =	sdelay $0x1  }
0x8a: {  	s1 =	srdreg.scid  }
0x8b: {  	s0 =	sand.u32 $0x1, s1  }
0x8c: {  	s16 =	sshll.u32 s0, $0xA;
	s2 =	sadd.s32 s3, s2  }
0x8d: {  	s2 =	sadd.s32 s2, s16  }
0x8e: {  	[smem:$0x3FBF] =	sst s2  }
0x8f: {  	_ = 	snop  }
0x90: {  	(tm) =	ssettm $0x1  }
0x91: {  	s17 =	sld [smem:$0x3FFB];
	_ =	sdelay $0x3  }
0x92: {  	_ =	strace s17  }
0x93: {  	s2 =	sld [smem:$0x3FFC];
	_ =	sdelay $0x3  }
0x94: {  	_ =	strace s2  }
0x95: {  	s2 =	sld [smem:$0x3FFD];
	_ =	sdelay $0x3  }
0x96: {  	_ =	strace s2  }
0x97: {  	_ =	strace $0x8FFFFFFF  }
0x98: {  	s18 =	sld [smem:$0x3FDB];
	_ =	sdelay $0x1  }
0x99: {  	s19 =	simm.s32 $_scs_section_size  }
0x9a: {  	s4 =	simm.s32 $_size__tile_overlayer_lowered;
	s5 =	simm.s32 $_tile_overlayer_lowered  }
0x9b: {  	s22 =	simm.s32 $0x1BFF;
	s21 =	sshll.u32 s5, $0x1;
	s2 =	sadd.s32 s19, s18  }
0x9c: {  	s6 =	simm.s32 $0x0;
	s20 =	sshll.u32 s4, $0x1;
	s4 =	sadd.s32 s21, s2  }
0x9d: {  	[timem:s6], [sflag:s22] =	dma.local [hbm:s4], s20  }
0x9e: {  	_ =	swait.ge [sflag:s22], s20  }
0x9f: {  	s3 =	ssub.s32 $0x0, s20;
	[sflag:s22] =	ssyncset.done $0x0  }
0xa0: {  	[sflag:s22] =	ssyncadd.s32 s3;
	_ =	sdelay $0x1  }
0xa1: {  	s23 =	simm.s32 $0x1B8B  }
0xa2: {  	_ =	swait.ge [sflag:s23], $0x1  }
0xa3: {  	[sflag:s23] =	ssyncset.done $0x0  }
0xa4: {  	s25 =	simm.s32 $0x1B8E;
	s24 =	sld [smem:$0x3FFE];
	[sflag:s23] =	ssyncadd.s32 $0xFFFFFFFF  }
0xa5: {  	s26 =	simm.s32 $execute0_lowered;
	[smem:$0x3FD2] =	sst s25  }
0xa6: {  	s4 =	sshll.u32 s26, $0x1;
	_ =	strace $0x80000046;
	[dreg:$0x1] =	wrdreg $0xFFFFFFFF  }
0xa7: {  	s28 =	simm.s32 $_size_execute0_lowered;
	s2 =	sadd.s32 s2, s4;
	[dreg:$0x0] =	wrdreg $0x0  }
0xa8: {  	s4 =	sshll.u32 s28, $0x1;
	[dreg:$0x2] =	wrdreg s2  }
0xa9: {  	[dreg:$0x3] =	wrdreg s4  }
0xaa: {  	[dreg:$0x4] =	wrdreg $0xC0  }
0xab: {  	_ =	task [dreg:s6], $0x5FFFF  }
0xac: {  	[dreg:$0x1] =	wrdreg $0xFFFFFFFF  }
0xad: {  	[dreg:$0x0] =	wrdreg $0x60  }
0xae: {  	[dreg:$0x2] =	wrdreg s24  }
0xaf: {  	[dreg:$0x3] =	wrdreg $0x0  }
0xb0: {  	[dreg:$0x4] =	wrdreg $0x9  }
0xb1: {  	_ =	task.clear_ibuf [dreg:s6], $0x5FFFF;
	_ =	strace $0x90000046  }
0xb2: {  	s29 =	simm.s32 $0x9;
	_ =	strace $0x80000048  }
0xb3: {  	_ =	swait.ge [sflag:s29], $0x1  }
0xb4: {  	[sflag:s29] =	ssyncadd.s32 $0xFFFFFFFF  }
0xb5: {  	_ =	strace $0x90000048  }
0xb6: {  	_ =	sfence  }
0xb7: {  	s30 =	sld [smem:$0x0];
	_ =	sdelay $0x2  }
0xb8: {  	s31 =	sshll.u32 s1, $0xD;
	s1 =	sshrl.u32 s1, $0x2  }
0xb9: {  	s3 =	sand.u32 $0x4000, s31;
	s1 =	sadd.s32 s1, s30  }
0xba: {  	s0 =	sor.u32 s3, s0;
	s1 =	sshll.u32 s1, $0x11  }
0xbb: {  	s0 =	sor.u32 s1, s0  }
0xbc: {  	s0 =	sadd.s32 $0x8F2B, s0  }
0xbd: {  	[sflag:s0] =	ssyncadd.remote.s32 $0x1  }
0xbe: {  	_ =	sfence.sel $0xFFFF  }
0xbf: {  	[dreg:$0x0] =	wrdreg $0xFFFFFFFF;
	(pc) =	sbr.abs _section_cstart, $3  }
0xc0: {  	[dreg:$0x1] =	wrdreg $0xFFFFFFFF  }
0xc1: {  	_ =	task.clear_ibuf [dreg:s6], $0x2FFFF;
	_ =	strace $0x9FFFFFFF  }
0xc2: {  	(tm) =	ssettm $0x7FFFFFFF  }
0xc3: {  	_ =	shalt  }
tec
execute0_lowered:
.L_overlay_start_1:
0x0: {  	(tag) =	ssettag $0x1  }
0x1: {  	s0 =	rddreg [dreg:$0x0]  }
0x2: {  	s1 =	rddreg [dreg:$0x1];
	s2 =	srdreg.scid;
	s3 =	simm.s32 $0x0  }
0x3: {  	s25 =	stileid.u32;
	s20 =	simm.s32 $0x6800;
	s22 =	simm.s32 $0x6900  }
0x4: {  	s23 =	simm.s32 $0x6980;
	s28 =	simm.s32 $0x3;
	s29 =	simm.s32 $0x4  }
0x5: {  	s30 =	simm.s32 $0x0;
	s4 =	sand.u32 $0x1, s2;
	s26 =	smul.u32 $0x50000, s25  }
0x6: {  	[smem:$0x7FF] =	sst s3;
	s17 =	sadd.s32 $0x3000, s0;
	s24 =	smul.u32 $0x2800, s25  }
0x7: {  	s5 =	sshll.u32 s4, $0x4;
	s9 =	smul.u32 $0x28000, s4;
	s6 =	ssub.s32 $0x2, s4  }
0x8: {  	_ =	strace $0x80000047;
	s5 =	sor.u32 s25, s5;
	s7 =	sshrl.u32 s6, $0x1  }
0x9: {  	s8 =	sshrl.u32 s26, $0x2;
	s25 =	simm.s32 $0x1;
	s26 =	simm.s32 $0x80  }
0xa: {  	s5 =	smul.u32 $0x2800, s5;
	s0 =	sadd.s32 s9, s0;
	s10 =	ssub.s32 s6, s7  }
0xb: {  	s15 =	sadd.s32 s24, s9;
	s0 =	sadd.s32 $0x17000, s0;
	s9 =	smax.u32 s10, $0x1  }
0xc: {  	s12 =	sor.u32 $0x380, s15;
	s16 =	sor.u32 $0x300, s15;
	s18 =	sor.u32 $0x280, s15  }
0xd: {  	s15 =	sor.u32 $0x200, s15;
	s5 =	sshrl.u32 s5, $0x3;
	s14 =	sshrl.u32 s12, $0x3  }
0xe: {  	s16 =	sshrl.u32 s16, $0x3;
	s18 =	sshrl.u32 s18, $0x3;
	s19 =	sshrl.u32 s15, $0x3  }
0xf: {  	s24 =	sadd.s32 s24, s0;
	s4 =	sadd.s32 s17, s5;
	s5 =	sadd.s32 s8, s1  }
.Ltmp0:
0x10: {  	s14 =	sadd.s32 s14, s17;
	s15 =	sadd.s32 s16, s17;
	(pc) =	sbr.rel .LBB2_1-.Ltmp0, $4  }
0x11: {  	s16 =	sadd.s32 s18, s17;
	s17 =	sadd.s32 s19, s17;
	s18 =	simm.s32 $0x2800  }
0x12: {  	s19 =	simm.s32 $0x5;
	s31 =	sadd.s32 $0x10, s4;
	s7 =	sadd.s32 $0x20, s4  }
0x13: {  	s8 =	sadd.s32 $0x30, s4;
	s10 =	sadd.s32 $0x4000, s5;
	s11 =	sadd.s32 $0x8000, s5  }
0x14: {  	v0 =	vimm.f32 $0.0e+00;
	v1 =	vimm.f32 $1.000000000e+00;
	s12 =	sadd.s32 $0xC000, s5;
	s13 =	sadd.s32 $0x10000, s5;
	[dreg:$0x3] =	wrdreg s31  }
.LBB2_8:
0x15: {  	_ =	swait.ge [sflag:s29], $0x80  }
0x16: {  	[sflag:s29] =	ssyncset.done $0x0  }
0x17: {  	[sflag:s29] =	ssyncadd.s32 $0xFFFFFF80  }
0x18: {  	[spmem:s1] =	stream.indirect.scatter.add.f32 [tilespmem:s18], [sflag:$0x5], $0x10, s23, s26, $0xb8;
	[tilespmem:$0x6A00] =	vst v63  }
0x19: {  	s0 =	stileid.u32;
	_ =	swait.ge [sflag:s19], $0x800  }
0x1a: {  	s2 =	sshrl.u32 s5, $0x3;
	s30 =	sadd.s32 $0x1, s30;
	[sflag:s19] =	ssyncset.done $0x0  }
0x1b: {  	s0 =	sshll.u32 s0, $0x6;
	p0 =	sne.s32 s30, s9;
	[sflag:s19] =	ssyncadd.s32 $0xFFFFF800  }
.Ltmp1:
0x1c: {  	s0 =	sor.u32 $0x1C05, s0;
	[bflag:$0x0] =	sbarrier.arrive $0xFFFF;
	(pc) =	sbr.rel @!p0 .LBB2_9-.Ltmp1, $4  }
0x1d: {  	[hbm:s24], [sflag:s0] =	dma.local [spmem:s2], $0x2800  }
0x1e: {  	_ =	swait.ge [sflag:s19], $0x2800  }
0x1f: {  	[sflag:s19] =	ssyncset.done $0x0  }
0x20: {  	[sflag:s19] =	ssyncadd.s32 $0xFFFFD800  }
.LBB2_1:
0x21: {  	s31 =	simm.s32 $0x200;
	s0 =	simm.s32 $0x0  }
.LBB2_2:
0x22: {  	p0 =	sne.s32 s31, $0xFE00;
	[tilespmem:s0+$0x2800] =	vst v0;
	s0 =	smov.u32 s31;
	s31 =	sadd.s32 $0x200, s31  }
.Ltmp2:
0x23: {  	(pc) =	sbr.rel @p0 .LBB2_2-.Ltmp2, $2  }
0x24: {  	_ =	sdelay $0x2  }
0x25: {  	s0 =	sshra.s32 s0, $0x2  }
0x26: {  	[tilespmem:s0+$0x2800] =	vst v0  }
0x27: {  	[spmem:s5] =	stream.linear.scatter [tilespmem:s18], [sflag:$0x5], $0x4000, $0x38;
	[tilespmem:$0x6A00] =	vst v63  }
0x28: {  	_ =	swait.ge [sflag:s19], $0x4000  }
0x29: {  	[sflag:s19] =	ssyncset.done $0x0  }
0x2a: {  	[sflag:s19] =	ssyncadd.s32 $0xFFFFC000  }
0x2b: {  	[spmem:s10] =	stream.linear.scatter [tilespmem:s18], [sflag:$0x5], $0x4000, $0x38;
	[tilespmem:$0x6A00] =	vst v63  }
0x2c: {  	_ =	swait.ge [sflag:s19], $0x4000  }
0x2d: {  	[sflag:s19] =	ssyncset.done $0x0  }
0x2e: {  	[sflag:s19] =	ssyncadd.s32 $0xFFFFC000  }
0x2f: {  	[spmem:s11] =	stream.linear.scatter [tilespmem:s18], [sflag:$0x5], $0x4000, $0x38;
	[tilespmem:$0x6A00] =	vst v63  }
0x30: {  	_ =	swait.ge [sflag:s19], $0x4000  }
0x31: {  	[sflag:s19] =	ssyncset.done $0x0  }
0x32: {  	[sflag:s19] =	ssyncadd.s32 $0xFFFFC000  }
0x33: {  	[spmem:s12] =	stream.linear.scatter [tilespmem:s18], [sflag:$0x5], $0x4000, $0x38;
	[tilespmem:$0x6A00] =	vst v63  }
0x34: {  	_ =	swait.ge [sflag:s19], $0x4000  }
0x35: {  	[sflag:s19] =	ssyncset.done $0x0  }
0x36: {  	[sflag:s19] =	ssyncadd.s32 $0xFFFFC000  }
0x37: {  	[spmem:s13] =	stream.linear.scatter [tilespmem:s18], [sflag:$0x5], $0x4000, $0x38;
	[tilespmem:$0x6A00] =	vst v63  }
0x38: {  	_ =	swait.ge [sflag:s19], $0x4000  }
0x39: {  	[sflag:s19] =	ssyncset.done $0x0  }
0x3a: {  	s31 =	simm.s32 $0x200;
	s0 =	simm.s32 $0x0;
	[sflag:s19] =	ssyncadd.s32 $0xFFFFC000  }
.LBB2_4:
0x3b: {  	p0 =	sne.s32 s31, $0xFE00;
	[tilespmem:s0+$0x2800] =	vst v1;
	s0 =	smov.u32 s31;
	s31 =	sadd.s32 $0x200, s31  }
.Ltmp3:
0x3c: {  	(pc) =	sbr.rel @p0 .LBB2_4-.Ltmp3, $2  }
0x3d: {  	_ =	sdelay $0x2  }
0x3e: {  	s0 =	sshra.s32 s0, $0x2  }
0x3f: {  	[tilespmem:s0+$0x2800] =	vst v1  }
0x40: {  	s31 =	simm.s32 $0x0;
	[bflag:$0x0] =	sbarrier.arrive $0xFFFF  }
0x41: {  	[tilespmem:s20], [sflag:$0x1] =	stream.linear.gather [hbm4b:s4+s31], $0x80, $0x38;
	[tilespmem:$0x6A00] =	vst v63  }
0x42: {  	s2 =	simm.s32 $0x6880;
	s21 =	rddreg [dreg:$0x3]  }
0x43: {  	[tilespmem:s2], [sflag:$0x2] =	stream.linear.gather [hbm4b:s21+s31], $0x80, $0x38;
	[tilespmem:$0x6A00] =	vst v63  }
0x44: {  	_ = 	snop  }
0x45: {  	[tilespmem:s22], [sflag:$0x3] =	stream.linear.gather [hbm4b:s7+s31], $0x80, $0x38;
	[tilespmem:$0x6A00] =	vst v63  }
0x46: {  	_ = 	snop  }
0x47: {  	[tilespmem:s23], [sflag:$0x4] =	stream.linear.gather [hbm4b:s8+s31], $0x80, $0x38;
	[tilespmem:$0x6A00] =	vst v63  }
.LBB2_6:
0x48: {  	_ =	swait.ge [sflag:s25], $0x80  }
0x49: {  	[sflag:s25] =	ssyncset.done $0x0  }
0x4a: {  	[sflag:s25] =	ssyncadd.s32 $0xFFFFFF80  }
0x4b: {  	[spmem:s1] =	stream.indirect.scatter.add.f32 [tilespmem:s18], [sflag:$0x5], $0x10, s20, s26, $0xb8;
	[tilespmem:$0x6A00] =	vst v63  }
0x4c: {  	_ =	swait.ge [sflag:s19], $0x800  }
0x4d: {  	p0 =	seq.s32 s31, $0x4C0;
	[sflag:s19] =	ssyncset.done $0x0  }
0x4e: {  	s0 =	simm.s32 @p0 $0x2;
	[sflag:s19] =	ssyncadd.s32 $0xFFFFF800  }
0x4f: {  	_ =	swait.ge @p0 [sflag:s0], $0x80  }
0x50: {  	s2 =	simm.s32 @p0 $0x6880;
	[sflag:s0] =	ssyncset.done @p0 $0x0  }
0x51: {  	s21 =	simm.s32 @p0 $0x2800;
	[sflag:s0] =	ssyncadd.s32 @p0 $0xFFFFFF80;
	s0 =	simm.s32 @p0 $0x80  }
0x52: {  	[spmem:s1] =	stream.indirect.scatter.add.f32 @p0 [tilespmem:s21], [sflag:$0x5], $0x10, s2, s0, $0xb8;
	[tilespmem:$0x6A00] =	vst v63  }
0x53: {  	s0 =	simm.s32 @p0 $0x5  }
0x54: {  	_ =	swait.ge @p0 [sflag:s0], $0x800  }
0x55: {  	s2 =	simm.s32 @!p0 $0x0;
	[sflag:s0] =	ssyncset.done @p0 $0x0  }
0x56: {  	s21 =	simm.s32 @!p0 $0x6800;
	[sflag:s0] =	ssyncadd.s32 @p0 $0xFFFFF800;
	s0 =	sadd.s32 @!p0 s31, s17  }
0x57: {  	[tilespmem:s21], [sflag:$0x1] =	stream.linear.gather @!p0 [hbm4b:s0+s2], $0x80, $0x38;
	[tilespmem:$0x6A00] =	vst v63  }
0x58: {  	s0 =	simm.s32 @!p0 $0x2  }
0x59: {  	_ =	swait.ge @!p0 [sflag:s0], $0x80  }
0x5a: {  	s6 =	simm.s32 @!p0 $0x2800;
	[sflag:s0] =	ssyncset.done @!p0 $0x0  }
0x5b: {  	s21 =	simm.s32 @!p0 $0x6880;
	[sflag:s0] =	ssyncadd.s32 @!p0 $0xFFFFFF80;
	s0 =	simm.s32 @!p0 $0x80  }
0x5c: {  	[spmem:s1] =	stream.indirect.scatter.add.f32 @!p0 [tilespmem:s6], [sflag:$0x5], $0x10, s21, s0, $0xb8;
	[tilespmem:$0x6A00] =	vst v63  }
0x5d: {  	s0 =	simm.s32 @!p0 $0x5  }
0x5e: {  	_ =	swait.ge @!p0 [sflag:s0], $0x800  }
0x5f: {  	[sflag:s0] =	ssyncset.done @!p0 $0x0  }
0x60: {  	[sflag:s0] =	ssyncadd.s32 @!p0 $0xFFFFF800;
	s0 =	sadd.s32 @!p0 s31, s16  }
0x61: {  	[tilespmem:s21], [sflag:$0x2] =	stream.linear.gather @!p0 [hbm4b:s0+s2], $0x80, $0x38;
	[tilespmem:$0x6A00] =	vst v63  }
0x62: {  	_ =	swait.ge [sflag:s28], $0x80  }
0x63: {  	[sflag:s28] =	ssyncset.done $0x0  }
.Ltmp4:
0x64: {  	[sflag:s28] =	ssyncadd.s32 $0xFFFFFF80;
	(pc) =	sbr.rel @p0 .LBB2_8-.Ltmp4, $4  }
0x65: {  	[spmem:s1] =	stream.indirect.scatter.add.f32 [tilespmem:s18], [sflag:$0x5], $0x10, s22, s26, $0xb8;
	[tilespmem:$0x6A00] =	vst v63  }
0x66: {  	_ =	swait.ge [sflag:s19], $0x800  }
0x67: {  	[sflag:s19] =	ssyncset.done $0x0  }
0x68: {  	[sflag:s19] =	ssyncadd.s32 $0xFFFFF800  }
0x69: {  	s0 =	sadd.s32 s31, s15  }
0x6a: {  	[tilespmem:s22], [sflag:$0x3] =	stream.linear.gather [hbm4b:s0+s3], $0x80, $0x38;
	[tilespmem:$0x6A00] =	vst v63  }
0x6b: {  	_ =	swait.ge [sflag:s29], $0x80  }
0x6c: {  	[sflag:s29] =	ssyncset.done $0x0  }
0x6d: {  	[sflag:s29] =	ssyncadd.s32 $0xFFFFFF80  }
0x6e: {  	[spmem:s1] =	stream.indirect.scatter.add.f32 [tilespmem:s18], [sflag:$0x5], $0x10, s23, s26, $0xb8;
	[tilespmem:$0x6A00] =	vst v63  }
.Ltmp5:
0x6f: {  	_ = 	snop;
	(pc) =	sbr.rel .LBB2_6-.Ltmp5, $4  }
0x70: {  	_ =	swait.ge [sflag:s19], $0x800  }
0x71: {  	[sflag:s19] =	ssyncset.done $0x0  }
0x72: {  	s21 =	sadd.s32 s31, s14;
	s31 =	sadd.s32 $0x40, s31;
	[sflag:s19] =	ssyncadd.s32 $0xFFFFF800  }
0x73: {  	[tilespmem:s23], [sflag:$0x4] =	stream.linear.gather [hbm4b:s21+s3], $0x80, $0x38;
	[tilespmem:$0x6A00] =	vst v63  }
.LBB2_9:
0x74: {  	_ =	sfence.sel $0x180000  }
0x75: {  	[bflag:$0x0] =	sbarrier.arrive $0xFFFF  }
0x76: {  	_ =	strace $0x90000047  }
0x77: {  	s0 =	stileid.u32;
	[bflag:$0x2] =	sbarrier.arrive $0xFFFF  }
0x78: {  	p0 =	sne.s32 s0, $0x0;
	s0 =	rddreg [dreg:$0x2]  }
0x79: {  	s0 =	sadd.s32 @!p0 $0x100000, s0  }
0x7a: {  	[sflag:s0] =	ssyncadd.tile.s32 @!p0 $0x1;
	_ =	shalt  }
.Lfunc_end2:
_tile_overlayer_lowered:
.L_overlay_start_2:
0x7b: {  	(tag) =	ssettag $0x2  }
0x7c: {  	s0 =	rddreg [dreg:$0x0];
	s2 =	stileid.u32  }
0x7d: {  	s1 =	rddreg [dreg:$0x1];
	p0 =	sne.s32 s2, $0x0  }
0x7e: {  	s3 =	rddreg [dreg:$0x2];
	[bflag:$0x3] =	sbarrier.arrive $0xFFFF;
	s2 =	simm.s32 @!p0 $0x1C05  }
0x7f: {  	[timem:s3], [sflag:s2] =	dma.local @!p0 [hbm:s0], s1  }
0x80: {  	s0 =	simm.s32 @!p0 $0x5  }
0x81: {  	_ =	swait.ge @!p0 [sflag:s0], s1  }
0x82: {  	s1 =	ssub.s32 @!p0 $0x0, s1;
	[sflag:s0] =	ssyncset.done @!p0 $0x0  }
0x83: {  	[sflag:s0] =	ssyncadd.s32 @!p0 s1  }
0x84: {  	[bflag:$0x3] =	sbarrier.arrive $0xFFFF  }
0x85: {  	_ =	shalt  }

</sc_bundles>
